<compile_context>
chip_gen: v7x
topology: tpu7x:2x2x1
jax: 0.10.2.dev20260603
libtpu: 0.0.44.dev20260713+nightly
codegen_flags: <defaults>
</compile_context>

<pallas_src>
import functools

import jax
import jax.numpy as jnp
from jax import lax
from jax.experimental import pallas as pl
from jax.experimental.pallas import tpu as pltpu
from jax.experimental.pallas import tpu_sc as plsc

NC = 2
NS = 16
NW = NC * NS
LANES = 16
K = 128
BLK = 512


def _build_sc_deg(Np, C):
  stripe = Np // NS

  @functools.partial(
      pl.kernel,
      out_type=jax.ShapeDtypeStruct((NC, Np), jnp.float32),
      mesh=plsc.VectorSubcoreMesh(core_axis_name="c", subcore_axis_name="s"),
      scratch_types=[
          pltpu.VMEM((C, K), jnp.int32),
          pltpu.VMEM((K,), jnp.float32),
          pltpu.VMEM((stripe,), jnp.float32),
          pltpu.VMEM_SHARED((Np,), jnp.float32),
      ],
  )
  def deg_kernel(dst_hbm, out_hbm, dst_v, ones_v, zero_v, acc_sh):
    c = lax.axis_index("c")
    s = lax.axis_index("s")
    wid = s * NC + c
    for i in range(K // LANES):
      ones_v[pl.ds(i * LANES, LANES)] = jnp.ones((LANES,), jnp.float32)
    for i in range(stripe // LANES):
      zero_v[pl.ds(i * LANES, LANES)] = jnp.zeros((LANES,), jnp.float32)
    pltpu.sync_copy(zero_v, acc_sh.at[pl.ds(s * stripe, stripe)])
    pltpu.sync_copy(dst_hbm.at[wid], dst_v)
    plsc.subcore_barrier()

    def body(j, carry):
      pltpu.sync_copy(ones_v, acc_sh.at[dst_v.at[j]], add=True)
      return carry

    lax.fori_loop(0, C, body, 0)
    plsc.subcore_barrier()
    pltpu.sync_copy(acc_sh.at[pl.ds(s * stripe, stripe)],
                    out_hbm.at[c, pl.ds(s * stripe, stripe)])

  return deg_kernel


def _build_sc_msg(Np, H, C):
  stripe = Np // NS

  @functools.partial(
      pl.kernel,
      out_type=jax.ShapeDtypeStruct((NC, Np, H), jnp.float32),
      mesh=plsc.VectorSubcoreMesh(core_axis_name="c", subcore_axis_name="s"),
      scratch_types=[
          pltpu.VMEM((2, K), jnp.int32),
          pltpu.VMEM((2, K), jnp.int32),
          pltpu.VMEM((2, K), jnp.int32),
          pltpu.VMEM((2, K), jnp.int32),
          pltpu.VMEM((K, H), jnp.float32),
          pltpu.VMEM((K, H), jnp.float32),
          pltpu.VMEM_SHARED((Np, H), jnp.float32),
          pltpu.SemaphoreType.DMA,
          pltpu.SemaphoreType.DMA,
          pltpu.SemaphoreType.DMA,
          pltpu.SemaphoreType.DMA,
      ],
  )
  def msg_kernel(y_hbm, src_hbm, dst_hbm, out_hbm, sA, dA, sB, dB, rows0,
                 rows1, acc_sh, g0, g1, iA, iB):
    c = lax.axis_index("c")
    s = lax.axis_index("s")
    wid = s * NC + c
    pltpu.sync_copy(y_hbm.at[pl.ds(s * stripe, stripe)],
                    acc_sh.at[pl.ds(s * stripe, stripe)])
    pltpu.sync_copy(src_hbm.at[wid, pl.ds(0, 2)], sA)
    pltpu.sync_copy(dst_hbm.at[wid, pl.ds(0, 2)], dA)
    pltpu.async_copy(src_hbm.at[wid, pl.ds(2, 2)], sB, iB)
    pltpu.async_copy(dst_hbm.at[wid, pl.ds(2, 2)], dB, iB)
    plsc.subcore_barrier()
    pltpu.async_copy(y_hbm.at[sA.at[0]], rows0, g0)

    U = C // 4

    def body(u, carry):
      b = 4 * u
      more = u + 1 < U
      pltpu.make_async_copy(y_hbm.at[sA.at[0]], rows0, g0).wait()
      pltpu.async_copy(y_hbm.at[sA.at[1]], rows1, g1)
      pltpu.sync_copy(rows0, acc_sh.at[dA.at[0]], add=True)
      pltpu.make_async_copy(y_hbm.at[sA.at[1]], rows1, g1).wait()
      pltpu.make_async_copy(src_hbm.at[wid, pl.ds(2, 2)], sB, iB).wait()
      pltpu.make_async_copy(dst_hbm.at[wid, pl.ds(2, 2)], dB, iB).wait()
      pltpu.async_copy(y_hbm.at[sB.at[0]], rows0, g0)
      pltpu.sync_copy(rows1, acc_sh.at[dA.at[1]], add=True)

      @pl.when(more)
      def _():
        pltpu.async_copy(src_hbm.at[wid, pl.ds(b + 4, 2)], sA, iA)
        pltpu.async_copy(dst_hbm.at[wid, pl.ds(b + 4, 2)], dA, iA)

      pltpu.make_async_copy(y_hbm.at[sB.at[0]], rows0, g0).wait()
      pltpu.async_copy(y_hbm.at[sB.at[1]], rows1, g1)
      pltpu.sync_copy(rows0, acc_sh.at[dB.at[0]], add=True)

      @pl.when(more)
      def _():
        pltpu.make_async_copy(src_hbm.at[wid, pl.ds(b + 4, 2)], sA, iA).wait()
        pltpu.make_async_copy(dst_hbm.at[wid, pl.ds(b + 4, 2)], dA, iA).wait()

      pltpu.make_async_copy(y_hbm.at[sB.at[1]], rows1, g1).wait()

      @pl.when(more)
      def _():
        pltpu.async_copy(y_hbm.at[sA.at[0]], rows0, g0)

      pltpu.sync_copy(rows1, acc_sh.at[dB.at[1]], add=True)

      @pl.when(more)
      def _():
        pltpu.async_copy(src_hbm.at[wid, pl.ds(b + 6, 2)], sB, iB)
        pltpu.async_copy(dst_hbm.at[wid, pl.ds(b + 6, 2)], dB, iB)

      return carry

    lax.fori_loop(0, U, body, 0)
    plsc.subcore_barrier()
    pltpu.sync_copy(acc_sh.at[pl.ds(s * stripe, stripe)],
                    out_hbm.at[c, pl.ds(s * stripe, stripe)])

  return msg_kernel


def _tc1(d0, d1, x, W1, Np, D, H):
  def body(d0_ref, d1_ref, x_ref, w_ref, dinv_ref, y_ref):
    deg = d0_ref[...] + d1_ref[...] + 1.0
    dinv = lax.rsqrt(deg)
    dinv_ref[...] = dinv
    y_ref[...] = jnp.dot(x_ref[...], w_ref[...],
                         preferred_element_type=jnp.float32) * dinv

  return pl.pallas_call(
      body,
      grid=(Np // BLK,),
      in_specs=[
          pl.BlockSpec((BLK, 1), lambda i: (i, 0)),
          pl.BlockSpec((BLK, 1), lambda i: (i, 0)),
          pl.BlockSpec((BLK, D), lambda i: (i, 0)),
          pl.BlockSpec((D, H), lambda i: (0, 0)),
      ],
      out_specs=[
          pl.BlockSpec((BLK, 1), lambda i: (i, 0)),
          pl.BlockSpec((BLK, H), lambda i: (i, 0)),
      ],
      out_shape=[
          jax.ShapeDtypeStruct((Np, 1), jnp.float32),
          jax.ShapeDtypeStruct((Np, H), jnp.float32),
      ],
  )(d0, d1, x, W1)


def _tc2(dinv, p0, p1, y1, b1, W2, Np, H):
  def body(dinv_ref, p0_ref, p1_ref, y1_ref, b1_ref, w_ref, y2_ref):
    dinv = dinv_ref[...]
    h = jnp.maximum(
        dinv * (p0_ref[...] + p1_ref[...] - y1_ref[...]) + b1_ref[...], 0.0)
    y2_ref[...] = jnp.dot(h, w_ref[...],
                          preferred_element_type=jnp.float32) * dinv

  return pl.pallas_call(
      body,
      grid=(Np // BLK,),
      in_specs=[
          pl.BlockSpec((BLK, 1), lambda i: (i, 0)),
          pl.BlockSpec((BLK, H), lambda i: (i, 0)),
          pl.BlockSpec((BLK, H), lambda i: (i, 0)),
          pl.BlockSpec((BLK, H), lambda i: (i, 0)),
          pl.BlockSpec((1, H), lambda i: (0, 0)),
          pl.BlockSpec((H, H), lambda i: (0, 0)),
      ],
      out_specs=pl.BlockSpec((BLK, H), lambda i: (i, 0)),
      out_shape=jax.ShapeDtypeStruct((Np, H), jnp.float32),
  )(dinv, p0, p1, y1, b1, W2)


def _tc3(dinv, q0, q1, y2, b2, Wih_T, bias, fcW_T, fcb, Np, H, OUT):
  def body(dinv_ref, q0_ref, q1_ref, y2_ref, b2_ref, wih_ref, bias_ref,
           fcw_ref, fcb_ref, out_ref):
    dinv = dinv_ref[...]
    h = jnp.maximum(
        dinv * (q0_ref[...] + q1_ref[...] - y2_ref[...]) + b2_ref[...], 0.0)
    g = jnp.dot(h, wih_ref[...], preferred_element_type=jnp.float32) \
        + bias_ref[...]
    gi = g[:, :H]
    gg = g[:, 2 * H:3 * H]
    go = g[:, 3 * H:]
    cell = jax.nn.sigmoid(gi) * jnp.tanh(gg)
    hh = jax.nn.sigmoid(go) * jnp.tanh(cell)
    out_ref[...] = jnp.dot(hh, fcw_ref[...],
                           preferred_element_type=jnp.float32) + fcb_ref[...]

  return pl.pallas_call(
      body,
      grid=(Np // BLK,),
      in_specs=[
          pl.BlockSpec((BLK, 1), lambda i: (i, 0)),
          pl.BlockSpec((BLK, H), lambda i: (i, 0)),
          pl.BlockSpec((BLK, H), lambda i: (i, 0)),
          pl.BlockSpec((BLK, H), lambda i: (i, 0)),
          pl.BlockSpec((1, H), lambda i: (0, 0)),
          pl.BlockSpec((H, 4 * H), lambda i: (0, 0)),
          pl.BlockSpec((1, 4 * H), lambda i: (0, 0)),
          pl.BlockSpec((H, OUT), lambda i: (0, 0)),
          pl.BlockSpec((1, OUT), lambda i: (0, 0)),
      ],
      out_specs=pl.BlockSpec((BLK, OUT), lambda i: (i, 0)),
      out_shape=jax.ShapeDtypeStruct((Np, OUT), jnp.float32),
  )(dinv, q0, q1, y2, b2, Wih_T, bias, fcW_T, fcb)


def kernel(x, edge_index, W1, b1, W2, b2, W_ih, W_hh, b_ih, b_hh, fc_W, fc_b):
  N, D = x.shape
  H = W1.shape[1]
  OUT = fc_W.shape[0]
  E = edge_index.shape[1]

  Np = ((N + BLK - 1) // BLK) * BLK
  EW = NW * K
  C = (E + EW - 1) // EW
  C = ((C + 3) // 4) * 4
  Ep = C * EW

  x_p = jnp.zeros((Np, D), jnp.float32).at[:N].set(x)
  fill = jnp.full((Ep - E,), N, jnp.int32)
  src_r = jnp.concatenate([edge_index[0].astype(jnp.int32), fill]) \
      .reshape(NW, C, K)
  dst_r = jnp.concatenate([edge_index[1].astype(jnp.int32), fill]) \
      .reshape(NW, C, K)

  sc_deg = _build_sc_deg(Np, C)
  sc_msg = _build_sc_msg(Np, H, C)

  deg = sc_deg(dst_r)
  d0 = deg[0].reshape(Np, 1)
  d1 = deg[1].reshape(Np, 1)

  dinv, y1 = _tc1(d0, d1, x_p, W1, Np, D, H)

  p = sc_msg(y1, src_r, dst_r)
  y2 = _tc2(dinv, p[0], p[1], y1, b1.reshape(1, H), W2, Np, H)

  q = sc_msg(y2, src_r, dst_r)
  out = _tc3(dinv, q[0], q[1], y2, b2.reshape(1, H), W_ih.T,
             (b_ih + b_hh).reshape(1, 4 * H), fc_W.T, fc_b.reshape(1, OUT),
             Np, H, OUT)
  return out[:N]

# --- scband reference (transcript-rebuilt; emitter-appended) ---
"""Pipeline reference for scband-gnnlstm-63522566308234 (READ-ONLY COPY).

The authoritative reference and input builder live on the scoring server;
editing this copy changes nothing except your own understanding.
"""

import jax, jax.numpy as jnp
import numpy as np

N = 10000
E = 320000
D_IN = 128
H = 128
OUT = 128


def setup_inputs(seed: int = 0) -> dict:
    key = jax.random.key(seed)
    ks = jax.random.split(key, 14)
    x = jax.random.normal(ks[0], (N, D_IN), dtype=jnp.float32)
    edge_index = jax.random.randint(ks[1], (2, E), 0, N, dtype=jnp.int32)
    s1 = 1.0 / np.sqrt(D_IN)
    W1 = jax.random.uniform(ks[2], (D_IN, H), minval=-s1, maxval=s1, dtype=jnp.float32)
    b1 = jax.random.uniform(ks[3], (H,), minval=-s1, maxval=s1, dtype=jnp.float32)
    s2 = 1.0 / np.sqrt(H)
    W2 = jax.random.uniform(ks[4], (H, H), minval=-s2, maxval=s2, dtype=jnp.float32)
    b2 = jax.random.uniform(ks[5], (H,), minval=-s2, maxval=s2, dtype=jnp.float32)
    sl = 1.0 / np.sqrt(H)
    W_ih = jax.random.uniform(ks[6], (4 * H, H), minval=-sl, maxval=sl, dtype=jnp.float32)
    W_hh = jax.random.uniform(ks[7], (4 * H, H), minval=-sl, maxval=sl, dtype=jnp.float32)
    b_ih = jax.random.uniform(ks[8], (4 * H,), minval=-sl, maxval=sl, dtype=jnp.float32)
    b_hh = jax.random.uniform(ks[9], (4 * H,), minval=-sl, maxval=sl, dtype=jnp.float32)
    fc_W = jax.random.uniform(ks[10], (OUT, H), minval=-sl, maxval=sl, dtype=jnp.float32)
    fc_b = jax.random.uniform(ks[11], (OUT,), minval=-sl, maxval=sl, dtype=jnp.float32)
    return {"x": x, "edge_index": edge_index, "W1": W1, "b1": b1, "W2": W2, "b2": b2,
            "W_ih": W_ih, "W_hh": W_hh, "b_ih": b_ih, "b_hh": b_hh, "fc_W": fc_W, "fc_b": fc_b}


def _gcn_conv(x, src, dst, W, b):
    # PyG GCNConv: x' = D^{-1/2} (A + I) D^{-1/2} (x W) + b, self-loops already in src/dst
    xw = x @ W
    deg = jnp.zeros((N,), dtype=x.dtype).at[dst].add(1.0)
    dinv = jnp.where(deg > 0, jax.lax.rsqrt(jnp.maximum(deg, 1e-12)), 0.0)
    norm = dinv[src] * dinv[dst]
    msg = jnp.take(xw, src, axis=0) * norm[:, None]
    agg = jax.ops.segment_sum(msg, dst, num_segments=N)
    return agg + b


def reference(x, edge_index, W1, b1, W2, b2, W_ih, W_hh, b_ih, b_hh, fc_W, fc_b):
    loops = jnp.arange(N, dtype=edge_index.dtype)
    src = jnp.concatenate([edge_index[0], loops])
    dst = jnp.concatenate([edge_index[1], loops])
    h = jax.nn.relu(_gcn_conv(x, src, dst, W1, b1))
    h = jax.nn.relu(_gcn_conv(h, src, dst, W2, b2))
    # LSTM, one step per node (seq_len=1, h0=c0=0), torch gate order i,f,g,o
    gates = h @ W_ih.T + b_ih + b_hh
    i, f, g, o = jnp.split(gates, 4, axis=1)
    c = jax.nn.sigmoid(i) * jnp.tanh(g)
    hh = jax.nn.sigmoid(o) * jnp.tanh(c)
    out = hh @ fc_W.T + fc_b
    return out

if __name__ == "__main__":
    import jax
    _d = setup_inputs()
    print(jax.jit(kernel)(*tuple(_d.values())))

</pallas_src>

<mosaic_0001>
#map = affine_map<(d0, d1) -> (0, 0, 0)>
#map1 = affine_map<(d0, d1) -> (0, 0)>
module attributes {stable_mosaic.version = 14 : i64} {
  func.func @deg_kernel(%arg0: i32, %arg1: i32, %arg2: memref<32x80x128xi32, #tpu.memory_space<hbm>>, %arg3: memref<2x10240xf32, #tpu.memory_space<hbm>>, %arg4: memref<80x128xi32, #tpu.memory_space<vmem>>, %arg5: memref<128xf32, #tpu.memory_space<vmem>>, %arg6: memref<640xf32, #tpu.memory_space<vmem>>, %arg7: memref<10240xf32, #tpu.memory_space<vmem_shared>>) attributes {dimension_semantics = [#tpu.dimension_semantics<core_parallel>, #tpu.dimension_semantics<subcore_parallel>], iteration_bounds = array<i64: 2, 16>, scalar_prefetch = 0 : i64, scratch_operands = 4 : i64, tpu.core_type = #tpu.core_type<sc_vector_subcore>, window_params = [{transform_indices = #map}, {transform_indices = #map1}]} {
    %mul3A = arith.constant 2 : i32
    %mul3A_0 = arith.muli %arg1, %mul3A : i32
    %add3A = arith.addi %mul3A_0, %arg0 : i32
    %broadcast_in_dim3A = arith.constant 1.000000e+00 : f32
    %broadcast_in_dim3A_1 = vector.broadcast %broadcast_in_dim3A : f32 to vector<16xf32>
    %swap3A = arith.constant 0 : index
    %swap3A_2 = tpu.vector_load %arg5[%swap3A] {strides = array<i32>} : memref<128xf32, #tpu.memory_space<vmem>>, vector<16xf32>,
    %swap3A_3 = vector.shape_cast %swap3A_2 : vector<16xf32> to vector<16xf32>
    %swap3A_4 = vector.shape_cast %broadcast_in_dim3A_1 : vector<16xf32> to vector<16xf32>
    tpu.vector_store %arg5[%swap3A], %swap3A_4 {strides = array<i32>} : memref<128xf32, #tpu.memory_space<vmem>>, vector<16xf32>,
    %broadcast_in_dim3A_5 = arith.constant 1.000000e+00 : f32
    %broadcast_in_dim3A_6 = vector.broadcast %broadcast_in_dim3A_5 : f32 to vector<16xf32>
    %swap3A_7 = arith.constant 16 : index
    %swap3A_8 = tpu.vector_load %arg5[%swap3A_7] {strides = array<i32>} : memref<128xf32, #tpu.memory_space<vmem>>, vector<16xf32>,
    %swap3A_9 = vector.shape_cast %swap3A_8 : vector<16xf32> to vector<16xf32>
    %swap3A_10 = vector.shape_cast %broadcast_in_dim3A_6 : vector<16xf32> to vector<16xf32>
    tpu.vector_store %arg5[%swap3A_7], %swap3A_10 {strides = array<i32>} : memref<128xf32, #tpu.memory_space<vmem>>, vector<16xf32>,
    %broadcast_in_dim3A_11 = arith.constant 1.000000e+00 : f32
    %broadcast_in_dim3A_12 = vector.broadcast %broadcast_in_dim3A_11 : f32 to vector<16xf32>
    %swap3A_13 = arith.constant 32 : index
    %swap3A_14 = tpu.vector_load %arg5[%swap3A_13] {strides = array<i32>} : memref<128xf32, #tpu.memory_space<vmem>>, vector<16xf32>,
    %swap3A_15 = vector.shape_cast %swap3A_14 : vector<16xf32> to vector<16xf32>
    %swap3A_16 = vector.shape_cast %broadcast_in_dim3A_12 : vector<16xf32> to vector<16xf32>
    tpu.vector_store %arg5[%swap3A_13], %swap3A_16 {strides = array<i32>} : memref<128xf32, #tpu.memory_space<vmem>>, vector<16xf32>,
    %broadcast_in_dim3A_17 = arith.constant 1.000000e+00 : f32
    %broadcast_in_dim3A_18 = vector.broadcast %broadcast_in_dim3A_17 : f32 to vector<16xf32>
    %swap3A_19 = arith.constant 48 : index
    %swap3A_20 = tpu.vector_load %arg5[%swap3A_19] {strides = array<i32>} : memref<128xf32, #tpu.memory_space<vmem>>, vector<16xf32>,
    %swap3A_21 = vector.shape_cast %swap3A_20 : vector<16xf32> to vector<16xf32>
    %swap3A_22 = vector.shape_cast %broadcast_in_dim3A_18 : vector<16xf32> to vector<16xf32>
    tpu.vector_store %arg5[%swap3A_19], %swap3A_22 {strides = array<i32>} : memref<128xf32, #tpu.memory_space<vmem>>, vector<16xf32>,
    %broadcast_in_dim3A_23 = arith.constant 1.000000e+00 : f32
    %broadcast_in_dim3A_24 = vector.broadcast %broadcast_in_dim3A_23 : f32 to vector<16xf32>
    %swap3A_25 = arith.constant 64 : index
    %swap3A_26 = tpu.vector_load %arg5[%swap3A_25] {strides = array<i32>} : memref<128xf32, #tpu.memory_space<vmem>>, vector<16xf32>,
    %swap3A_27 = vector.shape_cast %swap3A_26 : vector<16xf32> to vector<16xf32>
    %swap3A_28 = vector.shape_cast %broadcast_in_dim3A_24 : vector<16xf32> to vector<16xf32>
    tpu.vector_store %arg5[%swap3A_25], %swap3A_28 {strides = array<i32>} : memref<128xf32, #tpu.memory_space<vmem>>, vector<16xf32>,
    %broadcast_in_dim3A_29 = arith.constant 1.000000e+00 : f32
    %broadcast_in_dim3A_30 = vector.broadcast %broadcast_in_dim3A_29 : f32 to vector<16xf32>
    %swap3A_31 = arith.constant 80 : index
    %swap3A_32 = tpu.vector_load %arg5[%swap3A_31] {strides = array<i32>} : memref<128xf32, #tpu.memory_space<vmem>>, vector<16xf32>,
    %swap3A_33 = vector.shape_cast %swap3A_32 : vector<16xf32> to vector<16xf32>
    %swap3A_34 = vector.shape_cast %broadcast_in_dim3A_30 : vector<16xf32> to vector<16xf32>
    tpu.vector_store %arg5[%swap3A_31], %swap3A_34 {strides = array<i32>} : memref<128xf32, #tpu.memory_space<vmem>>, vector<16xf32>,
    %broadcast_in_dim3A_35 = arith.constant 1.000000e+00 : f32
    %broadcast_in_dim3A_36 = vector.broadcast %broadcast_in_dim3A_35 : f32 to vector<16xf32>
    %swap3A_37 = arith.constant 96 : index
    %swap3A_38 = tpu.vector_load %arg5[%swap3A_37] {strides = array<i32>} : memref<128xf32, #tpu.memory_space<vmem>>, vector<16xf32>,
    %swap3A_39 = vector.shape_cast %swap3A_38 : vector<16xf32> to vector<16xf32>
    %swap3A_40 = vector.shape_cast %broadcast_in_dim3A_36 : vector<16xf32> to vector<16xf32>
    tpu.vector_store %arg5[%swap3A_37], %swap3A_40 {strides = array<i32>} : memref<128xf32, #tpu.memory_space<vmem>>, vector<16xf32>,
    %broadcast_in_dim3A_41 = arith.constant 1.000000e+00 : f32
    %broadcast_in_dim3A_42 = vector.broadcast %broadcast_in_dim3A_41 : f32 to vector<16xf32>
    %swap3A_43 = arith.constant 112 : index
    %swap3A_44 = tpu.vector_load %arg5[%swap3A_43] {strides = array<i32>} : memref<128xf32, #tpu.memory_space<vmem>>, vector<16xf32>,
    %swap3A_45 = vector.shape_cast %swap3A_44 : vector<16xf32> to vector<16xf32>
    %swap3A_46 = vector.shape_cast %broadcast_in_dim3A_42 : vector<16xf32> to vector<16xf32>
    tpu.vector_store %arg5[%swap3A_43], %swap3A_46 {strides = array<i32>} : memref<128xf32, #tpu.memory_space<vmem>>, vector<16xf32>,
    %broadcast_in_dim3A_47 = arith.constant 0.000000e+00 : f32
    %broadcast_in_dim3A_48 = vector.broadcast %broadcast_in_dim3A_47 : f32 to vector<16xf32>
    %swap3A_49 = arith.constant 0 : index
    %swap3A_50 = tpu.vector_load %arg6[%swap3A_49] {strides = array<i32>} : memref<640xf32, #tpu.memory_space<vmem>>, vector<16xf32>,
    %swap3A_51 = vector.shape_cast %swap3A_50 : vector<16xf32> to vector<16xf32>
    %swap3A_52 = vector.shape_cast %broadcast_in_dim3A_48 : vector<16xf32> to vector<16xf32>
    tpu.vector_store %arg6[%swap3A_49], %swap3A_52 {strides = array<i32>} : memref<640xf32, #tpu.memory_space<vmem>>, vector<16xf32>,
    %broadcast_in_dim3A_53 = arith.constant 0.000000e+00 : f32
    %broadcast_in_dim3A_54 = vector.broadcast %broadcast_in_dim3A_53 : f32 to vector<16xf32>
    %swap3A_55 = arith.constant 16 : index
    %swap3A_56 = tpu.vector_load %arg6[%swap3A_55] {strides = array<i32>} : memref<640xf32, #tpu.memory_space<vmem>>, vector<16xf32>,
    %swap3A_57 = vector.shape_cast %swap3A_56 : vector<16xf32> to vector<16xf32>
    %swap3A_58 = vector.shape_cast %broadcast_in_dim3A_54 : vector<16xf32> to vector<16xf32>
    tpu.vector_store %arg6[%swap3A_55], %swap3A_58 {strides = array<i32>} : memref<640xf32, #tpu.memory_space<vmem>>, vector<16xf32>,
    %broadcast_in_dim3A_59 = arith.constant 0.000000e+00 : f32
    %broadcast_in_dim3A_60 = vector.broadcast %broadcast_in_dim3A_59 : f32 to vector<16xf32>
    %swap3A_61 = arith.constant 32 : index
    %swap3A_62 = tpu.vector_load %arg6[%swap3A_61] {strides = array<i32>} : memref<640xf32, #tpu.memory_space<vmem>>, vector<16xf32>,
    %swap3A_63 = vector.shape_cast %swap3A_62 : vector<16xf32> to vector<16xf32>
    %swap3A_64 = vector.shape_cast %broadcast_in_dim3A_60 : vector<16xf32> to vector<16xf32>
    tpu.vector_store %arg6[%swap3A_61], %swap3A_64 {strides = array<i32>} : memref<640xf32, #tpu.memory_space<vmem>>, vector<16xf32>,
    %broadcast_in_dim3A_65 = arith.constant 0.000000e+00 : f32
    %broadcast_in_dim3A_66 = vector.broadcast %broadcast_in_dim3A_65 : f32 to vector<16xf32>
    %swap3A_67 = arith.constant 48 : index
    %swap3A_68 = tpu.vector_load %arg6[%swap3A_67] {strides = array<i32>} : memref<640xf32, #tpu.memory_space<vmem>>, vector<16xf32>,
    %swap3A_69 = vector.shape_cast %swap3A_68 : vector<16xf32> to vector<16xf32>
    %swap3A_70 = vector.shape_cast %broadcast_in_dim3A_66 : vector<16xf32> to vector<16xf32>
    tpu.vector_store %arg6[%swap3A_67], %swap3A_70 {strides = array<i32>} : memref<640xf32, #tpu.memory_space<vmem>>, vector<16xf32>,
    %broadcast_in_dim3A_71 = arith.constant 0.000000e+00 : f32
    %broadcast_in_dim3A_72 = vector.broadcast %broadcast_in_dim3A_71 : f32 to vector<16xf32>
    %swap3A_73 = arith.constant 64 : index
    %swap3A_74 = tpu.vector_load %arg6[%swap3A_73] {strides = array<i32>} : memref<640xf32, #tpu.memory_space<vmem>>, vector<16xf32>,
    %swap3A_75 = vector.shape_cast %swap3A_74 : vector<16xf32> to vector<16xf32>
    %swap3A_76 = vector.shape_cast %broadcast_in_dim3A_72 : vector<16xf32> to vector<16xf32>
    tpu.vector_store %arg6[%swap3A_73], %swap3A_76 {strides = array<i32>} : memref<640xf32, #tpu.memory_space<vmem>>, vector<16xf32>,
    %broadcast_in_dim3A_77 = arith.constant 0.000000e+00 : f32
    %broadcast_in_dim3A_78 = vector.broadcast %broadcast_in_dim3A_77 : f32 to vector<16xf32>
    %swap3A_79 = arith.constant 80 : index
    %swap3A_80 = tpu.vector_load %arg6[%swap3A_79] {strides = array<i32>} : memref<640xf32, #tpu.memory_space<vmem>>, vector<16xf32>,
    %swap3A_81 = vector.shape_cast %swap3A_80 : vector<16xf32> to vector<16xf32>
    %swap3A_82 = vector.shape_cast %broadcast_in_dim3A_78 : vector<16xf32> to vector<16xf32>
    tpu.vector_store %arg6[%swap3A_79], %swap3A_82 {strides = array<i32>} : memref<640xf32, #tpu.memory_space<vmem>>, vector<16xf32>,
    %broadcast_in_dim3A_83 = arith.constant 0.000000e+00 : f32
    %broadcast_in_dim3A_84 = vector.broadcast %broadcast_in_dim3A_83 : f32 to vector<16xf32>
    %swap3A_85 = arith.constant 96 : index
    %swap3A_86 = tpu.vector_load %arg6[%swap3A_85] {strides = array<i32>} : memref<640xf32, #tpu.memory_space<vmem>>, vector<16xf32>,
    %swap3A_87 = vector.shape_cast %swap3A_86 : vector<16xf32> to vector<16xf32>
    %swap3A_88 = vector.shape_cast %broadcast_in_dim3A_84 : vector<16xf32> to vector<16xf32>
    tpu.vector_store %arg6[%swap3A_85], %swap3A_88 {strides = array<i32>} : memref<640xf32, #tpu.memory_space<vmem>>, vector<16xf32>,
    %broadcast_in_dim3A_89 = arith.constant 0.000000e+00 : f32
    %broadcast_in_dim3A_90 = vector.broadcast %broadcast_in_dim3A_89 : f32 to vector<16xf32>
    %swap3A_91 = arith.constant 112 : index
    %swap3A_92 = tpu.vector_load %arg6[%swap3A_91] {strides = array<i32>} : memref<640xf32, #tpu.memory_space<vmem>>, vector<16xf32>,
    %swap3A_93 = vector.shape_cast %swap3A_92 : vector<16xf32> to vector<16xf32>
    %swap3A_94 = vector.shape_cast %broadcast_in_dim3A_90 : vector<16xf32> to vector<16xf32>
    tpu.vector_store %arg6[%swap3A_91], %swap3A_94 {strides = array<i32>} : memref<640xf32, #tpu.memory_space<vmem>>, vector<16xf32>,
    %broadcast_in_dim3A_95 = arith.constant 0.000000e+00 : f32
    %broadcast_in_dim3A_96 = vector.broadcast %broadcast_in_dim3A_95 : f32 to vector<16xf32>
    %swap3A_97 = arith.constant 128 : index
    %swap3A_98 = tpu.vector_load %arg6[%swap3A_97] {strides = array<i32>} : memref<640xf32, #tpu.memory_space<vmem>>, vector<16xf32>,
    %swap3A_99 = vector.shape_cast %swap3A_98 : vector<16xf32> to vector<16xf32>
    %swap3A_100 = vector.shape_cast %broadcast_in_dim3A_96 : vector<16xf32> to vector<16xf32>
    tpu.vector_store %arg6[%swap3A_97], %swap3A_100 {strides = array<i32>} : memref<640xf32, #tpu.memory_space<vmem>>, vector<16xf32>,
    %broadcast_in_dim3A_101 = arith.constant 0.000000e+00 : f32
    %broadcast_in_dim3A_102 = vector.broadcast %broadcast_in_dim3A_101 : f32 to vector<16xf32>
    %swap3A_103 = arith.constant 144 : index
    %swap3A_104 = tpu.vector_load %arg6[%swap3A_103] {strides = array<i32>} : memref<640xf32, #tpu.memory_space<vmem>>, vector<16xf32>,
    %swap3A_105 = vector.shape_cast %swap3A_104 : vector<16xf32> to vector<16xf32>
    %swap3A_106 = vector.shape_cast %broadcast_in_dim3A_102 : vector<16xf32> to vector<16xf32>
    tpu.vector_store %arg6[%swap3A_103], %swap3A_106 {strides = array<i32>} : memref<640xf32, #tpu.memory_space<vmem>>, vector<16xf32>,
    %broadcast_in_dim3A_107 = arith.constant 0.000000e+00 : f32
    %broadcast_in_dim3A_108 = vector.broadcast %broadcast_in_dim3A_107 : f32 to vector<16xf32>
    %swap3A_109 = arith.constant 160 : index
    %swap3A_110 = tpu.vector_load %arg6[%swap3A_109] {strides = array<i32>} : memref<640xf32, #tpu.memory_space<vmem>>, vector<16xf32>,
    %swap3A_111 = vector.shape_cast %swap3A_110 : vector<16xf32> to vector<16xf32>
    %swap3A_112 = vector.shape_cast %broadcast_in_dim3A_108 : vector<16xf32> to vector<16xf32>
    tpu.vector_store %arg6[%swap3A_109], %swap3A_112 {strides = array<i32>} : memref<640xf32, #tpu.memory_space<vmem>>, vector<16xf32>,
    %broadcast_in_dim3A_113 = arith.constant 0.000000e+00 : f32
    %broadcast_in_dim3A_114 = vector.broadcast %broadcast_in_dim3A_113 : f32 to vector<16xf32>
    %swap3A_115 = arith.constant 176 : index
    %swap3A_116 = tpu.vector_load %arg6[%swap3A_115] {strides = array<i32>} : memref<640xf32, #tpu.memory_space<vmem>>, vector<16xf32>,
    %swap3A_117 = vector.shape_cast %swap3A_116 : vector<16xf32> to vector<16xf32>
    %swap3A_118 = vector.shape_cast %broadcast_in_dim3A_114 : vector<16xf32> to vector<16xf32>
    tpu.vector_store %arg6[%swap3A_115], %swap3A_118 {strides = array<i32>} : memref<640xf32, #tpu.memory_space<vmem>>, vector<16xf32>,
    %broadcast_in_dim3A_119 = arith.constant 0.000000e+00 : f32
    %broadcast_in_dim3A_120 = vector.broadcast %broadcast_in_dim3A_119 : f32 to vector<16xf32>
    %swap3A_121 = arith.constant 192 : index
    %swap3A_122 = tpu.vector_load %arg6[%swap3A_121] {strides = array<i32>} : memref<640xf32, #tpu.memory_space<vmem>>, vector<16xf32>,
    %swap3A_123 = vector.shape_cast %swap3A_122 : vector<16xf32> to vector<16xf32>
    %swap3A_124 = vector.shape_cast %broadcast_in_dim3A_120 : vector<16xf32> to vector<16xf32>
    tpu.vector_store %arg6[%swap3A_121], %swap3A_124 {strides = array<i32>} : memref<640xf32, #tpu.memory_space<vmem>>, vector<16xf32>,
    %broadcast_in_dim3A_125 = arith.constant 0.000000e+00 : f32
    %broadcast_in_dim3A_126 = vector.broadcast %broadcast_in_dim3A_125 : f32 to vector<16xf32>
    %swap3A_127 = arith.constant 208 : index
    %swap3A_128 = tpu.vector_load %arg6[%swap3A_127] {strides = array<i32>} : memref<640xf32, #tpu.memory_space<vmem>>, vector<16xf32>,
    %swap3A_129 = vector.shape_cast %swap3A_128 : vector<16xf32> to vector<16xf32>
    %swap3A_130 = vector.shape_cast %broadcast_in_dim3A_126 : vector<16xf32> to vector<16xf32>
    tpu.vector_store %arg6[%swap3A_127], %swap3A_130 {strides = array<i32>} : memref<640xf32, #tpu.memory_space<vmem>>, vector<16xf32>,
    %broadcast_in_dim3A_131 = arith.constant 0.000000e+00 : f32
    %broadcast_in_dim3A_132 = vector.broadcast %broadcast_in_dim3A_131 : f32 to vector<16xf32>
    %swap3A_133 = arith.constant 224 : index
    %swap3A_134 = tpu.vector_load %arg6[%swap3A_133] {strides = array<i32>} : memref<640xf32, #tpu.memory_space<vmem>>, vector<16xf32>,
    %swap3A_135 = vector.shape_cast %swap3A_134 : vector<16xf32> to vector<16xf32>
    %swap3A_136 = vector.shape_cast %broadcast_in_dim3A_132 : vector<16xf32> to vector<16xf32>
    tpu.vector_store %arg6[%swap3A_133], %swap3A_136 {strides = array<i32>} : memref<640xf32, #tpu.memory_space<vmem>>, vector<16xf32>,
    %broadcast_in_dim3A_137 = arith.constant 0.000000e+00 : f32
    %broadcast_in_dim3A_138 = vector.broadcast %broadcast_in_dim3A_137 : f32 to vector<16xf32>
    %swap3A_139 = arith.constant 240 : index
    %swap3A_140 = tpu.vector_load %arg6[%swap3A_139] {strides = array<i32>} : memref<640xf32, #tpu.memory_space<vmem>>, vector<16xf32>,
    %swap3A_141 = vector.shape_cast %swap3A_140 : vector<16xf32> to vector<16xf32>
    %swap3A_142 = vector.shape_cast %broadcast_in_dim3A_138 : vector<16xf32> to vector<16xf32>
    tpu.vector_store %arg6[%swap3A_139], %swap3A_142 {strides = array<i32>} : memref<640xf32, #tpu.memory_space<vmem>>, vector<16xf32>,
    %broadcast_in_dim3A_143 = arith.constant 0.000000e+00 : f32
    %broadcast_in_dim3A_144 = vector.broadcast %broadcast_in_dim3A_143 : f32 to vector<16xf32>
    %swap3A_145 = arith.constant 256 : index
    %swap3A_146 = tpu.vector_load %arg6[%swap3A_145] {strides = array<i32>} : memref<640xf32, #tpu.memory_space<vmem>>, vector<16xf32>,
    %swap3A_147 = vector.shape_cast %swap3A_146 : vector<16xf32> to vector<16xf32>
    %swap3A_148 = vector.shape_cast %broadcast_in_dim3A_144 : vector<16xf32> to vector<16xf32>
    tpu.vector_store %arg6[%swap3A_145], %swap3A_148 {strides = array<i32>} : memref<640xf32, #tpu.memory_space<vmem>>, vector<16xf32>,
    %broadcast_in_dim3A_149 = arith.constant 0.000000e+00 : f32
    %broadcast_in_dim3A_150 = vector.broadcast %broadcast_in_dim3A_149 : f32 to vector<16xf32>
    %swap3A_151 = arith.constant 272 : index
    %swap3A_152 = tpu.vector_load %arg6[%swap3A_151] {strides = array<i32>} : memref<640xf32, #tpu.memory_space<vmem>>, vector<16xf32>,
    %swap3A_153 = vector.shape_cast %swap3A_152 : vector<16xf32> to vector<16xf32>
    %swap3A_154 = vector.shape_cast %broadcast_in_dim3A_150 : vector<16xf32> to vector<16xf32>
    tpu.vector_store %arg6[%swap3A_151], %swap3A_154 {strides = array<i32>} : memref<640xf32, #tpu.memory_space<vmem>>, vector<16xf32>,
    %broadcast_in_dim3A_155 = arith.constant 0.000000e+00 : f32
    %broadcast_in_dim3A_156 = vector.broadcast %broadcast_in_dim3A_155 : f32 to vector<16xf32>
    %swap3A_157 = arith.constant 288 : index
    %swap3A_158 = tpu.vector_load %arg6[%swap3A_157] {strides = array<i32>} : memref<640xf32, #tpu.memory_space<vmem>>, vector<16xf32>,
    %swap3A_159 = vector.shape_cast %swap3A_158 : vector<16xf32> to vector<16xf32>
    %swap3A_160 = vector.shape_cast %broadcast_in_dim3A_156 : vector<16xf32> to vector<16xf32>
    tpu.vector_store %arg6[%swap3A_157], %swap3A_160 {strides = array<i32>} : memref<640xf32, #tpu.memory_space<vmem>>, vector<16xf32>,
    %broadcast_in_dim3A_161 = arith.constant 0.000000e+00 : f32
    %broadcast_in_dim3A_162 = vector.broadcast %broadcast_in_dim3A_161 : f32 to vector<16xf32>
    %swap3A_163 = arith.constant 304 : index
    %swap3A_164 = tpu.vector_load %arg6[%swap3A_163] {strides = array<i32>} : memref<640xf32, #tpu.memory_space<vmem>>, vector<16xf32>,
    %swap3A_165 = vector.shape_cast %swap3A_164 : vector<16xf32> to vector<16xf32>
    %swap3A_166 = vector.shape_cast %broadcast_in_dim3A_162 : vector<16xf32> to vector<16xf32>
    tpu.vector_store %arg6[%swap3A_163], %swap3A_166 {strides = array<i32>} : memref<640xf32, #tpu.memory_space<vmem>>, vector<16xf32>,
    %broadcast_in_dim3A_167 = arith.constant 0.000000e+00 : f32
    %broadcast_in_dim3A_168 = vector.broadcast %broadcast_in_dim3A_167 : f32 to vector<16xf32>
    %swap3A_169 = arith.constant 320 : index
    %swap3A_170 = tpu.vector_load %arg6[%swap3A_169] {strides = array<i32>} : memref<640xf32, #tpu.memory_space<vmem>>, vector<16xf32>,
    %swap3A_171 = vector.shape_cast %swap3A_170 : vector<16xf32> to vector<16xf32>
    %swap3A_172 = vector.shape_cast %broadcast_in_dim3A_168 : vector<16xf32> to vector<16xf32>
    tpu.vector_store %arg6[%swap3A_169], %swap3A_172 {strides = array<i32>} : memref<640xf32, #tpu.memory_space<vmem>>, vector<16xf32>,
    %broadcast_in_dim3A_173 = arith.constant 0.000000e+00 : f32
    %broadcast_in_dim3A_174 = vector.broadcast %broadcast_in_dim3A_173 : f32 to vector<16xf32>
    %swap3A_175 = arith.constant 336 : index
    %swap3A_176 = tpu.vector_load %arg6[%swap3A_175] {strides = array<i32>} : memref<640xf32, #tpu.memory_space<vmem>>, vector<16xf32>,
    %swap3A_177 = vector.shape_cast %swap3A_176 : vector<16xf32> to vector<16xf32>
    %swap3A_178 = vector.shape_cast %broadcast_in_dim3A_174 : vector<16xf32> to vector<16xf32>
    tpu.vector_store %arg6[%swap3A_175], %swap3A_178 {strides = array<i32>} : memref<640xf32, #tpu.memory_space<vmem>>, vector<16xf32>,
    %broadcast_in_dim3A_179 = arith.constant 0.000000e+00 : f32
    %broadcast_in_dim3A_180 = vector.broadcast %broadcast_in_dim3A_179 : f32 to vector<16xf32>
    %swap3A_181 = arith.constant 352 : index
    %swap3A_182 = tpu.vector_load %arg6[%swap3A_181] {strides = array<i32>} : memref<640xf32, #tpu.memory_space<vmem>>, vector<16xf32>,
    %swap3A_183 = vector.shape_cast %swap3A_182 : vector<16xf32> to vector<16xf32>
    %swap3A_184 = vector.shape_cast %broadcast_in_dim3A_180 : vector<16xf32> to vector<16xf32>
    tpu.vector_store %arg6[%swap3A_181], %swap3A_184 {strides = array<i32>} : memref<640xf32, #tpu.memory_space<vmem>>, vector<16xf32>,
    %broadcast_in_dim3A_185 = arith.constant 0.000000e+00 : f32
    %broadcast_in_dim3A_186 = vector.broadcast %broadcast_in_dim3A_185 : f32 to vector<16xf32>
    %swap3A_187 = arith.constant 368 : index
    %swap3A_188 = tpu.vector_load %arg6[%swap3A_187] {strides = array<i32>} : memref<640xf32, #tpu.memory_space<vmem>>, vector<16xf32>,
    %swap3A_189 = vector.shape_cast %swap3A_188 : vector<16xf32> to vector<16xf32>
    %swap3A_190 = vector.shape_cast %broadcast_in_dim3A_186 : vector<16xf32> to vector<16xf32>
    tpu.vector_store %arg6[%swap3A_187], %swap3A_190 {strides = array<i32>} : memref<640xf32, #tpu.memory_space<vmem>>, vector<16xf32>,
    %broadcast_in_dim3A_191 = arith.constant 0.000000e+00 : f32
    %broadcast_in_dim3A_192 = vector.broadcast %broadcast_in_dim3A_191 : f32 to vector<16xf32>
    %swap3A_193 = arith.constant 384 : index
    %swap3A_194 = tpu.vector_load %arg6[%swap3A_193] {strides = array<i32>} : memref<640xf32, #tpu.memory_space<vmem>>, vector<16xf32>,
    %swap3A_195 = vector.shape_cast %swap3A_194 : vector<16xf32> to vector<16xf32>
    %swap3A_196 = vector.shape_cast %broadcast_in_dim3A_192 : vector<16xf32> to vector<16xf32>
    tpu.vector_store %arg6[%swap3A_193], %swap3A_196 {strides = array<i32>} : memref<640xf32, #tpu.memory_space<vmem>>, vector<16xf32>,
    %broadcast_in_dim3A_197 = arith.constant 0.000000e+00 : f32
    %broadcast_in_dim3A_198 = vector.broadcast %broadcast_in_dim3A_197 : f32 to vector<16xf32>
    %swap3A_199 = arith.constant 400 : index
    %swap3A_200 = tpu.vector_load %arg6[%swap3A_199] {strides = array<i32>} : memref<640xf32, #tpu.memory_space<vmem>>, vector<16xf32>,
    %swap3A_201 = vector.shape_cast %swap3A_200 : vector<16xf32> to vector<16xf32>
    %swap3A_202 = vector.shape_cast %broadcast_in_dim3A_198 : vector<16xf32> to vector<16xf32>
    tpu.vector_store %arg6[%swap3A_199], %swap3A_202 {strides = array<i32>} : memref<640xf32, #tpu.memory_space<vmem>>, vector<16xf32>,
    %broadcast_in_dim3A_203 = arith.constant 0.000000e+00 : f32
    %broadcast_in_dim3A_204 = vector.broadcast %broadcast_in_dim3A_203 : f32 to vector<16xf32>
    %swap3A_205 = arith.constant 416 : index
    %swap3A_206 = tpu.vector_load %arg6[%swap3A_205] {strides = array<i32>} : memref<640xf32, #tpu.memory_space<vmem>>, vector<16xf32>,
    %swap3A_207 = vector.shape_cast %swap3A_206 : vector<16xf32> to vector<16xf32>
    %swap3A_208 = vector.shape_cast %broadcast_in_dim3A_204 : vector<16xf32> to vector<16xf32>
    tpu.vector_store %arg6[%swap3A_205], %swap3A_208 {strides = array<i32>} : memref<640xf32, #tpu.memory_space<vmem>>, vector<16xf32>,
    %broadcast_in_dim3A_209 = arith.constant 0.000000e+00 : f32
    %broadcast_in_dim3A_210 = vector.broadcast %broadcast_in_dim3A_209 : f32 to vector<16xf32>
    %swap3A_211 = arith.constant 432 : index
    %swap3A_212 = tpu.vector_load %arg6[%swap3A_211] {strides = array<i32>} : memref<640xf32, #tpu.memory_space<vmem>>, vector<16xf32>,
    %swap3A_213 = vector.shape_cast %swap3A_212 : vector<16xf32> to vector<16xf32>
    %swap3A_214 = vector.shape_cast %broadcast_in_dim3A_210 : vector<16xf32> to vector<16xf32>
    tpu.vector_store %arg6[%swap3A_211], %swap3A_214 {strides = array<i32>} : memref<640xf32, #tpu.memory_space<vmem>>, vector<16xf32>,
    %broadcast_in_dim3A_215 = arith.constant 0.000000e+00 : f32
    %broadcast_in_dim3A_216 = vector.broadcast %broadcast_in_dim3A_215 : f32 to vector<16xf32>
    %swap3A_217 = arith.constant 448 : index
    %swap3A_218 = tpu.vector_load %arg6[%swap3A_217] {strides = array<i32>} : memref<640xf32, #tpu.memory_space<vmem>>, vector<16xf32>,
    %swap3A_219 = vector.shape_cast %swap3A_218 : vector<16xf32> to vector<16xf32>
    %swap3A_220 = vector.shape_cast %broadcast_in_dim3A_216 : vector<16xf32> to vector<16xf32>
    tpu.vector_store %arg6[%swap3A_217], %swap3A_220 {strides = array<i32>} : memref<640xf32, #tpu.memory_space<vmem>>, vector<16xf32>,
    %broadcast_in_dim3A_221 = arith.constant 0.000000e+00 : f32
    %broadcast_in_dim3A_222 = vector.broadcast %broadcast_in_dim3A_221 : f32 to vector<16xf32>
    %swap3A_223 = arith.constant 464 : index
    %swap3A_224 = tpu.vector_load %arg6[%swap3A_223] {strides = array<i32>} : memref<640xf32, #tpu.memory_space<vmem>>, vector<16xf32>,
    %swap3A_225 = vector.shape_cast %swap3A_224 : vector<16xf32> to vector<16xf32>
    %swap3A_226 = vector.shape_cast %broadcast_in_dim3A_222 : vector<16xf32> to vector<16xf32>
    tpu.vector_store %arg6[%swap3A_223], %swap3A_226 {strides = array<i32>} : memref<640xf32, #tpu.memory_space<vmem>>, vector<16xf32>,
    %broadcast_in_dim3A_227 = arith.constant 0.000000e+00 : f32
    %broadcast_in_dim3A_228 = vector.broadcast %broadcast_in_dim3A_227 : f32 to vector<16xf32>
    %swap3A_229 = arith.constant 480 : index
    %swap3A_230 = tpu.vector_load %arg6[%swap3A_229] {strides = array<i32>} : memref<640xf32, #tpu.memory_space<vmem>>, vector<16xf32>,
    %swap3A_231 = vector.shape_cast %swap3A_230 : vector<16xf32> to vector<16xf32>
    %swap3A_232 = vector.shape_cast %broadcast_in_dim3A_228 : vector<16xf32> to vector<16xf32>
    tpu.vector_store %arg6[%swap3A_229], %swap3A_232 {strides = array<i32>} : memref<640xf32, #tpu.memory_space<vmem>>, vector<16xf32>,
    %broadcast_in_dim3A_233 = arith.constant 0.000000e+00 : f32
    %broadcast_in_dim3A_234 = vector.broadcast %broadcast_in_dim3A_233 : f32 to vector<16xf32>
    %swap3A_235 = arith.constant 496 : index
    %swap3A_236 = tpu.vector_load %arg6[%swap3A_235] {strides = array<i32>} : memref<640xf32, #tpu.memory_space<vmem>>, vector<16xf32>,
    %swap3A_237 = vector.shape_cast %swap3A_236 : vector<16xf32> to vector<16xf32>
    %swap3A_238 = vector.shape_cast %broadcast_in_dim3A_234 : vector<16xf32> to vector<16xf32>
    tpu.vector_store %arg6[%swap3A_235], %swap3A_238 {strides = array<i32>} : memref<640xf32, #tpu.memory_space<vmem>>, vector<16xf32>,
    %broadcast_in_dim3A_239 = arith.constant 0.000000e+00 : f32
    %broadcast_in_dim3A_240 = vector.broadcast %broadcast_in_dim3A_239 : f32 to vector<16xf32>
    %swap3A_241 = arith.constant 512 : index
    %swap3A_242 = tpu.vector_load %arg6[%swap3A_241] {strides = array<i32>} : memref<640xf32, #tpu.memory_space<vmem>>, vector<16xf32>,
    %swap3A_243 = vector.shape_cast %swap3A_242 : vector<16xf32> to vector<16xf32>
    %swap3A_244 = vector.shape_cast %broadcast_in_dim3A_240 : vector<16xf32> to vector<16xf32>
    tpu.vector_store %arg6[%swap3A_241], %swap3A_244 {strides = array<i32>} : memref<640xf32, #tpu.memory_space<vmem>>, vector<16xf32>,
    %broadcast_in_dim3A_245 = arith.constant 0.000000e+00 : f32
    %broadcast_in_dim3A_246 = vector.broadcast %broadcast_in_dim3A_245 : f32 to vector<16xf32>
    %swap3A_247 = arith.constant 528 : index
    %swap3A_248 = tpu.vector_load %arg6[%swap3A_247] {strides = array<i32>} : memref<640xf32, #tpu.memory_space<vmem>>, vector<16xf32>,
    %swap3A_249 = vector.shape_cast %swap3A_248 : vector<16xf32> to vector<16xf32>
    %swap3A_250 = vector.shape_cast %broadcast_in_dim3A_246 : vector<16xf32> to vector<16xf32>
    tpu.vector_store %arg6[%swap3A_247], %swap3A_250 {strides = array<i32>} : memref<640xf32, #tpu.memory_space<vmem>>, vector<16xf32>,
    %broadcast_in_dim3A_251 = arith.constant 0.000000e+00 : f32
    %broadcast_in_dim3A_252 = vector.broadcast %broadcast_in_dim3A_251 : f32 to vector<16xf32>
    %swap3A_253 = arith.constant 544 : index
    %swap3A_254 = tpu.vector_load %arg6[%swap3A_253] {strides = array<i32>} : memref<640xf32, #tpu.memory_space<vmem>>, vector<16xf32>,
    %swap3A_255 = vector.shape_cast %swap3A_254 : vector<16xf32> to vector<16xf32>
    %swap3A_256 = vector.shape_cast %broadcast_in_dim3A_252 : vector<16xf32> to vector<16xf32>
    tpu.vector_store %arg6[%swap3A_253], %swap3A_256 {strides = array<i32>} : memref<640xf32, #tpu.memory_space<vmem>>, vector<16xf32>,
    %broadcast_in_dim3A_257 = arith.constant 0.000000e+00 : f32
    %broadcast_in_dim3A_258 = vector.broadcast %broadcast_in_dim3A_257 : f32 to vector<16xf32>
    %swap3A_259 = arith.constant 560 : index
    %swap3A_260 = tpu.vector_load %arg6[%swap3A_259] {strides = array<i32>} : memref<640xf32, #tpu.memory_space<vmem>>, vector<16xf32>,
    %swap3A_261 = vector.shape_cast %swap3A_260 : vector<16xf32> to vector<16xf32>
    %swap3A_262 = vector.shape_cast %broadcast_in_dim3A_258 : vector<16xf32> to vector<16xf32>
    tpu.vector_store %arg6[%swap3A_259], %swap3A_262 {strides = array<i32>} : memref<640xf32, #tpu.memory_space<vmem>>, vector<16xf32>,
    %broadcast_in_dim3A_263 = arith.constant 0.000000e+00 : f32
    %broadcast_in_dim3A_264 = vector.broadcast %broadcast_in_dim3A_263 : f32 to vector<16xf32>
    %swap3A_265 = arith.constant 576 : index
    %swap3A_266 = tpu.vector_load %arg6[%swap3A_265] {strides = array<i32>} : memref<640xf32, #tpu.memory_space<vmem>>, vector<16xf32>,
    %swap3A_267 = vector.shape_cast %swap3A_266 : vector<16xf32> to vector<16xf32>
    %swap3A_268 = vector.shape_cast %broadcast_in_dim3A_264 : vector<16xf32> to vector<16xf32>
    tpu.vector_store %arg6[%swap3A_265], %swap3A_268 {strides = array<i32>} : memref<640xf32, #tpu.memory_space<vmem>>, vector<16xf32>,
    %broadcast_in_dim3A_269 = arith.constant 0.000000e+00 : f32
    %broadcast_in_dim3A_270 = vector.broadcast %broadcast_in_dim3A_269 : f32 to vector<16xf32>
    %swap3A_271 = arith.constant 592 : index
    %swap3A_272 = tpu.vector_load %arg6[%swap3A_271] {strides = array<i32>} : memref<640xf32, #tpu.memory_space<vmem>>, vector<16xf32>,
    %swap3A_273 = vector.shape_cast %swap3A_272 : vector<16xf32> to vector<16xf32>
    %swap3A_274 = vector.shape_cast %broadcast_in_dim3A_270 : vector<16xf32> to vector<16xf32>
    tpu.vector_store %arg6[%swap3A_271], %swap3A_274 {strides = array<i32>} : memref<640xf32, #tpu.memory_space<vmem>>, vector<16xf32>,
    %broadcast_in_dim3A_275 = arith.constant 0.000000e+00 : f32
    %broadcast_in_dim3A_276 = vector.broadcast %broadcast_in_dim3A_275 : f32 to vector<16xf32>
    %swap3A_277 = arith.constant 608 : index
    %swap3A_278 = tpu.vector_load %arg6[%swap3A_277] {strides = array<i32>} : memref<640xf32, #tpu.memory_space<vmem>>, vector<16xf32>,
    %swap3A_279 = vector.shape_cast %swap3A_278 : vector<16xf32> to vector<16xf32>
    %swap3A_280 = vector.shape_cast %broadcast_in_dim3A_276 : vector<16xf32> to vector<16xf32>
    tpu.vector_store %arg6[%swap3A_277], %swap3A_280 {strides = array<i32>} : memref<640xf32, #tpu.memory_space<vmem>>, vector<16xf32>,
    %broadcast_in_dim3A_281 = arith.constant 0.000000e+00 : f32
    %broadcast_in_dim3A_282 = vector.broadcast %broadcast_in_dim3A_281 : f32 to vector<16xf32>
    %swap3A_283 = arith.constant 624 : index
    %swap3A_284 = tpu.vector_load %arg6[%swap3A_283] {strides = array<i32>} : memref<640xf32, #tpu.memory_space<vmem>>, vector<16xf32>,
    %swap3A_285 = vector.shape_cast %swap3A_284 : vector<16xf32> to vector<16xf32>
    %swap3A_286 = vector.shape_cast %broadcast_in_dim3A_282 : vector<16xf32> to vector<16xf32>
    tpu.vector_store %arg6[%swap3A_283], %swap3A_286 {strides = array<i32>} : memref<640xf32, #tpu.memory_space<vmem>>, vector<16xf32>,
    %mul3A_287 = arith.constant 640 : i32
    %mul3A_288 = arith.muli %arg1, %mul3A_287 : i32
    "tpu.region"() ({
      %run_scoped3A = tpu.sem_alloc : memref<!tpu.dma_semaphore, #tpu.memory_space<semaphore_mem>>
      %dma_start3A = tpu.memref_slice %arg7[%mul3A_288] : memref<10240xf32, #tpu.memory_space<vmem_shared>> -> memref<640xf32, #tpu.memory_space<vmem_shared>>
      %dma_start3A_299 = tpu.memref_slice %arg7[%mul3A_288] : memref<10240xf32, #tpu.memory_space<vmem_shared>> -> memref<640xf32, #tpu.memory_space<vmem_shared>>
      tpu.enqueue_dma source(%arg6 : memref<640xf32, #tpu.memory_space<vmem>>) target(%dma_start3A_299 : memref<640xf32, #tpu.memory_space<vmem_shared>>) target_semaphore(%run_scoped3A : memref<!tpu.dma_semaphore, #tpu.memory_space<semaphore_mem>>)
      %dma_wait3A = tpu.memref_slice %arg7[%mul3A_288] : memref<10240xf32, #tpu.memory_space<vmem_shared>> -> memref<640xf32, #tpu.memory_space<vmem_shared>>
      %dma_wait3A_300 = tpu.memref_slice %arg7[%mul3A_288] : memref<10240xf32, #tpu.memory_space<vmem_shared>> -> memref<640xf32, #tpu.memory_space<vmem_shared>>
      tpu.wait_dma2 semaphore(%run_scoped3A : memref<!tpu.dma_semaphore, #tpu.memory_space<semaphore_mem>>) src(%arg6 : memref<640xf32, #tpu.memory_space<vmem>>) dst(%dma_wait3A_300 : memref<640xf32, #tpu.memory_space<vmem_shared>>)
      tpu.yield
    }) : () -> ()
    "tpu.region"() ({
      %run_scoped3A = tpu.sem_alloc : memref<!tpu.dma_semaphore, #tpu.memory_space<semaphore_mem>>
      %dma_start3A = arith.constant 0 : i32
      %dma_start3A_299 = arith.constant 0 : i32
      %dma_start3A_300 = tpu.memref_slice %arg2[%add3A, %dma_start3A, %dma_start3A_299] : memref<32x80x128xi32, #tpu.memory_space<hbm>> -> memref<1x80x128xi32, #tpu.memory_space<hbm>>
      %dma_start3A_301 = tpu.memref_squeeze %dma_start3A_300 : memref<1x80x128xi32, #tpu.memory_space<hbm>> -> memref<80x128xi32, #tpu.memory_space<hbm>>
      %dma_start3A_302 = arith.constant 0 : i32
      %dma_start3A_303 = arith.constant 0 : i32
      %dma_start3A_304 = tpu.memref_slice %arg2[%add3A, %dma_start3A_302, %dma_start3A_303] : memref<32x80x128xi32, #tpu.memory_space<hbm>> -> memref<1x80x128xi32, #tpu.memory_space<hbm>>
      %dma_start3A_305 = tpu.memref_squeeze %dma_start3A_304 : memref<1x80x128xi32, #tpu.memory_space<hbm>> -> memref<80x128xi32, #tpu.memory_space<hbm>>
      tpu.enqueue_dma source(%dma_start3A_305 : memref<80x128xi32, #tpu.memory_space<hbm>>) target(%arg4 : memref<80x128xi32, #tpu.memory_space<vmem>>) target_semaphore(%run_scoped3A : memref<!tpu.dma_semaphore, #tpu.memory_space<semaphore_mem>>)
      %dma_wait3A = arith.constant 0 : i32
      %dma_wait3A_306 = arith.constant 0 : i32
      %dma_wait3A_307 = tpu.memref_slice %arg2[%add3A, %dma_wait3A, %dma_wait3A_306] : memref<32x80x128xi32, #tpu.memory_space<hbm>> -> memref<1x80x128xi32, #tpu.memory_space<hbm>>
      %dma_wait3A_308 = tpu.memref_squeeze %dma_wait3A_307 : memref<1x80x128xi32, #tpu.memory_space<hbm>> -> memref<80x128xi32, #tpu.memory_space<hbm>>
      %dma_wait3A_309 = arith.constant 0 : i32
      %dma_wait3A_310 = arith.constant 0 : i32
      %dma_wait3A_311 = tpu.memref_slice %arg2[%add3A, %dma_wait3A_309, %dma_wait3A_310] : memref<32x80x128xi32, #tpu.memory_space<hbm>> -> memref<1x80x128xi32, #tpu.memory_space<hbm>>
      %dma_wait3A_312 = tpu.memref_squeeze %dma_wait3A_311 : memref<1x80x128xi32, #tpu.memory_space<hbm>> -> memref<80x128xi32, #tpu.memory_space<hbm>>
      tpu.wait_dma2 semaphore(%run_scoped3A : memref<!tpu.dma_semaphore, #tpu.memory_space<semaphore_mem>>) src(%dma_wait3A_312 : memref<80x128xi32, #tpu.memory_space<hbm>>) dst(%arg4 : memref<80x128xi32, #tpu.memory_space<vmem>>)
      tpu.yield
    }) : () -> ()
    %barrier3A = arith.constant 0 : index
    tpu.barrier barrier_id(%barrier3A)
    %scan3A = arith.constant 0 : i32
    %scan3A_289 = arith.constant 0 : i32
    %scan3A_290 = arith.constant 80 : i32
    %scan3A_291 = arith.addi %scan3A_289, %scan3A_290 : i32
    %scan3A_292 = arith.constant 1 : i32
    scf.for %scan3A_299 = %scan3A_289 to %scan3A_291 step %scan3A_292  : i32 {
      "tpu.region"() ({
        %run_scoped3A = tpu.sem_alloc : memref<!tpu.dma_semaphore, #tpu.memory_space<semaphore_mem>>
        %dma_start3A = arith.constant 0 : i32
        %dma_start3A_300 = tpu.memref_slice %arg4[%scan3A_299, %dma_start3A] : memref<80x128xi32, #tpu.memory_space<vmem>> -> memref<1x128xi32, #tpu.memory_space<vmem>>
        %dma_start3A_301 = tpu.memref_squeeze %dma_start3A_300 : memref<1x128xi32, #tpu.memory_space<vmem>> -> memref<128xi32, #tpu.memory_space<vmem>>
        %dma_start3A_302 = arith.constant 0 : i32
        %dma_start3A_303 = tpu.memref_slice %arg7[%dma_start3A_302] : memref<10240xf32, #tpu.memory_space<vmem_shared>> -> memref<10240xf32, #tpu.memory_space<vmem_shared>>
        tpu.enqueue_indirect_dma source(%arg5 : memref<128xf32, #tpu.memory_space<vmem>>) target(%dma_start3A_303 : memref<10240xf32, #tpu.memory_space<vmem_shared>>) offsets(%dma_start3A_301 : memref<128xi32, #tpu.memory_space<vmem>>) semaphore(%run_scoped3A : memref<!tpu.dma_semaphore, #tpu.memory_space<semaphore_mem>>) {add = true}
        %dma_wait3A = arith.constant 0 : i32
        %dma_wait3A_304 = tpu.memref_slice %arg4[%scan3A_299, %dma_wait3A] : memref<80x128xi32, #tpu.memory_space<vmem>> -> memref<1x128xi32, #tpu.memory_space<vmem>>
        %dma_wait3A_305 = tpu.memref_squeeze %dma_wait3A_304 : memref<1x128xi32, #tpu.memory_space<vmem>> -> memref<128xi32, #tpu.memory_space<vmem>>
        %dma_wait3A_306 = arith.constant 0 : i32
        %dma_wait3A_307 = tpu.memref_slice %arg7[%dma_wait3A_306] : memref<10240xf32, #tpu.memory_space<vmem_shared>> -> memref<10240xf32, #tpu.memory_space<vmem_shared>>
        tpu.wait_indirect_dma semaphore(%run_scoped3A : memref<!tpu.dma_semaphore, #tpu.memory_space<semaphore_mem>>) src(%arg5 : memref<128xf32, #tpu.memory_space<vmem>>) dst(%dma_wait3A_307 : memref<10240xf32, #tpu.memory_space<vmem_shared>>)
        tpu.yield
      }) : () -> ()
    }
    %scan3A_293 = arith.constant 80 : i32
    %barrier3A_294 = arith.constant 0 : index
    tpu.barrier barrier_id(%barrier3A_294)
    %mul3A_295 = arith.constant 640 : i32
    %mul3A_296 = arith.muli %arg1, %mul3A_295 : i32
    %mul3A_297 = arith.constant 640 : i32
    %mul3A_298 = arith.muli %arg1, %mul3A_297 : i32
    "tpu.region"() ({
      %run_scoped3A = tpu.sem_alloc : memref<!tpu.dma_semaphore, #tpu.memory_space<semaphore_mem>>
      %dma_start3A = tpu.memref_slice %arg3[%arg0, %mul3A_298] : memref<2x10240xf32, #tpu.memory_space<hbm>> -> memref<1x640xf32, #tpu.memory_space<hbm>>
      %dma_start3A_299 = tpu.memref_squeeze %dma_start3A : memref<1x640xf32, #tpu.memory_space<hbm>> -> memref<640xf32, #tpu.memory_space<hbm>>
      %dma_start3A_300 = tpu.memref_slice %arg7[%mul3A_296] : memref<10240xf32, #tpu.memory_space<vmem_shared>> -> memref<640xf32, #tpu.memory_space<vmem_shared>>
      tpu.enqueue_dma source(%dma_start3A_300 : memref<640xf32, #tpu.memory_space<vmem_shared>>) target(%dma_start3A_299 : memref<640xf32, #tpu.memory_space<hbm>>) target_semaphore(%run_scoped3A : memref<!tpu.dma_semaphore, #tpu.memory_space<semaphore_mem>>)
      %dma_wait3A = tpu.memref_slice %arg3[%arg0, %mul3A_298] : memref<2x10240xf32, #tpu.memory_space<hbm>> -> memref<1x640xf32, #tpu.memory_space<hbm>>
      %dma_wait3A_301 = tpu.memref_squeeze %dma_wait3A : memref<1x640xf32, #tpu.memory_space<hbm>> -> memref<640xf32, #tpu.memory_space<hbm>>
      %dma_wait3A_302 = tpu.memref_slice %arg7[%mul3A_296] : memref<10240xf32, #tpu.memory_space<vmem_shared>> -> memref<640xf32, #tpu.memory_space<vmem_shared>>
      tpu.wait_dma2 semaphore(%run_scoped3A : memref<!tpu.dma_semaphore, #tpu.memory_space<semaphore_mem>>) src(%dma_wait3A_302 : memref<640xf32, #tpu.memory_space<vmem_shared>>) dst(%dma_wait3A_301 : memref<640xf32, #tpu.memory_space<hbm>>)
      tpu.yield
    }) : () -> ()
    return
  }
}

#map = affine_map<(d0, d1) -> (0, 0)>
#map1 = affine_map<(d0, d1) -> (0, 0, 0)>
module attributes {stable_mosaic.version = 14 : i64} {
  func.func @msg_kernel(%arg0: i32, %arg1: i32, %arg2: memref<10240x128xf32, #tpu.memory_space<hbm>>, %arg3: memref<32x80x128xi32, #tpu.memory_space<hbm>>, %arg4: memref<32x80x128xi32, #tpu.memory_space<hbm>>, %arg5: memref<2x10240x128xf32, #tpu.memory_space<hbm>>, %arg6: memref<2x128xi32, #tpu.memory_space<vmem>>, %arg7: memref<2x128xi32, #tpu.memory_space<vmem>>, %arg8: memref<2x128xi32, #tpu.memory_space<vmem>>, %arg9: memref<2x128xi32, #tpu.memory_space<vmem>>, %arg10: memref<128x128xf32, #tpu.memory_space<vmem>>, %arg11: memref<128x128xf32, #tpu.memory_space<vmem>>, %arg12: memref<10240x128xf32, #tpu.memory_space<vmem_shared>>, %arg13: memref<!tpu.dma_semaphore, #tpu.memory_space<semaphore_mem>>, %arg14: memref<!tpu.dma_semaphore, #tpu.memory_space<semaphore_mem>>, %arg15: memref<!tpu.dma_semaphore, #tpu.memory_space<semaphore_mem>>, %arg16: memref<!tpu.dma_semaphore, #tpu.memory_space<semaphore_mem>>) attributes {dimension_semantics = [#tpu.dimension_semantics<core_parallel>, #tpu.dimension_semantics<subcore_parallel>], iteration_bounds = array<i64: 2, 16>, scalar_prefetch = 0 : i64, scratch_operands = 11 : i64, tpu.core_type = #tpu.core_type<sc_vector_subcore>, window_params = [{transform_indices = #map}, {transform_indices = #map1}, {transform_indices = #map1}, {transform_indices = #map1}]} {
    %mul3A = arith.constant 2 : i32
    %mul3A_0 = arith.muli %arg1, %mul3A : i32
    %add3A = arith.addi %mul3A_0, %arg0 : i32
    %mul3A_1 = arith.constant 640 : i32
    %mul3A_2 = arith.muli %arg1, %mul3A_1 : i32
    %mul3A_3 = arith.constant 640 : i32
    %mul3A_4 = arith.muli %arg1, %mul3A_3 : i32
    "tpu.region"() ({
      %run_scoped3A = tpu.sem_alloc : memref<!tpu.dma_semaphore, #tpu.memory_space<semaphore_mem>>
      %dma_start3A_37 = arith.constant 0 : i32
      %dma_start3A_38 = tpu.memref_slice %arg12[%mul3A_4, %dma_start3A_37] : memref<10240x128xf32, #tpu.memory_space<vmem_shared>> -> memref<640x128xf32, #tpu.memory_space<vmem_shared>>
      %dma_start3A_39 = arith.constant 0 : i32
      %dma_start3A_40 = tpu.memref_slice %arg2[%mul3A_2, %dma_start3A_39] : memref<10240x128xf32, #tpu.memory_space<hbm>> -> memref<640x128xf32, #tpu.memory_space<hbm>>
      tpu.enqueue_dma source(%dma_start3A_40 : memref<640x128xf32, #tpu.memory_space<hbm>>) target(%dma_start3A_38 : memref<640x128xf32, #tpu.memory_space<vmem_shared>>) target_semaphore(%run_scoped3A : memref<!tpu.dma_semaphore, #tpu.memory_space<semaphore_mem>>)
      %dma_wait3A = arith.constant 0 : i32
      %dma_wait3A_41 = tpu.memref_slice %arg12[%mul3A_4, %dma_wait3A] : memref<10240x128xf32, #tpu.memory_space<vmem_shared>> -> memref<640x128xf32, #tpu.memory_space<vmem_shared>>
      %dma_wait3A_42 = arith.constant 0 : i32
      %dma_wait3A_43 = tpu.memref_slice %arg2[%mul3A_2, %dma_wait3A_42] : memref<10240x128xf32, #tpu.memory_space<hbm>> -> memref<640x128xf32, #tpu.memory_space<hbm>>
      tpu.wait_dma2 semaphore(%run_scoped3A : memref<!tpu.dma_semaphore, #tpu.memory_space<semaphore_mem>>) src(%dma_wait3A_43 : memref<640x128xf32, #tpu.memory_space<hbm>>) dst(%dma_wait3A_41 : memref<640x128xf32, #tpu.memory_space<vmem_shared>>)
      tpu.yield
    }) : () -> ()
    "tpu.region"() ({
      %run_scoped3A = tpu.sem_alloc : memref<!tpu.dma_semaphore, #tpu.memory_space<semaphore_mem>>
      %dma_start3A_37 = arith.constant 0 : i32
      %dma_start3A_38 = arith.constant 0 : i32
      %dma_start3A_39 = tpu.memref_slice %arg3[%add3A, %dma_start3A_37, %dma_start3A_38] : memref<32x80x128xi32, #tpu.memory_space<hbm>> -> memref<1x2x128xi32, #tpu.memory_space<hbm>>
      %dma_start3A_40 = tpu.memref_squeeze %dma_start3A_39 : memref<1x2x128xi32, #tpu.memory_space<hbm>> -> memref<2x128xi32, #tpu.memory_space<hbm>>
      %dma_start3A_41 = arith.constant 0 : i32
      %dma_start3A_42 = arith.constant 0 : i32
      %dma_start3A_43 = tpu.memref_slice %arg3[%add3A, %dma_start3A_41, %dma_start3A_42] : memref<32x80x128xi32, #tpu.memory_space<hbm>> -> memref<1x2x128xi32, #tpu.memory_space<hbm>>
      %dma_start3A_44 = tpu.memref_squeeze %dma_start3A_43 : memref<1x2x128xi32, #tpu.memory_space<hbm>> -> memref<2x128xi32, #tpu.memory_space<hbm>>
      tpu.enqueue_dma source(%dma_start3A_44 : memref<2x128xi32, #tpu.memory_space<hbm>>) target(%arg6 : memref<2x128xi32, #tpu.memory_space<vmem>>) target_semaphore(%run_scoped3A : memref<!tpu.dma_semaphore, #tpu.memory_space<semaphore_mem>>)
      %dma_wait3A = arith.constant 0 : i32
      %dma_wait3A_45 = arith.constant 0 : i32
      %dma_wait3A_46 = tpu.memref_slice %arg3[%add3A, %dma_wait3A, %dma_wait3A_45] : memref<32x80x128xi32, #tpu.memory_space<hbm>> -> memref<1x2x128xi32, #tpu.memory_space<hbm>>
      %dma_wait3A_47 = tpu.memref_squeeze %dma_wait3A_46 : memref<1x2x128xi32, #tpu.memory_space<hbm>> -> memref<2x128xi32, #tpu.memory_space<hbm>>
      %dma_wait3A_48 = arith.constant 0 : i32
      %dma_wait3A_49 = arith.constant 0 : i32
      %dma_wait3A_50 = tpu.memref_slice %arg3[%add3A, %dma_wait3A_48, %dma_wait3A_49] : memref<32x80x128xi32, #tpu.memory_space<hbm>> -> memref<1x2x128xi32, #tpu.memory_space<hbm>>
      %dma_wait3A_51 = tpu.memref_squeeze %dma_wait3A_50 : memref<1x2x128xi32, #tpu.memory_space<hbm>> -> memref<2x128xi32, #tpu.memory_space<hbm>>
      tpu.wait_dma2 semaphore(%run_scoped3A : memref<!tpu.dma_semaphore, #tpu.memory_space<semaphore_mem>>) src(%dma_wait3A_51 : memref<2x128xi32, #tpu.memory_space<hbm>>) dst(%arg6 : memref<2x128xi32, #tpu.memory_space<vmem>>)
      tpu.yield
    }) : () -> ()
    "tpu.region"() ({
      %run_scoped3A = tpu.sem_alloc : memref<!tpu.dma_semaphore, #tpu.memory_space<semaphore_mem>>
      %dma_start3A_37 = arith.constant 0 : i32
      %dma_start3A_38 = arith.constant 0 : i32
      %dma_start3A_39 = tpu.memref_slice %arg4[%add3A, %dma_start3A_37, %dma_start3A_38] : memref<32x80x128xi32, #tpu.memory_space<hbm>> -> memref<1x2x128xi32, #tpu.memory_space<hbm>>
      %dma_start3A_40 = tpu.memref_squeeze %dma_start3A_39 : memref<1x2x128xi32, #tpu.memory_space<hbm>> -> memref<2x128xi32, #tpu.memory_space<hbm>>
      %dma_start3A_41 = arith.constant 0 : i32
      %dma_start3A_42 = arith.constant 0 : i32
      %dma_start3A_43 = tpu.memref_slice %arg4[%add3A, %dma_start3A_41, %dma_start3A_42] : memref<32x80x128xi32, #tpu.memory_space<hbm>> -> memref<1x2x128xi32, #tpu.memory_space<hbm>>
      %dma_start3A_44 = tpu.memref_squeeze %dma_start3A_43 : memref<1x2x128xi32, #tpu.memory_space<hbm>> -> memref<2x128xi32, #tpu.memory_space<hbm>>
      tpu.enqueue_dma source(%dma_start3A_44 : memref<2x128xi32, #tpu.memory_space<hbm>>) target(%arg7 : memref<2x128xi32, #tpu.memory_space<vmem>>) target_semaphore(%run_scoped3A : memref<!tpu.dma_semaphore, #tpu.memory_space<semaphore_mem>>)
      %dma_wait3A = arith.constant 0 : i32
      %dma_wait3A_45 = arith.constant 0 : i32
      %dma_wait3A_46 = tpu.memref_slice %arg4[%add3A, %dma_wait3A, %dma_wait3A_45] : memref<32x80x128xi32, #tpu.memory_space<hbm>> -> memref<1x2x128xi32, #tpu.memory_space<hbm>>
      %dma_wait3A_47 = tpu.memref_squeeze %dma_wait3A_46 : memref<1x2x128xi32, #tpu.memory_space<hbm>> -> memref<2x128xi32, #tpu.memory_space<hbm>>
      %dma_wait3A_48 = arith.constant 0 : i32
      %dma_wait3A_49 = arith.constant 0 : i32
      %dma_wait3A_50 = tpu.memref_slice %arg4[%add3A, %dma_wait3A_48, %dma_wait3A_49] : memref<32x80x128xi32, #tpu.memory_space<hbm>> -> memref<1x2x128xi32, #tpu.memory_space<hbm>>
      %dma_wait3A_51 = tpu.memref_squeeze %dma_wait3A_50 : memref<1x2x128xi32, #tpu.memory_space<hbm>> -> memref<2x128xi32, #tpu.memory_space<hbm>>
      tpu.wait_dma2 semaphore(%run_scoped3A : memref<!tpu.dma_semaphore, #tpu.memory_space<semaphore_mem>>) src(%dma_wait3A_51 : memref<2x128xi32, #tpu.memory_space<hbm>>) dst(%arg7 : memref<2x128xi32, #tpu.memory_space<vmem>>)
      tpu.yield
    }) : () -> ()
    %dma_start3A = arith.constant 2 : i32
    %dma_start3A_5 = arith.constant 0 : i32
    %dma_start3A_6 = tpu.memref_slice %arg3[%add3A, %dma_start3A, %dma_start3A_5] : memref<32x80x128xi32, #tpu.memory_space<hbm>> -> memref<1x2x128xi32, #tpu.memory_space<hbm>>
    %dma_start3A_7 = tpu.memref_squeeze %dma_start3A_6 : memref<1x2x128xi32, #tpu.memory_space<hbm>> -> memref<2x128xi32, #tpu.memory_space<hbm>>
    %dma_start3A_8 = arith.constant 2 : i32
    %dma_start3A_9 = arith.constant 0 : i32
    %dma_start3A_10 = tpu.memref_slice %arg3[%add3A, %dma_start3A_8, %dma_start3A_9] : memref<32x80x128xi32, #tpu.memory_space<hbm>> -> memref<1x2x128xi32, #tpu.memory_space<hbm>>
    %dma_start3A_11 = tpu.memref_squeeze %dma_start3A_10 : memref<1x2x128xi32, #tpu.memory_space<hbm>> -> memref<2x128xi32, #tpu.memory_space<hbm>>
    tpu.enqueue_dma source(%dma_start3A_11 : memref<2x128xi32, #tpu.memory_space<hbm>>) target(%arg8 : memref<2x128xi32, #tpu.memory_space<vmem>>) target_semaphore(%arg16 : memref<!tpu.dma_semaphore, #tpu.memory_space<semaphore_mem>>)
    %dma_start3A_12 = arith.constant 2 : i32
    %dma_start3A_13 = arith.constant 0 : i32
    %dma_start3A_14 = tpu.memref_slice %arg4[%add3A, %dma_start3A_12, %dma_start3A_13] : memref<32x80x128xi32, #tpu.memory_space<hbm>> -> memref<1x2x128xi32, #tpu.memory_space<hbm>>
    %dma_start3A_15 = tpu.memref_squeeze %dma_start3A_14 : memref<1x2x128xi32, #tpu.memory_space<hbm>> -> memref<2x128xi32, #tpu.memory_space<hbm>>
    %dma_start3A_16 = arith.constant 2 : i32
    %dma_start3A_17 = arith.constant 0 : i32
    %dma_start3A_18 = tpu.memref_slice %arg4[%add3A, %dma_start3A_16, %dma_start3A_17] : memref<32x80x128xi32, #tpu.memory_space<hbm>> -> memref<1x2x128xi32, #tpu.memory_space<hbm>>
    %dma_start3A_19 = tpu.memref_squeeze %dma_start3A_18 : memref<1x2x128xi32, #tpu.memory_space<hbm>> -> memref<2x128xi32, #tpu.memory_space<hbm>>
    tpu.enqueue_dma source(%dma_start3A_19 : memref<2x128xi32, #tpu.memory_space<hbm>>) target(%arg9 : memref<2x128xi32, #tpu.memory_space<vmem>>) target_semaphore(%arg16 : memref<!tpu.dma_semaphore, #tpu.memory_space<semaphore_mem>>)
    %barrier3A = arith.constant 0 : index
    tpu.barrier barrier_id(%barrier3A)
    %dma_start3A_20 = arith.constant 0 : i32
    %dma_start3A_21 = arith.constant 0 : i32
    %dma_start3A_22 = tpu.memref_slice %arg6[%dma_start3A_20, %dma_start3A_21] : memref<2x128xi32, #tpu.memory_space<vmem>> -> memref<1x128xi32, #tpu.memory_space<vmem>>
    %dma_start3A_23 = tpu.memref_squeeze %dma_start3A_22 : memref<1x128xi32, #tpu.memory_space<vmem>> -> memref<128xi32, #tpu.memory_space<vmem>>
    %dma_start3A_24 = arith.constant 0 : i32
    %dma_start3A_25 = arith.constant 0 : i32
    %dma_start3A_26 = tpu.memref_slice %arg2[%dma_start3A_24, %dma_start3A_25] : memref<10240x128xf32, #tpu.memory_space<hbm>> -> memref<10240x128xf32, #tpu.memory_space<hbm>>
    tpu.enqueue_indirect_dma source(%dma_start3A_26 : memref<10240x128xf32, #tpu.memory_space<hbm>>) target(%arg10 : memref<128x128xf32, #tpu.memory_space<vmem>>) offsets(%dma_start3A_23 : memref<128xi32, #tpu.memory_space<vmem>>) semaphore(%arg13 : memref<!tpu.dma_semaphore, #tpu.memory_space<semaphore_mem>>)
    %scan3A = arith.constant 0 : i32
    %scan3A_27 = arith.constant 0 : i32
    %scan3A_28 = arith.constant 20 : i32
    %scan3A_29 = arith.addi %scan3A_27, %scan3A_28 : i32
    %scan3A_30 = arith.constant 1 : i32
    scf.for %scan3A_37 = %scan3A_27 to %scan3A_29 step %scan3A_30  : i32 {
      %mul3A_38 = arith.constant 4 : i32
      %mul3A_39 = arith.muli %mul3A_38, %scan3A_37 : i32
      %add3A_40 = arith.constant 1 : i32
      %add3A_41 = arith.addi %scan3A_37, %add3A_40 : i32
      %lt3A = arith.constant 20 : i32
      %lt3A_42 = arith.cmpi slt, %add3A_41, %lt3A : i32
      %dma_wait3A = arith.constant 0 : i32
      %dma_wait3A_43 = arith.constant 0 : i32
      %dma_wait3A_44 = tpu.memref_slice %arg6[%dma_wait3A, %dma_wait3A_43] : memref<2x128xi32, #tpu.memory_space<vmem>> -> memref<1x128xi32, #tpu.memory_space<vmem>>
      %dma_wait3A_45 = tpu.memref_squeeze %dma_wait3A_44 : memref<1x128xi32, #tpu.memory_space<vmem>> -> memref<128xi32, #tpu.memory_space<vmem>>
      %dma_wait3A_46 = arith.constant 0 : i32
      %dma_wait3A_47 = arith.constant 0 : i32
      %dma_wait3A_48 = tpu.memref_slice %arg2[%dma_wait3A_46, %dma_wait3A_47] : memref<10240x128xf32, #tpu.memory_space<hbm>> -> memref<10240x128xf32, #tpu.memory_space<hbm>>
      tpu.wait_indirect_dma semaphore(%arg13 : memref<!tpu.dma_semaphore, #tpu.memory_space<semaphore_mem>>) src(%dma_wait3A_48 : memref<10240x128xf32, #tpu.memory_space<hbm>>) dst(%arg10 : memref<128x128xf32, #tpu.memory_space<vmem>>)
      %dma_start3A_49 = arith.constant 1 : i32
      %dma_start3A_50 = arith.constant 0 : i32
      %dma_start3A_51 = tpu.memref_slice %arg6[%dma_start3A_49, %dma_start3A_50] : memref<2x128xi32, #tpu.memory_space<vmem>> -> memref<1x128xi32, #tpu.memory_space<vmem>>
      %dma_start3A_52 = tpu.memref_squeeze %dma_start3A_51 : memref<1x128xi32, #tpu.memory_space<vmem>> -> memref<128xi32, #tpu.memory_space<vmem>>
      %dma_start3A_53 = arith.constant 0 : i32
      %dma_start3A_54 = arith.constant 0 : i32
      %dma_start3A_55 = tpu.memref_slice %arg2[%dma_start3A_53, %dma_start3A_54] : memref<10240x128xf32, #tpu.memory_space<hbm>> -> memref<10240x128xf32, #tpu.memory_space<hbm>>
      tpu.enqueue_indirect_dma source(%dma_start3A_55 : memref<10240x128xf32, #tpu.memory_space<hbm>>) target(%arg11 : memref<128x128xf32, #tpu.memory_space<vmem>>) offsets(%dma_start3A_52 : memref<128xi32, #tpu.memory_space<vmem>>) semaphore(%arg14 : memref<!tpu.dma_semaphore, #tpu.memory_space<semaphore_mem>>)
      %run_scoped3A = arith.constant 0 : i32
      "tpu.region"() ({
        %run_scoped3A_120 = tpu.sem_alloc : memref<!tpu.dma_semaphore, #tpu.memory_space<semaphore_mem>>
        %dma_start3A_121 = arith.constant 0 : i32
        %dma_start3A_122 = tpu.memref_slice %arg7[%run_scoped3A, %dma_start3A_121] : memref<2x128xi32, #tpu.memory_space<vmem>> -> memref<1x128xi32, #tpu.memory_space<vmem>>
        %dma_start3A_123 = tpu.memref_squeeze %dma_start3A_122 : memref<1x128xi32, #tpu.memory_space<vmem>> -> memref<128xi32, #tpu.memory_space<vmem>>
        %dma_start3A_124 = arith.constant 0 : i32
        %dma_start3A_125 = arith.constant 0 : i32
        %dma_start3A_126 = tpu.memref_slice %arg12[%dma_start3A_124, %dma_start3A_125] : memref<10240x128xf32, #tpu.memory_space<vmem_shared>> -> memref<10240x128xf32, #tpu.memory_space<vmem_shared>>
        tpu.enqueue_indirect_dma source(%arg10 : memref<128x128xf32, #tpu.memory_space<vmem>>) target(%dma_start3A_126 : memref<10240x128xf32, #tpu.memory_space<vmem_shared>>) offsets(%dma_start3A_123 : memref<128xi32, #tpu.memory_space<vmem>>) semaphore(%run_scoped3A_120 : memref<!tpu.dma_semaphore, #tpu.memory_space<semaphore_mem>>) {add = true}
        %dma_wait3A_127 = arith.constant 0 : i32
        %dma_wait3A_128 = tpu.memref_slice %arg7[%run_scoped3A, %dma_wait3A_127] : memref<2x128xi32, #tpu.memory_space<vmem>> -> memref<1x128xi32, #tpu.memory_space<vmem>>
        %dma_wait3A_129 = tpu.memref_squeeze %dma_wait3A_128 : memref<1x128xi32, #tpu.memory_space<vmem>> -> memref<128xi32, #tpu.memory_space<vmem>>
        %dma_wait3A_130 = arith.constant 0 : i32
        %dma_wait3A_131 = arith.constant 0 : i32
        %dma_wait3A_132 = tpu.memref_slice %arg12[%dma_wait3A_130, %dma_wait3A_131] : memref<10240x128xf32, #tpu.memory_space<vmem_shared>> -> memref<10240x128xf32, #tpu.memory_space<vmem_shared>>
        tpu.wait_indirect_dma semaphore(%run_scoped3A_120 : memref<!tpu.dma_semaphore, #tpu.memory_space<semaphore_mem>>) src(%arg10 : memref<128x128xf32, #tpu.memory_space<vmem>>) dst(%dma_wait3A_132 : memref<10240x128xf32, #tpu.memory_space<vmem_shared>>)
        tpu.yield
      }) : () -> ()
      %dma_wait3A_56 = arith.constant 1 : i32
      %dma_wait3A_57 = arith.constant 0 : i32
      %dma_wait3A_58 = tpu.memref_slice %arg6[%dma_wait3A_56, %dma_wait3A_57] : memref<2x128xi32, #tpu.memory_space<vmem>> -> memref<1x128xi32, #tpu.memory_space<vmem>>
      %dma_wait3A_59 = tpu.memref_squeeze %dma_wait3A_58 : memref<1x128xi32, #tpu.memory_space<vmem>> -> memref<128xi32, #tpu.memory_space<vmem>>
      %dma_wait3A_60 = arith.constant 0 : i32
      %dma_wait3A_61 = arith.constant 0 : i32
      %dma_wait3A_62 = tpu.memref_slice %arg2[%dma_wait3A_60, %dma_wait3A_61] : memref<10240x128xf32, #tpu.memory_space<hbm>> -> memref<10240x128xf32, #tpu.memory_space<hbm>>
      tpu.wait_indirect_dma semaphore(%arg14 : memref<!tpu.dma_semaphore, #tpu.memory_space<semaphore_mem>>) src(%dma_wait3A_62 : memref<10240x128xf32, #tpu.memory_space<hbm>>) dst(%arg11 : memref<128x128xf32, #tpu.memory_space<vmem>>)
      %dma_wait3A_63 = arith.constant 2 : i32
      %dma_wait3A_64 = arith.constant 0 : i32
      %dma_wait3A_65 = tpu.memref_slice %arg3[%add3A, %dma_wait3A_63, %dma_wait3A_64] : memref<32x80x128xi32, #tpu.memory_space<hbm>> -> memref<1x2x128xi32, #tpu.memory_space<hbm>>
      %dma_wait3A_66 = tpu.memref_squeeze %dma_wait3A_65 : memref<1x2x128xi32, #tpu.memory_space<hbm>> -> memref<2x128xi32, #tpu.memory_space<hbm>>
      %dma_wait3A_67 = arith.constant 2 : i32
      %dma_wait3A_68 = arith.constant 0 : i32
      %dma_wait3A_69 = tpu.memref_slice %arg3[%add3A, %dma_wait3A_67, %dma_wait3A_68] : memref<32x80x128xi32, #tpu.memory_space<hbm>> -> memref<1x2x128xi32, #tpu.memory_space<hbm>>
      %dma_wait3A_70 = tpu.memref_squeeze %dma_wait3A_69 : memref<1x2x128xi32, #tpu.memory_space<hbm>> -> memref<2x128xi32, #tpu.memory_space<hbm>>
      tpu.wait_dma2 semaphore(%arg16 : memref<!tpu.dma_semaphore, #tpu.memory_space<semaphore_mem>>) src(%dma_wait3A_70 : memref<2x128xi32, #tpu.memory_space<hbm>>) dst(%arg8 : memref<2x128xi32, #tpu.memory_space<vmem>>)
      %dma_wait3A_71 = arith.constant 2 : i32
      %dma_wait3A_72 = arith.constant 0 : i32
      %dma_wait3A_73 = tpu.memref_slice %arg4[%add3A, %dma_wait3A_71, %dma_wait3A_72] : memref<32x80x128xi32, #tpu.memory_space<hbm>> -> memref<1x2x128xi32, #tpu.memory_space<hbm>>
      %dma_wait3A_74 = tpu.memref_squeeze %dma_wait3A_73 : memref<1x2x128xi32, #tpu.memory_space<hbm>> -> memref<2x128xi32, #tpu.memory_space<hbm>>
      %dma_wait3A_75 = arith.constant 2 : i32
      %dma_wait3A_76 = arith.constant 0 : i32
      %dma_wait3A_77 = tpu.memref_slice %arg4[%add3A, %dma_wait3A_75, %dma_wait3A_76] : memref<32x80x128xi32, #tpu.memory_space<hbm>> -> memref<1x2x128xi32, #tpu.memory_space<hbm>>
      %dma_wait3A_78 = tpu.memref_squeeze %dma_wait3A_77 : memref<1x2x128xi32, #tpu.memory_space<hbm>> -> memref<2x128xi32, #tpu.memory_space<hbm>>
      tpu.wait_dma2 semaphore(%arg16 : memref<!tpu.dma_semaphore, #tpu.memory_space<semaphore_mem>>) src(%dma_wait3A_78 : memref<2x128xi32, #tpu.memory_space<hbm>>) dst(%arg9 : memref<2x128xi32, #tpu.memory_space<vmem>>)
      %dma_start3A_79 = arith.constant 0 : i32
      %dma_start3A_80 = arith.constant 0 : i32
      %dma_start3A_81 = tpu.memref_slice %arg8[%dma_start3A_79, %dma_start3A_80] : memref<2x128xi32, #tpu.memory_space<vmem>> -> memref<1x128xi32, #tpu.memory_space<vmem>>
      %dma_start3A_82 = tpu.memref_squeeze %dma_start3A_81 : memref<1x128xi32, #tpu.memory_space<vmem>> -> memref<128xi32, #tpu.memory_space<vmem>>
      %dma_start3A_83 = arith.constant 0 : i32
      %dma_start3A_84 = arith.constant 0 : i32
      %dma_start3A_85 = tpu.memref_slice %arg2[%dma_start3A_83, %dma_start3A_84] : memref<10240x128xf32, #tpu.memory_space<hbm>> -> memref<10240x128xf32, #tpu.memory_space<hbm>>
      tpu.enqueue_indirect_dma source(%dma_start3A_85 : memref<10240x128xf32, #tpu.memory_space<hbm>>) target(%arg10 : memref<128x128xf32, #tpu.memory_space<vmem>>) offsets(%dma_start3A_82 : memref<128xi32, #tpu.memory_space<vmem>>) semaphore(%arg13 : memref<!tpu.dma_semaphore, #tpu.memory_space<semaphore_mem>>)
      %run_scoped3A_86 = arith.constant 1 : i32
      "tpu.region"() ({
        %run_scoped3A_120 = tpu.sem_alloc : memref<!tpu.dma_semaphore, #tpu.memory_space<semaphore_mem>>
        %dma_start3A_121 = arith.constant 0 : i32
        %dma_start3A_122 = tpu.memref_slice %arg7[%run_scoped3A_86, %dma_start3A_121] : memref<2x128xi32, #tpu.memory_space<vmem>> -> memref<1x128xi32, #tpu.memory_space<vmem>>
        %dma_start3A_123 = tpu.memref_squeeze %dma_start3A_122 : memref<1x128xi32, #tpu.memory_space<vmem>> -> memref<128xi32, #tpu.memory_space<vmem>>
        %dma_start3A_124 = arith.constant 0 : i32
        %dma_start3A_125 = arith.constant 0 : i32
        %dma_start3A_126 = tpu.memref_slice %arg12[%dma_start3A_124, %dma_start3A_125] : memref<10240x128xf32, #tpu.memory_space<vmem_shared>> -> memref<10240x128xf32, #tpu.memory_space<vmem_shared>>
        tpu.enqueue_indirect_dma source(%arg11 : memref<128x128xf32, #tpu.memory_space<vmem>>) target(%dma_start3A_126 : memref<10240x128xf32, #tpu.memory_space<vmem_shared>>) offsets(%dma_start3A_123 : memref<128xi32, #tpu.memory_space<vmem>>) semaphore(%run_scoped3A_120 : memref<!tpu.dma_semaphore, #tpu.memory_space<semaphore_mem>>) {add = true}
        %dma_wait3A_127 = arith.constant 0 : i32
        %dma_wait3A_128 = tpu.memref_slice %arg7[%run_scoped3A_86, %dma_wait3A_127] : memref<2x128xi32, #tpu.memory_space<vmem>> -> memref<1x128xi32, #tpu.memory_space<vmem>>
        %dma_wait3A_129 = tpu.memref_squeeze %dma_wait3A_128 : memref<1x128xi32, #tpu.memory_space<vmem>> -> memref<128xi32, #tpu.memory_space<vmem>>
        %dma_wait3A_130 = arith.constant 0 : i32
        %dma_wait3A_131 = arith.constant 0 : i32
        %dma_wait3A_132 = tpu.memref_slice %arg12[%dma_wait3A_130, %dma_wait3A_131] : memref<10240x128xf32, #tpu.memory_space<vmem_shared>> -> memref<10240x128xf32, #tpu.memory_space<vmem_shared>>
        tpu.wait_indirect_dma semaphore(%run_scoped3A_120 : memref<!tpu.dma_semaphore, #tpu.memory_space<semaphore_mem>>) src(%arg11 : memref<128x128xf32, #tpu.memory_space<vmem>>) dst(%dma_wait3A_132 : memref<10240x128xf32, #tpu.memory_space<vmem_shared>>)
        tpu.yield
      }) : () -> ()
      %convert_element_type3A = arith.extui %lt3A_42 : i1 to i32
      %cond3A = arith.constant 0 : i32
      %cond3A_87 = arith.cmpi ne, %convert_element_type3A, %cond3A : i32
      scf.if %cond3A_87 {
        %add3A_120 = arith.constant 4 : i32
        %add3A_121 = arith.addi %mul3A_39, %add3A_120 : i32
        %dma_start3A_122 = arith.constant 0 : i32
        %dma_start3A_123 = tpu.memref_slice %arg3[%add3A, %add3A_121, %dma_start3A_122] : memref<32x80x128xi32, #tpu.memory_space<hbm>> -> memref<1x2x128xi32, #tpu.memory_space<hbm>>
        %dma_start3A_124 = tpu.memref_squeeze %dma_start3A_123 : memref<1x2x128xi32, #tpu.memory_space<hbm>> -> memref<2x128xi32, #tpu.memory_space<hbm>>
        %dma_start3A_125 = arith.constant 0 : i32
        %dma_start3A_126 = tpu.memref_slice %arg3[%add3A, %add3A_121, %dma_start3A_125] : memref<32x80x128xi32, #tpu.memory_space<hbm>> -> memref<1x2x128xi32, #tpu.memory_space<hbm>>
        %dma_start3A_127 = tpu.memref_squeeze %dma_start3A_126 : memref<1x2x128xi32, #tpu.memory_space<hbm>> -> memref<2x128xi32, #tpu.memory_space<hbm>>
        tpu.enqueue_dma source(%dma_start3A_127 : memref<2x128xi32, #tpu.memory_space<hbm>>) target(%arg6 : memref<2x128xi32, #tpu.memory_space<vmem>>) target_semaphore(%arg15 : memref<!tpu.dma_semaphore, #tpu.memory_space<semaphore_mem>>)
        %add3A_128 = arith.constant 4 : i32
        %add3A_129 = arith.addi %mul3A_39, %add3A_128 : i32
        %dma_start3A_130 = arith.constant 0 : i32
        %dma_start3A_131 = tpu.memref_slice %arg4[%add3A, %add3A_129, %dma_start3A_130] : memref<32x80x128xi32, #tpu.memory_space<hbm>> -> memref<1x2x128xi32, #tpu.memory_space<hbm>>
        %dma_start3A_132 = tpu.memref_squeeze %dma_start3A_131 : memref<1x2x128xi32, #tpu.memory_space<hbm>> -> memref<2x128xi32, #tpu.memory_space<hbm>>
        %dma_start3A_133 = arith.constant 0 : i32
        %dma_start3A_134 = tpu.memref_slice %arg4[%add3A, %add3A_129, %dma_start3A_133] : memref<32x80x128xi32, #tpu.memory_space<hbm>> -> memref<1x2x128xi32, #tpu.memory_space<hbm>>
        %dma_start3A_135 = tpu.memref_squeeze %dma_start3A_134 : memref<1x2x128xi32, #tpu.memory_space<hbm>> -> memref<2x128xi32, #tpu.memory_space<hbm>>
        tpu.enqueue_dma source(%dma_start3A_135 : memref<2x128xi32, #tpu.memory_space<hbm>>) target(%arg7 : memref<2x128xi32, #tpu.memory_space<vmem>>) target_semaphore(%arg15 : memref<!tpu.dma_semaphore, #tpu.memory_space<semaphore_mem>>)
      } else {
      }
      %dma_wait3A_88 = arith.constant 0 : i32
      %dma_wait3A_89 = arith.constant 0 : i32
      %dma_wait3A_90 = tpu.memref_slice %arg8[%dma_wait3A_88, %dma_wait3A_89] : memref<2x128xi32, #tpu.memory_space<vmem>> -> memref<1x128xi32, #tpu.memory_space<vmem>>
      %dma_wait3A_91 = tpu.memref_squeeze %dma_wait3A_90 : memref<1x128xi32, #tpu.memory_space<vmem>> -> memref<128xi32, #tpu.memory_space<vmem>>
      %dma_wait3A_92 = arith.constant 0 : i32
      %dma_wait3A_93 = arith.constant 0 : i32
      %dma_wait3A_94 = tpu.memref_slice %arg2[%dma_wait3A_92, %dma_wait3A_93] : memref<10240x128xf32, #tpu.memory_space<hbm>> -> memref<10240x128xf32, #tpu.memory_space<hbm>>
      tpu.wait_indirect_dma semaphore(%arg13 : memref<!tpu.dma_semaphore, #tpu.memory_space<semaphore_mem>>) src(%dma_wait3A_94 : memref<10240x128xf32, #tpu.memory_space<hbm>>) dst(%arg10 : memref<128x128xf32, #tpu.memory_space<vmem>>)
      %dma_start3A_95 = arith.constant 1 : i32
      %dma_start3A_96 = arith.constant 0 : i32
      %dma_start3A_97 = tpu.memref_slice %arg8[%dma_start3A_95, %dma_start3A_96] : memref<2x128xi32, #tpu.memory_space<vmem>> -> memref<1x128xi32, #tpu.memory_space<vmem>>
      %dma_start3A_98 = tpu.memref_squeeze %dma_start3A_97 : memref<1x128xi32, #tpu.memory_space<vmem>> -> memref<128xi32, #tpu.memory_space<vmem>>
      %dma_start3A_99 = arith.constant 0 : i32
      %dma_start3A_100 = arith.constant 0 : i32
      %dma_start3A_101 = tpu.memref_slice %arg2[%dma_start3A_99, %dma_start3A_100] : memref<10240x128xf32, #tpu.memory_space<hbm>> -> memref<10240x128xf32, #tpu.memory_space<hbm>>
      tpu.enqueue_indirect_dma source(%dma_start3A_101 : memref<10240x128xf32, #tpu.memory_space<hbm>>) target(%arg11 : memref<128x128xf32, #tpu.memory_space<vmem>>) offsets(%dma_start3A_98 : memref<128xi32, #tpu.memory_space<vmem>>) semaphore(%arg14 : memref<!tpu.dma_semaphore, #tpu.memory_space<semaphore_mem>>)
      %run_scoped3A_102 = arith.constant 0 : i32
      "tpu.region"() ({
        %run_scoped3A_120 = tpu.sem_alloc : memref<!tpu.dma_semaphore, #tpu.memory_space<semaphore_mem>>
        %dma_start3A_121 = arith.constant 0 : i32
        %dma_start3A_122 = tpu.memref_slice %arg9[%run_scoped3A_102, %dma_start3A_121] : memref<2x128xi32, #tpu.memory_space<vmem>> -> memref<1x128xi32, #tpu.memory_space<vmem>>
        %dma_start3A_123 = tpu.memref_squeeze %dma_start3A_122 : memref<1x128xi32, #tpu.memory_space<vmem>> -> memref<128xi32, #tpu.memory_space<vmem>>
        %dma_start3A_124 = arith.constant 0 : i32
        %dma_start3A_125 = arith.constant 0 : i32
        %dma_start3A_126 = tpu.memref_slice %arg12[%dma_start3A_124, %dma_start3A_125] : memref<10240x128xf32, #tpu.memory_space<vmem_shared>> -> memref<10240x128xf32, #tpu.memory_space<vmem_shared>>
        tpu.enqueue_indirect_dma source(%arg10 : memref<128x128xf32, #tpu.memory_space<vmem>>) target(%dma_start3A_126 : memref<10240x128xf32, #tpu.memory_space<vmem_shared>>) offsets(%dma_start3A_123 : memref<128xi32, #tpu.memory_space<vmem>>) semaphore(%run_scoped3A_120 : memref<!tpu.dma_semaphore, #tpu.memory_space<semaphore_mem>>) {add = true}
        %dma_wait3A_127 = arith.constant 0 : i32
        %dma_wait3A_128 = tpu.memref_slice %arg9[%run_scoped3A_102, %dma_wait3A_127] : memref<2x128xi32, #tpu.memory_space<vmem>> -> memref<1x128xi32, #tpu.memory_space<vmem>>
        %dma_wait3A_129 = tpu.memref_squeeze %dma_wait3A_128 : memref<1x128xi32, #tpu.memory_space<vmem>> -> memref<128xi32, #tpu.memory_space<vmem>>
        %dma_wait3A_130 = arith.constant 0 : i32
        %dma_wait3A_131 = arith.constant 0 : i32
        %dma_wait3A_132 = tpu.memref_slice %arg12[%dma_wait3A_130, %dma_wait3A_131] : memref<10240x128xf32, #tpu.memory_space<vmem_shared>> -> memref<10240x128xf32, #tpu.memory_space<vmem_shared>>
        tpu.wait_indirect_dma semaphore(%run_scoped3A_120 : memref<!tpu.dma_semaphore, #tpu.memory_space<semaphore_mem>>) src(%arg10 : memref<128x128xf32, #tpu.memory_space<vmem>>) dst(%dma_wait3A_132 : memref<10240x128xf32, #tpu.memory_space<vmem_shared>>)
        tpu.yield
      }) : () -> ()
      %convert_element_type3A_103 = arith.extui %lt3A_42 : i1 to i32
      %cond3A_104 = arith.constant 0 : i32
      %cond3A_105 = arith.cmpi ne, %convert_element_type3A_103, %cond3A_104 : i32
      scf.if %cond3A_105 {
        %add3A_120 = arith.constant 4 : i32
        %add3A_121 = arith.addi %mul3A_39, %add3A_120 : i32
        %dma_wait3A_122 = arith.constant 0 : i32
        %dma_wait3A_123 = tpu.memref_slice %arg3[%add3A, %add3A_121, %dma_wait3A_122] : memref<32x80x128xi32, #tpu.memory_space<hbm>> -> memref<1x2x128xi32, #tpu.memory_space<hbm>>
        %dma_wait3A_124 = tpu.memref_squeeze %dma_wait3A_123 : memref<1x2x128xi32, #tpu.memory_space<hbm>> -> memref<2x128xi32, #tpu.memory_space<hbm>>
        %dma_wait3A_125 = arith.constant 0 : i32
        %dma_wait3A_126 = tpu.memref_slice %arg3[%add3A, %add3A_121, %dma_wait3A_125] : memref<32x80x128xi32, #tpu.memory_space<hbm>> -> memref<1x2x128xi32, #tpu.memory_space<hbm>>
        %dma_wait3A_127 = tpu.memref_squeeze %dma_wait3A_126 : memref<1x2x128xi32, #tpu.memory_space<hbm>> -> memref<2x128xi32, #tpu.memory_space<hbm>>
        tpu.wait_dma2 semaphore(%arg15 : memref<!tpu.dma_semaphore, #tpu.memory_space<semaphore_mem>>) src(%dma_wait3A_127 : memref<2x128xi32, #tpu.memory_space<hbm>>) dst(%arg6 : memref<2x128xi32, #tpu.memory_space<vmem>>)
        %add3A_128 = arith.constant 4 : i32
        %add3A_129 = arith.addi %mul3A_39, %add3A_128 : i32
        %dma_wait3A_130 = arith.constant 0 : i32
        %dma_wait3A_131 = tpu.memref_slice %arg4[%add3A, %add3A_129, %dma_wait3A_130] : memref<32x80x128xi32, #tpu.memory_space<hbm>> -> memref<1x2x128xi32, #tpu.memory_space<hbm>>
        %dma_wait3A_132 = tpu.memref_squeeze %dma_wait3A_131 : memref<1x2x128xi32, #tpu.memory_space<hbm>> -> memref<2x128xi32, #tpu.memory_space<hbm>>
        %dma_wait3A_133 = arith.constant 0 : i32
        %dma_wait3A_134 = tpu.memref_slice %arg4[%add3A, %add3A_129, %dma_wait3A_133] : memref<32x80x128xi32, #tpu.memory_space<hbm>> -> memref<1x2x128xi32, #tpu.memory_space<hbm>>
        %dma_wait3A_135 = tpu.memref_squeeze %dma_wait3A_134 : memref<1x2x128xi32, #tpu.memory_space<hbm>> -> memref<2x128xi32, #tpu.memory_space<hbm>>
        tpu.wait_dma2 semaphore(%arg15 : memref<!tpu.dma_semaphore, #tpu.memory_space<semaphore_mem>>) src(%dma_wait3A_135 : memref<2x128xi32, #tpu.memory_space<hbm>>) dst(%arg7 : memref<2x128xi32, #tpu.memory_space<vmem>>)
      } else {
      }
      %dma_wait3A_106 = arith.constant 1 : i32
      %dma_wait3A_107 = arith.constant 0 : i32
      %dma_wait3A_108 = tpu.memref_slice %arg8[%dma_wait3A_106, %dma_wait3A_107] : memref<2x128xi32, #tpu.memory_space<vmem>> -> memref<1x128xi32, #tpu.memory_space<vmem>>
      %dma_wait3A_109 = tpu.memref_squeeze %dma_wait3A_108 : memref<1x128xi32, #tpu.memory_space<vmem>> -> memref<128xi32, #tpu.memory_space<vmem>>
      %dma_wait3A_110 = arith.constant 0 : i32
      %dma_wait3A_111 = arith.constant 0 : i32
      %dma_wait3A_112 = tpu.memref_slice %arg2[%dma_wait3A_110, %dma_wait3A_111] : memref<10240x128xf32, #tpu.memory_space<hbm>> -> memref<10240x128xf32, #tpu.memory_space<hbm>>
      tpu.wait_indirect_dma semaphore(%arg14 : memref<!tpu.dma_semaphore, #tpu.memory_space<semaphore_mem>>) src(%dma_wait3A_112 : memref<10240x128xf32, #tpu.memory_space<hbm>>) dst(%arg11 : memref<128x128xf32, #tpu.memory_space<vmem>>)
      %convert_element_type3A_113 = arith.extui %lt3A_42 : i1 to i32
      %cond3A_114 = arith.constant 0 : i32
      %cond3A_115 = arith.cmpi ne, %convert_element_type3A_113, %cond3A_114 : i32
      scf.if %cond3A_115 {
        %dma_start3A_120 = arith.constant 0 : i32
        %dma_start3A_121 = arith.constant 0 : i32
        %dma_start3A_122 = tpu.memref_slice %arg6[%dma_start3A_120, %dma_start3A_121] : memref<2x128xi32, #tpu.memory_space<vmem>> -> memref<1x128xi32, #tpu.memory_space<vmem>>
        %dma_start3A_123 = tpu.memref_squeeze %dma_start3A_122 : memref<1x128xi32, #tpu.memory_space<vmem>> -> memref<128xi32, #tpu.memory_space<vmem>>
        %dma_start3A_124 = arith.constant 0 : i32
        %dma_start3A_125 = arith.constant 0 : i32
        %dma_start3A_126 = tpu.memref_slice %arg2[%dma_start3A_124, %dma_start3A_125] : memref<10240x128xf32, #tpu.memory_space<hbm>> -> memref<10240x128xf32, #tpu.memory_space<hbm>>
        tpu.enqueue_indirect_dma source(%dma_start3A_126 : memref<10240x128xf32, #tpu.memory_space<hbm>>) target(%arg10 : memref<128x128xf32, #tpu.memory_space<vmem>>) offsets(%dma_start3A_123 : memref<128xi32, #tpu.memory_space<vmem>>) semaphore(%arg13 : memref<!tpu.dma_semaphore, #tpu.memory_space<semaphore_mem>>)
      } else {
      }
      %run_scoped3A_116 = arith.constant 1 : i32
      "tpu.region"() ({
        %run_scoped3A_120 = tpu.sem_alloc : memref<!tpu.dma_semaphore, #tpu.memory_space<semaphore_mem>>
        %dma_start3A_121 = arith.constant 0 : i32
        %dma_start3A_122 = tpu.memref_slice %arg9[%run_scoped3A_116, %dma_start3A_121] : memref<2x128xi32, #tpu.memory_space<vmem>> -> memref<1x128xi32, #tpu.memory_space<vmem>>
        %dma_start3A_123 = tpu.memref_squeeze %dma_start3A_122 : memref<1x128xi32, #tpu.memory_space<vmem>> -> memref<128xi32, #tpu.memory_space<vmem>>
        %dma_start3A_124 = arith.constant 0 : i32
        %dma_start3A_125 = arith.constant 0 : i32
        %dma_start3A_126 = tpu.memref_slice %arg12[%dma_start3A_124, %dma_start3A_125] : memref<10240x128xf32, #tpu.memory_space<vmem_shared>> -> memref<10240x128xf32, #tpu.memory_space<vmem_shared>>
        tpu.enqueue_indirect_dma source(%arg11 : memref<128x128xf32, #tpu.memory_space<vmem>>) target(%dma_start3A_126 : memref<10240x128xf32, #tpu.memory_space<vmem_shared>>) offsets(%dma_start3A_123 : memref<128xi32, #tpu.memory_space<vmem>>) semaphore(%run_scoped3A_120 : memref<!tpu.dma_semaphore, #tpu.memory_space<semaphore_mem>>) {add = true}
        %dma_wait3A_127 = arith.constant 0 : i32
        %dma_wait3A_128 = tpu.memref_slice %arg9[%run_scoped3A_116, %dma_wait3A_127] : memref<2x128xi32, #tpu.memory_space<vmem>> -> memref<1x128xi32, #tpu.memory_space<vmem>>
        %dma_wait3A_129 = tpu.memref_squeeze %dma_wait3A_128 : memref<1x128xi32, #tpu.memory_space<vmem>> -> memref<128xi32, #tpu.memory_space<vmem>>
        %dma_wait3A_130 = arith.constant 0 : i32
        %dma_wait3A_131 = arith.constant 0 : i32
        %dma_wait3A_132 = tpu.memref_slice %arg12[%dma_wait3A_130, %dma_wait3A_131] : memref<10240x128xf32, #tpu.memory_space<vmem_shared>> -> memref<10240x128xf32, #tpu.memory_space<vmem_shared>>
        tpu.wait_indirect_dma semaphore(%run_scoped3A_120 : memref<!tpu.dma_semaphore, #tpu.memory_space<semaphore_mem>>) src(%arg11 : memref<128x128xf32, #tpu.memory_space<vmem>>) dst(%dma_wait3A_132 : memref<10240x128xf32, #tpu.memory_space<vmem_shared>>)
        tpu.yield
      }) : () -> ()
      %convert_element_type3A_117 = arith.extui %lt3A_42 : i1 to i32
      %cond3A_118 = arith.constant 0 : i32
      %cond3A_119 = arith.cmpi ne, %convert_element_type3A_117, %cond3A_118 : i32
      scf.if %cond3A_119 {
        %add3A_120 = arith.constant 6 : i32
        %add3A_121 = arith.addi %mul3A_39, %add3A_120 : i32
        %dma_start3A_122 = arith.constant 0 : i32
        %dma_start3A_123 = tpu.memref_slice %arg3[%add3A, %add3A_121, %dma_start3A_122] : memref<32x80x128xi32, #tpu.memory_space<hbm>> -> memref<1x2x128xi32, #tpu.memory_space<hbm>>
        %dma_start3A_124 = tpu.memref_squeeze %dma_start3A_123 : memref<1x2x128xi32, #tpu.memory_space<hbm>> -> memref<2x128xi32, #tpu.memory_space<hbm>>
        %dma_start3A_125 = arith.constant 0 : i32
        %dma_start3A_126 = tpu.memref_slice %arg3[%add3A, %add3A_121, %dma_start3A_125] : memref<32x80x128xi32, #tpu.memory_space<hbm>> -> memref<1x2x128xi32, #tpu.memory_space<hbm>>
        %dma_start3A_127 = tpu.memref_squeeze %dma_start3A_126 : memref<1x2x128xi32, #tpu.memory_space<hbm>> -> memref<2x128xi32, #tpu.memory_space<hbm>>
        tpu.enqueue_dma source(%dma_start3A_127 : memref<2x128xi32, #tpu.memory_space<hbm>>) target(%arg8 : memref<2x128xi32, #tpu.memory_space<vmem>>) target_semaphore(%arg16 : memref<!tpu.dma_semaphore, #tpu.memory_space<semaphore_mem>>)
        %add3A_128 = arith.constant 6 : i32
        %add3A_129 = arith.addi %mul3A_39, %add3A_128 : i32
        %dma_start3A_130 = arith.constant 0 : i32
        %dma_start3A_131 = tpu.memref_slice %arg4[%add3A, %add3A_129, %dma_start3A_130] : memref<32x80x128xi32, #tpu.memory_space<hbm>> -> memref<1x2x128xi32, #tpu.memory_space<hbm>>
        %dma_start3A_132 = tpu.memref_squeeze %dma_start3A_131 : memref<1x2x128xi32, #tpu.memory_space<hbm>> -> memref<2x128xi32, #tpu.memory_space<hbm>>
        %dma_start3A_133 = arith.constant 0 : i32
        %dma_start3A_134 = tpu.memref_slice %arg4[%add3A, %add3A_129, %dma_start3A_133] : memref<32x80x128xi32, #tpu.memory_space<hbm>> -> memref<1x2x128xi32, #tpu.memory_space<hbm>>
        %dma_start3A_135 = tpu.memref_squeeze %dma_start3A_134 : memref<1x2x128xi32, #tpu.memory_space<hbm>> -> memref<2x128xi32, #tpu.memory_space<hbm>>
        tpu.enqueue_dma source(%dma_start3A_135 : memref<2x128xi32, #tpu.memory_space<hbm>>) target(%arg9 : memref<2x128xi32, #tpu.memory_space<vmem>>) target_semaphore(%arg16 : memref<!tpu.dma_semaphore, #tpu.memory_space<semaphore_mem>>)
      } else {
      }
    }
    %scan3A_31 = arith.constant 20 : i32
    %barrier3A_32 = arith.constant 0 : index
    tpu.barrier barrier_id(%barrier3A_32)
    %mul3A_33 = arith.constant 640 : i32
    %mul3A_34 = arith.muli %arg1, %mul3A_33 : i32
    %mul3A_35 = arith.constant 640 : i32
    %mul3A_36 = arith.muli %arg1, %mul3A_35 : i32
    "tpu.region"() ({
      %run_scoped3A = tpu.sem_alloc : memref<!tpu.dma_semaphore, #tpu.memory_space<semaphore_mem>>
      %dma_start3A_37 = arith.constant 0 : i32
      %dma_start3A_38 = tpu.memref_slice %arg5[%arg0, %mul3A_36, %dma_start3A_37] : memref<2x10240x128xf32, #tpu.memory_space<hbm>> -> memref<1x640x128xf32, #tpu.memory_space<hbm>>
      %dma_start3A_39 = tpu.memref_squeeze %dma_start3A_38 : memref<1x640x128xf32, #tpu.memory_space<hbm>> -> memref<640x128xf32, #tpu.memory_space<hbm>>
      %dma_start3A_40 = arith.constant 0 : i32
      %dma_start3A_41 = tpu.memref_slice %arg12[%mul3A_34, %dma_start3A_40] : memref<10240x128xf32, #tpu.memory_space<vmem_shared>> -> memref<640x128xf32, #tpu.memory_space<vmem_shared>>
      tpu.enqueue_dma source(%dma_start3A_41 : memref<640x128xf32, #tpu.memory_space<vmem_shared>>) target(%dma_start3A_39 : memref<640x128xf32, #tpu.memory_space<hbm>>) target_semaphore(%run_scoped3A : memref<!tpu.dma_semaphore, #tpu.memory_space<semaphore_mem>>)
      %dma_wait3A = arith.constant 0 : i32
      %dma_wait3A_42 = tpu.memref_slice %arg5[%arg0, %mul3A_36, %dma_wait3A] : memref<2x10240x128xf32, #tpu.memory_space<hbm>> -> memref<1x640x128xf32, #tpu.memory_space<hbm>>
      %dma_wait3A_43 = tpu.memref_squeeze %dma_wait3A_42 : memref<1x640x128xf32, #tpu.memory_space<hbm>> -> memref<640x128xf32, #tpu.memory_space<hbm>>
      %dma_wait3A_44 = arith.constant 0 : i32
      %dma_wait3A_45 = tpu.memref_slice %arg12[%mul3A_34, %dma_wait3A_44] : memref<10240x128xf32, #tpu.memory_space<vmem_shared>> -> memref<640x128xf32, #tpu.memory_space<vmem_shared>>
      tpu.wait_dma2 semaphore(%run_scoped3A : memref<!tpu.dma_semaphore, #tpu.memory_space<semaphore_mem>>) src(%dma_wait3A_45 : memref<640x128xf32, #tpu.memory_space<vmem_shared>>) dst(%dma_wait3A_43 : memref<640x128xf32, #tpu.memory_space<hbm>>)
      tpu.yield
    }) : () -> ()
    return
  }
}

#map = affine_map<(d0, d1) -> (0, 0)>
#map1 = affine_map<(d0, d1) -> (0, 0, 0)>
module attributes {stable_mosaic.version = 14 : i64} {
  func.func @msg_kernel(%arg0: i32, %arg1: i32, %arg2: memref<10240x128xf32, #tpu.memory_space<hbm>>, %arg3: memref<32x80x128xi32, #tpu.memory_space<hbm>>, %arg4: memref<32x80x128xi32, #tpu.memory_space<hbm>>, %arg5: memref<2x10240x128xf32, #tpu.memory_space<hbm>>, %arg6: memref<2x128xi32, #tpu.memory_space<vmem>>, %arg7: memref<2x128xi32, #tpu.memory_space<vmem>>, %arg8: memref<2x128xi32, #tpu.memory_space<vmem>>, %arg9: memref<2x128xi32, #tpu.memory_space<vmem>>, %arg10: memref<128x128xf32, #tpu.memory_space<vmem>>, %arg11: memref<128x128xf32, #tpu.memory_space<vmem>>, %arg12: memref<10240x128xf32, #tpu.memory_space<vmem_shared>>, %arg13: memref<!tpu.dma_semaphore, #tpu.memory_space<semaphore_mem>>, %arg14: memref<!tpu.dma_semaphore, #tpu.memory_space<semaphore_mem>>, %arg15: memref<!tpu.dma_semaphore, #tpu.memory_space<semaphore_mem>>, %arg16: memref<!tpu.dma_semaphore, #tpu.memory_space<semaphore_mem>>) attributes {dimension_semantics = [#tpu.dimension_semantics<core_parallel>, #tpu.dimension_semantics<subcore_parallel>], iteration_bounds = array<i64: 2, 16>, scalar_prefetch = 0 : i64, scratch_operands = 11 : i64, tpu.core_type = #tpu.core_type<sc_vector_subcore>, window_params = [{transform_indices = #map}, {transform_indices = #map1}, {transform_indices = #map1}, {transform_indices = #map1}]} {
    %mul3A = arith.constant 2 : i32
    %mul3A_0 = arith.muli %arg1, %mul3A : i32
    %add3A = arith.addi %mul3A_0, %arg0 : i32
    %mul3A_1 = arith.constant 640 : i32
    %mul3A_2 = arith.muli %arg1, %mul3A_1 : i32
    %mul3A_3 = arith.constant 640 : i32
    %mul3A_4 = arith.muli %arg1, %mul3A_3 : i32
    "tpu.region"() ({
      %run_scoped3A = tpu.sem_alloc : memref<!tpu.dma_semaphore, #tpu.memory_space<semaphore_mem>>
      %dma_start3A_37 = arith.constant 0 : i32
      %dma_start3A_38 = tpu.memref_slice %arg12[%mul3A_4, %dma_start3A_37] : memref<10240x128xf32, #tpu.memory_space<vmem_shared>> -> memref<640x128xf32, #tpu.memory_space<vmem_shared>>
      %dma_start3A_39 = arith.constant 0 : i32
      %dma_start3A_40 = tpu.memref_slice %arg2[%mul3A_2, %dma_start3A_39] : memref<10240x128xf32, #tpu.memory_space<hbm>> -> memref<640x128xf32, #tpu.memory_space<hbm>>
      tpu.enqueue_dma source(%dma_start3A_40 : memref<640x128xf32, #tpu.memory_space<hbm>>) target(%dma_start3A_38 : memref<640x128xf32, #tpu.memory_space<vmem_shared>>) target_semaphore(%run_scoped3A : memref<!tpu.dma_semaphore, #tpu.memory_space<semaphore_mem>>)
      %dma_wait3A = arith.constant 0 : i32
      %dma_wait3A_41 = tpu.memref_slice %arg12[%mul3A_4, %dma_wait3A] : memref<10240x128xf32, #tpu.memory_space<vmem_shared>> -> memref<640x128xf32, #tpu.memory_space<vmem_shared>>
      %dma_wait3A_42 = arith.constant 0 : i32
      %dma_wait3A_43 = tpu.memref_slice %arg2[%mul3A_2, %dma_wait3A_42] : memref<10240x128xf32, #tpu.memory_space<hbm>> -> memref<640x128xf32, #tpu.memory_space<hbm>>
      tpu.wait_dma2 semaphore(%run_scoped3A : memref<!tpu.dma_semaphore, #tpu.memory_space<semaphore_mem>>) src(%dma_wait3A_43 : memref<640x128xf32, #tpu.memory_space<hbm>>) dst(%dma_wait3A_41 : memref<640x128xf32, #tpu.memory_space<vmem_shared>>)
      tpu.yield
    }) : () -> ()
    "tpu.region"() ({
      %run_scoped3A = tpu.sem_alloc : memref<!tpu.dma_semaphore, #tpu.memory_space<semaphore_mem>>
      %dma_start3A_37 = arith.constant 0 : i32
      %dma_start3A_38 = arith.constant 0 : i32
      %dma_start3A_39 = tpu.memref_slice %arg3[%add3A, %dma_start3A_37, %dma_start3A_38] : memref<32x80x128xi32, #tpu.memory_space<hbm>> -> memref<1x2x128xi32, #tpu.memory_space<hbm>>
      %dma_start3A_40 = tpu.memref_squeeze %dma_start3A_39 : memref<1x2x128xi32, #tpu.memory_space<hbm>> -> memref<2x128xi32, #tpu.memory_space<hbm>>
      %dma_start3A_41 = arith.constant 0 : i32
      %dma_start3A_42 = arith.constant 0 : i32
      %dma_start3A_43 = tpu.memref_slice %arg3[%add3A, %dma_start3A_41, %dma_start3A_42] : memref<32x80x128xi32, #tpu.memory_space<hbm>> -> memref<1x2x128xi32, #tpu.memory_space<hbm>>
      %dma_start3A_44 = tpu.memref_squeeze %dma_start3A_43 : memref<1x2x128xi32, #tpu.memory_space<hbm>> -> memref<2x128xi32, #tpu.memory_space<hbm>>
      tpu.enqueue_dma source(%dma_start3A_44 : memref<2x128xi32, #tpu.memory_space<hbm>>) target(%arg6 : memref<2x128xi32, #tpu.memory_space<vmem>>) target_semaphore(%run_scoped3A : memref<!tpu.dma_semaphore, #tpu.memory_space<semaphore_mem>>)
      %dma_wait3A = arith.constant 0 : i32
      %dma_wait3A_45 = arith.constant 0 : i32
      %dma_wait3A_46 = tpu.memref_slice %arg3[%add3A, %dma_wait3A, %dma_wait3A_45] : memref<32x80x128xi32, #tpu.memory_space<hbm>> -> memref<1x2x128xi32, #tpu.memory_space<hbm>>
      %dma_wait3A_47 = tpu.memref_squeeze %dma_wait3A_46 : memref<1x2x128xi32, #tpu.memory_space<hbm>> -> memref<2x128xi32, #tpu.memory_space<hbm>>
      %dma_wait3A_48 = arith.constant 0 : i32
      %dma_wait3A_49 = arith.constant 0 : i32
      %dma_wait3A_50 = tpu.memref_slice %arg3[%add3A, %dma_wait3A_48, %dma_wait3A_49] : memref<32x80x128xi32, #tpu.memory_space<hbm>> -> memref<1x2x128xi32, #tpu.memory_space<hbm>>
      %dma_wait3A_51 = tpu.memref_squeeze %dma_wait3A_50 : memref<1x2x128xi32, #tpu.memory_space<hbm>> -> memref<2x128xi32, #tpu.memory_space<hbm>>
      tpu.wait_dma2 semaphore(%run_scoped3A : memref<!tpu.dma_semaphore, #tpu.memory_space<semaphore_mem>>) src(%dma_wait3A_51 : memref<2x128xi32, #tpu.memory_space<hbm>>) dst(%arg6 : memref<2x128xi32, #tpu.memory_space<vmem>>)
      tpu.yield
    }) : () -> ()
    "tpu.region"() ({
      %run_scoped3A = tpu.sem_alloc : memref<!tpu.dma_semaphore, #tpu.memory_space<semaphore_mem>>
      %dma_start3A_37 = arith.constant 0 : i32
      %dma_start3A_38 = arith.constant 0 : i32
      %dma_start3A_39 = tpu.memref_slice %arg4[%add3A, %dma_start3A_37, %dma_start3A_38] : memref<32x80x128xi32, #tpu.memory_space<hbm>> -> memref<1x2x128xi32, #tpu.memory_space<hbm>>
      %dma_start3A_40 = tpu.memref_squeeze %dma_start3A_39 : memref<1x2x128xi32, #tpu.memory_space<hbm>> -> memref<2x128xi32, #tpu.memory_space<hbm>>
      %dma_start3A_41 = arith.constant 0 : i32
      %dma_start3A_42 = arith.constant 0 : i32
      %dma_start3A_43 = tpu.memref_slice %arg4[%add3A, %dma_start3A_41, %dma_start3A_42] : memref<32x80x128xi32, #tpu.memory_space<hbm>> -> memref<1x2x128xi32, #tpu.memory_space<hbm>>
      %dma_start3A_44 = tpu.memref_squeeze %dma_start3A_43 : memref<1x2x128xi32, #tpu.memory_space<hbm>> -> memref<2x128xi32, #tpu.memory_space<hbm>>
      tpu.enqueue_dma source(%dma_start3A_44 : memref<2x128xi32, #tpu.memory_space<hbm>>) target(%arg7 : memref<2x128xi32, #tpu.memory_space<vmem>>) target_semaphore(%run_scoped3A : memref<!tpu.dma_semaphore, #tpu.memory_space<semaphore_mem>>)
      %dma_wait3A = arith.constant 0 : i32
      %dma_wait3A_45 = arith.constant 0 : i32
      %dma_wait3A_46 = tpu.memref_slice %arg4[%add3A, %dma_wait3A, %dma_wait3A_45] : memref<32x80x128xi32, #tpu.memory_space<hbm>> -> memref<1x2x128xi32, #tpu.memory_space<hbm>>
      %dma_wait3A_47 = tpu.memref_squeeze %dma_wait3A_46 : memref<1x2x128xi32, #tpu.memory_space<hbm>> -> memref<2x128xi32, #tpu.memory_space<hbm>>
      %dma_wait3A_48 = arith.constant 0 : i32
      %dma_wait3A_49 = arith.constant 0 : i32
      %dma_wait3A_50 = tpu.memref_slice %arg4[%add3A, %dma_wait3A_48, %dma_wait3A_49] : memref<32x80x128xi32, #tpu.memory_space<hbm>> -> memref<1x2x128xi32, #tpu.memory_space<hbm>>
      %dma_wait3A_51 = tpu.memref_squeeze %dma_wait3A_50 : memref<1x2x128xi32, #tpu.memory_space<hbm>> -> memref<2x128xi32, #tpu.memory_space<hbm>>
      tpu.wait_dma2 semaphore(%run_scoped3A : memref<!tpu.dma_semaphore, #tpu.memory_space<semaphore_mem>>) src(%dma_wait3A_51 : memref<2x128xi32, #tpu.memory_space<hbm>>) dst(%arg7 : memref<2x128xi32, #tpu.memory_space<vmem>>)
      tpu.yield
    }) : () -> ()
    %dma_start3A = arith.constant 2 : i32
    %dma_start3A_5 = arith.constant 0 : i32
    %dma_start3A_6 = tpu.memref_slice %arg3[%add3A, %dma_start3A, %dma_start3A_5] : memref<32x80x128xi32, #tpu.memory_space<hbm>> -> memref<1x2x128xi32, #tpu.memory_space<hbm>>
    %dma_start3A_7 = tpu.memref_squeeze %dma_start3A_6 : memref<1x2x128xi32, #tpu.memory_space<hbm>> -> memref<2x128xi32, #tpu.memory_space<hbm>>
    %dma_start3A_8 = arith.constant 2 : i32
    %dma_start3A_9 = arith.constant 0 : i32
    %dma_start3A_10 = tpu.memref_slice %arg3[%add3A, %dma_start3A_8, %dma_start3A_9] : memref<32x80x128xi32, #tpu.memory_space<hbm>> -> memref<1x2x128xi32, #tpu.memory_space<hbm>>
    %dma_start3A_11 = tpu.memref_squeeze %dma_start3A_10 : memref<1x2x128xi32, #tpu.memory_space<hbm>> -> memref<2x128xi32, #tpu.memory_space<hbm>>
    tpu.enqueue_dma source(%dma_start3A_11 : memref<2x128xi32, #tpu.memory_space<hbm>>) target(%arg8 : memref<2x128xi32, #tpu.memory_space<vmem>>) target_semaphore(%arg16 : memref<!tpu.dma_semaphore, #tpu.memory_space<semaphore_mem>>)
    %dma_start3A_12 = arith.constant 2 : i32
    %dma_start3A_13 = arith.constant 0 : i32
    %dma_start3A_14 = tpu.memref_slice %arg4[%add3A, %dma_start3A_12, %dma_start3A_13] : memref<32x80x128xi32, #tpu.memory_space<hbm>> -> memref<1x2x128xi32, #tpu.memory_space<hbm>>
    %dma_start3A_15 = tpu.memref_squeeze %dma_start3A_14 : memref<1x2x128xi32, #tpu.memory_space<hbm>> -> memref<2x128xi32, #tpu.memory_space<hbm>>
    %dma_start3A_16 = arith.constant 2 : i32
    %dma_start3A_17 = arith.constant 0 : i32
    %dma_start3A_18 = tpu.memref_slice %arg4[%add3A, %dma_start3A_16, %dma_start3A_17] : memref<32x80x128xi32, #tpu.memory_space<hbm>> -> memref<1x2x128xi32, #tpu.memory_space<hbm>>
    %dma_start3A_19 = tpu.memref_squeeze %dma_start3A_18 : memref<1x2x128xi32, #tpu.memory_space<hbm>> -> memref<2x128xi32, #tpu.memory_space<hbm>>
    tpu.enqueue_dma source(%dma_start3A_19 : memref<2x128xi32, #tpu.memory_space<hbm>>) target(%arg9 : memref<2x128xi32, #tpu.memory_space<vmem>>) target_semaphore(%arg16 : memref<!tpu.dma_semaphore, #tpu.memory_space<semaphore_mem>>)
    %barrier3A = arith.constant 0 : index
    tpu.barrier barrier_id(%barrier3A)
    %dma_start3A_20 = arith.constant 0 : i32
    %dma_start3A_21 = arith.constant 0 : i32
    %dma_start3A_22 = tpu.memref_slice %arg6[%dma_start3A_20, %dma_start3A_21] : memref<2x128xi32, #tpu.memory_space<vmem>> -> memref<1x128xi32, #tpu.memory_space<vmem>>
    %dma_start3A_23 = tpu.memref_squeeze %dma_start3A_22 : memref<1x128xi32, #tpu.memory_space<vmem>> -> memref<128xi32, #tpu.memory_space<vmem>>
    %dma_start3A_24 = arith.constant 0 : i32
    %dma_start3A_25 = arith.constant 0 : i32
    %dma_start3A_26 = tpu.memref_slice %arg2[%dma_start3A_24, %dma_start3A_25] : memref<10240x128xf32, #tpu.memory_space<hbm>> -> memref<10240x128xf32, #tpu.memory_space<hbm>>
    tpu.enqueue_indirect_dma source(%dma_start3A_26 : memref<10240x128xf32, #tpu.memory_space<hbm>>) target(%arg10 : memref<128x128xf32, #tpu.memory_space<vmem>>) offsets(%dma_start3A_23 : memref<128xi32, #tpu.memory_space<vmem>>) semaphore(%arg13 : memref<!tpu.dma_semaphore, #tpu.memory_space<semaphore_mem>>)
    %scan3A = arith.constant 0 : i32
    %scan3A_27 = arith.constant 0 : i32
    %scan3A_28 = arith.constant 20 : i32
    %scan3A_29 = arith.addi %scan3A_27, %scan3A_28 : i32
    %scan3A_30 = arith.constant 1 : i32
    scf.for %scan3A_37 = %scan3A_27 to %scan3A_29 step %scan3A_30  : i32 {
      %mul3A_38 = arith.constant 4 : i32
      %mul3A_39 = arith.muli %mul3A_38, %scan3A_37 : i32
      %add3A_40 = arith.constant 1 : i32
      %add3A_41 = arith.addi %scan3A_37, %add3A_40 : i32
      %lt3A = arith.constant 20 : i32
      %lt3A_42 = arith.cmpi slt, %add3A_41, %lt3A : i32
      %dma_wait3A = arith.constant 0 : i32
      %dma_wait3A_43 = arith.constant 0 : i32
      %dma_wait3A_44 = tpu.memref_slice %arg6[%dma_wait3A, %dma_wait3A_43] : memref<2x128xi32, #tpu.memory_space<vmem>> -> memref<1x128xi32, #tpu.memory_space<vmem>>
      %dma_wait3A_45 = tpu.memref_squeeze %dma_wait3A_44 : memref<1x128xi32, #tpu.memory_space<vmem>> -> memref<128xi32, #tpu.memory_space<vmem>>
      %dma_wait3A_46 = arith.constant 0 : i32
      %dma_wait3A_47 = arith.constant 0 : i32
      %dma_wait3A_48 = tpu.memref_slice %arg2[%dma_wait3A_46, %dma_wait3A_47] : memref<10240x128xf32, #tpu.memory_space<hbm>> -> memref<10240x128xf32, #tpu.memory_space<hbm>>
      tpu.wait_indirect_dma semaphore(%arg13 : memref<!tpu.dma_semaphore, #tpu.memory_space<semaphore_mem>>) src(%dma_wait3A_48 : memref<10240x128xf32, #tpu.memory_space<hbm>>) dst(%arg10 : memref<128x128xf32, #tpu.memory_space<vmem>>)
      %dma_start3A_49 = arith.constant 1 : i32
      %dma_start3A_50 = arith.constant 0 : i32
      %dma_start3A_51 = tpu.memref_slice %arg6[%dma_start3A_49, %dma_start3A_50] : memref<2x128xi32, #tpu.memory_space<vmem>> -> memref<1x128xi32, #tpu.memory_space<vmem>>
      %dma_start3A_52 = tpu.memref_squeeze %dma_start3A_51 : memref<1x128xi32, #tpu.memory_space<vmem>> -> memref<128xi32, #tpu.memory_space<vmem>>
      %dma_start3A_53 = arith.constant 0 : i32
      %dma_start3A_54 = arith.constant 0 : i32
      %dma_start3A_55 = tpu.memref_slice %arg2[%dma_start3A_53, %dma_start3A_54] : memref<10240x128xf32, #tpu.memory_space<hbm>> -> memref<10240x128xf32, #tpu.memory_space<hbm>>
      tpu.enqueue_indirect_dma source(%dma_start3A_55 : memref<10240x128xf32, #tpu.memory_space<hbm>>) target(%arg11 : memref<128x128xf32, #tpu.memory_space<vmem>>) offsets(%dma_start3A_52 : memref<128xi32, #tpu.memory_space<vmem>>) semaphore(%arg14 : memref<!tpu.dma_semaphore, #tpu.memory_space<semaphore_mem>>)
      %run_scoped3A = arith.constant 0 : i32
      "tpu.region"() ({
        %run_scoped3A_120 = tpu.sem_alloc : memref<!tpu.dma_semaphore, #tpu.memory_space<semaphore_mem>>
        %dma_start3A_121 = arith.constant 0 : i32
        %dma_start3A_122 = tpu.memref_slice %arg7[%run_scoped3A, %dma_start3A_121] : memref<2x128xi32, #tpu.memory_space<vmem>> -> memref<1x128xi32, #tpu.memory_space<vmem>>
        %dma_start3A_123 = tpu.memref_squeeze %dma_start3A_122 : memref<1x128xi32, #tpu.memory_space<vmem>> -> memref<128xi32, #tpu.memory_space<vmem>>
        %dma_start3A_124 = arith.constant 0 : i32
        %dma_start3A_125 = arith.constant 0 : i32
        %dma_start3A_126 = tpu.memref_slice %arg12[%dma_start3A_124, %dma_start3A_125] : memref<10240x128xf32, #tpu.memory_space<vmem_shared>> -> memref<10240x128xf32, #tpu.memory_space<vmem_shared>>
        tpu.enqueue_indirect_dma source(%arg10 : memref<128x128xf32, #tpu.memory_space<vmem>>) target(%dma_start3A_126 : memref<10240x128xf32, #tpu.memory_space<vmem_shared>>) offsets(%dma_start3A_123 : memref<128xi32, #tpu.memory_space<vmem>>) semaphore(%run_scoped3A_120 : memref<!tpu.dma_semaphore, #tpu.memory_space<semaphore_mem>>) {add = true}
        %dma_wait3A_127 = arith.constant 0 : i32
        %dma_wait3A_128 = tpu.memref_slice %arg7[%run_scoped3A, %dma_wait3A_127] : memref<2x128xi32, #tpu.memory_space<vmem>> -> memref<1x128xi32, #tpu.memory_space<vmem>>
        %dma_wait3A_129 = tpu.memref_squeeze %dma_wait3A_128 : memref<1x128xi32, #tpu.memory_space<vmem>> -> memref<128xi32, #tpu.memory_space<vmem>>
        %dma_wait3A_130 = arith.constant 0 : i32
        %dma_wait3A_131 = arith.constant 0 : i32
        %dma_wait3A_132 = tpu.memref_slice %arg12[%dma_wait3A_130, %dma_wait3A_131] : memref<10240x128xf32, #tpu.memory_space<vmem_shared>> -> memref<10240x128xf32, #tpu.memory_space<vmem_shared>>
        tpu.wait_indirect_dma semaphore(%run_scoped3A_120 : memref<!tpu.dma_semaphore, #tpu.memory_space<semaphore_mem>>) src(%arg10 : memref<128x128xf32, #tpu.memory_space<vmem>>) dst(%dma_wait3A_132 : memref<10240x128xf32, #tpu.memory_space<vmem_shared>>)
        tpu.yield
      }) : () -> ()
      %dma_wait3A_56 = arith.constant 1 : i32
      %dma_wait3A_57 = arith.constant 0 : i32
      %dma_wait3A_58 = tpu.memref_slice %arg6[%dma_wait3A_56, %dma_wait3A_57] : memref<2x128xi32, #tpu.memory_space<vmem>> -> memref<1x128xi32, #tpu.memory_space<vmem>>
      %dma_wait3A_59 = tpu.memref_squeeze %dma_wait3A_58 : memref<1x128xi32, #tpu.memory_space<vmem>> -> memref<128xi32, #tpu.memory_space<vmem>>
      %dma_wait3A_60 = arith.constant 0 : i32
      %dma_wait3A_61 = arith.constant 0 : i32
      %dma_wait3A_62 = tpu.memref_slice %arg2[%dma_wait3A_60, %dma_wait3A_61] : memref<10240x128xf32, #tpu.memory_space<hbm>> -> memref<10240x128xf32, #tpu.memory_space<hbm>>
      tpu.wait_indirect_dma semaphore(%arg14 : memref<!tpu.dma_semaphore, #tpu.memory_space<semaphore_mem>>) src(%dma_wait3A_62 : memref<10240x128xf32, #tpu.memory_space<hbm>>) dst(%arg11 : memref<128x128xf32, #tpu.memory_space<vmem>>)
      %dma_wait3A_63 = arith.constant 2 : i32
      %dma_wait3A_64 = arith.constant 0 : i32
      %dma_wait3A_65 = tpu.memref_slice %arg3[%add3A, %dma_wait3A_63, %dma_wait3A_64] : memref<32x80x128xi32, #tpu.memory_space<hbm>> -> memref<1x2x128xi32, #tpu.memory_space<hbm>>
      %dma_wait3A_66 = tpu.memref_squeeze %dma_wait3A_65 : memref<1x2x128xi32, #tpu.memory_space<hbm>> -> memref<2x128xi32, #tpu.memory_space<hbm>>
      %dma_wait3A_67 = arith.constant 2 : i32
      %dma_wait3A_68 = arith.constant 0 : i32
      %dma_wait3A_69 = tpu.memref_slice %arg3[%add3A, %dma_wait3A_67, %dma_wait3A_68] : memref<32x80x128xi32, #tpu.memory_space<hbm>> -> memref<1x2x128xi32, #tpu.memory_space<hbm>>
      %dma_wait3A_70 = tpu.memref_squeeze %dma_wait3A_69 : memref<1x2x128xi32, #tpu.memory_space<hbm>> -> memref<2x128xi32, #tpu.memory_space<hbm>>
      tpu.wait_dma2 semaphore(%arg16 : memref<!tpu.dma_semaphore, #tpu.memory_space<semaphore_mem>>) src(%dma_wait3A_70 : memref<2x128xi32, #tpu.memory_space<hbm>>) dst(%arg8 : memref<2x128xi32, #tpu.memory_space<vmem>>)
      %dma_wait3A_71 = arith.constant 2 : i32
      %dma_wait3A_72 = arith.constant 0 : i32
      %dma_wait3A_73 = tpu.memref_slice %arg4[%add3A, %dma_wait3A_71, %dma_wait3A_72] : memref<32x80x128xi32, #tpu.memory_space<hbm>> -> memref<1x2x128xi32, #tpu.memory_space<hbm>>
      %dma_wait3A_74 = tpu.memref_squeeze %dma_wait3A_73 : memref<1x2x128xi32, #tpu.memory_space<hbm>> -> memref<2x128xi32, #tpu.memory_space<hbm>>
      %dma_wait3A_75 = arith.constant 2 : i32
      %dma_wait3A_76 = arith.constant 0 : i32
      %dma_wait3A_77 = tpu.memref_slice %arg4[%add3A, %dma_wait3A_75, %dma_wait3A_76] : memref<32x80x128xi32, #tpu.memory_space<hbm>> -> memref<1x2x128xi32, #tpu.memory_space<hbm>>
      %dma_wait3A_78 = tpu.memref_squeeze %dma_wait3A_77 : memref<1x2x128xi32, #tpu.memory_space<hbm>> -> memref<2x128xi32, #tpu.memory_space<hbm>>
      tpu.wait_dma2 semaphore(%arg16 : memref<!tpu.dma_semaphore, #tpu.memory_space<semaphore_mem>>) src(%dma_wait3A_78 : memref<2x128xi32, #tpu.memory_space<hbm>>) dst(%arg9 : memref<2x128xi32, #tpu.memory_space<vmem>>)
      %dma_start3A_79 = arith.constant 0 : i32
      %dma_start3A_80 = arith.constant 0 : i32
      %dma_start3A_81 = tpu.memref_slice %arg8[%dma_start3A_79, %dma_start3A_80] : memref<2x128xi32, #tpu.memory_space<vmem>> -> memref<1x128xi32, #tpu.memory_space<vmem>>
      %dma_start3A_82 = tpu.memref_squeeze %dma_start3A_81 : memref<1x128xi32, #tpu.memory_space<vmem>> -> memref<128xi32, #tpu.memory_space<vmem>>
      %dma_start3A_83 = arith.constant 0 : i32
      %dma_start3A_84 = arith.constant 0 : i32
      %dma_start3A_85 = tpu.memref_slice %arg2[%dma_start3A_83, %dma_start3A_84] : memref<10240x128xf32, #tpu.memory_space<hbm>> -> memref<10240x128xf32, #tpu.memory_space<hbm>>
      tpu.enqueue_indirect_dma source(%dma_start3A_85 : memref<10240x128xf32, #tpu.memory_space<hbm>>) target(%arg10 : memref<128x128xf32, #tpu.memory_space<vmem>>) offsets(%dma_start3A_82 : memref<128xi32, #tpu.memory_space<vmem>>) semaphore(%arg13 : memref<!tpu.dma_semaphore, #tpu.memory_space<semaphore_mem>>)
      %run_scoped3A_86 = arith.constant 1 : i32
      "tpu.region"() ({
        %run_scoped3A_120 = tpu.sem_alloc : memref<!tpu.dma_semaphore, #tpu.memory_space<semaphore_mem>>
        %dma_start3A_121 = arith.constant 0 : i32
        %dma_start3A_122 = tpu.memref_slice %arg7[%run_scoped3A_86, %dma_start3A_121] : memref<2x128xi32, #tpu.memory_space<vmem>> -> memref<1x128xi32, #tpu.memory_space<vmem>>
        %dma_start3A_123 = tpu.memref_squeeze %dma_start3A_122 : memref<1x128xi32, #tpu.memory_space<vmem>> -> memref<128xi32, #tpu.memory_space<vmem>>
        %dma_start3A_124 = arith.constant 0 : i32
        %dma_start3A_125 = arith.constant 0 : i32
        %dma_start3A_126 = tpu.memref_slice %arg12[%dma_start3A_124, %dma_start3A_125] : memref<10240x128xf32, #tpu.memory_space<vmem_shared>> -> memref<10240x128xf32, #tpu.memory_space<vmem_shared>>
        tpu.enqueue_indirect_dma source(%arg11 : memref<128x128xf32, #tpu.memory_space<vmem>>) target(%dma_start3A_126 : memref<10240x128xf32, #tpu.memory_space<vmem_shared>>) offsets(%dma_start3A_123 : memref<128xi32, #tpu.memory_space<vmem>>) semaphore(%run_scoped3A_120 : memref<!tpu.dma_semaphore, #tpu.memory_space<semaphore_mem>>) {add = true}
        %dma_wait3A_127 = arith.constant 0 : i32
        %dma_wait3A_128 = tpu.memref_slice %arg7[%run_scoped3A_86, %dma_wait3A_127] : memref<2x128xi32, #tpu.memory_space<vmem>> -> memref<1x128xi32, #tpu.memory_space<vmem>>
        %dma_wait3A_129 = tpu.memref_squeeze %dma_wait3A_128 : memref<1x128xi32, #tpu.memory_space<vmem>> -> memref<128xi32, #tpu.memory_space<vmem>>
        %dma_wait3A_130 = arith.constant 0 : i32
        %dma_wait3A_131 = arith.constant 0 : i32
        %dma_wait3A_132 = tpu.memref_slice %arg12[%dma_wait3A_130, %dma_wait3A_131] : memref<10240x128xf32, #tpu.memory_space<vmem_shared>> -> memref<10240x128xf32, #tpu.memory_space<vmem_shared>>
        tpu.wait_indirect_dma semaphore(%run_scoped3A_120 : memref<!tpu.dma_semaphore, #tpu.memory_space<semaphore_mem>>) src(%arg11 : memref<128x128xf32, #tpu.memory_space<vmem>>) dst(%dma_wait3A_132 : memref<10240x128xf32, #tpu.memory_space<vmem_shared>>)
        tpu.yield
      }) : () -> ()
      %convert_element_type3A = arith.extui %lt3A_42 : i1 to i32
      %cond3A = arith.constant 0 : i32
      %cond3A_87 = arith.cmpi ne, %convert_element_type3A, %cond3A : i32
      scf.if %cond3A_87 {
        %add3A_120 = arith.constant 4 : i32
        %add3A_121 = arith.addi %mul3A_39, %add3A_120 : i32
        %dma_start3A_122 = arith.constant 0 : i32
        %dma_start3A_123 = tpu.memref_slice %arg3[%add3A, %add3A_121, %dma_start3A_122] : memref<32x80x128xi32, #tpu.memory_space<hbm>> -> memref<1x2x128xi32, #tpu.memory_space<hbm>>
        %dma_start3A_124 = tpu.memref_squeeze %dma_start3A_123 : memref<1x2x128xi32, #tpu.memory_space<hbm>> -> memref<2x128xi32, #tpu.memory_space<hbm>>
        %dma_start3A_125 = arith.constant 0 : i32
        %dma_start3A_126 = tpu.memref_slice %arg3[%add3A, %add3A_121, %dma_start3A_125] : memref<32x80x128xi32, #tpu.memory_space<hbm>> -> memref<1x2x128xi32, #tpu.memory_space<hbm>>
        %dma_start3A_127 = tpu.memref_squeeze %dma_start3A_126 : memref<1x2x128xi32, #tpu.memory_space<hbm>> -> memref<2x128xi32, #tpu.memory_space<hbm>>
        tpu.enqueue_dma source(%dma_start3A_127 : memref<2x128xi32, #tpu.memory_space<hbm>>) target(%arg6 : memref<2x128xi32, #tpu.memory_space<vmem>>) target_semaphore(%arg15 : memref<!tpu.dma_semaphore, #tpu.memory_space<semaphore_mem>>)
        %add3A_128 = arith.constant 4 : i32
        %add3A_129 = arith.addi %mul3A_39, %add3A_128 : i32
        %dma_start3A_130 = arith.constant 0 : i32
        %dma_start3A_131 = tpu.memref_slice %arg4[%add3A, %add3A_129, %dma_start3A_130] : memref<32x80x128xi32, #tpu.memory_space<hbm>> -> memref<1x2x128xi32, #tpu.memory_space<hbm>>
        %dma_start3A_132 = tpu.memref_squeeze %dma_start3A_131 : memref<1x2x128xi32, #tpu.memory_space<hbm>> -> memref<2x128xi32, #tpu.memory_space<hbm>>
        %dma_start3A_133 = arith.constant 0 : i32
        %dma_start3A_134 = tpu.memref_slice %arg4[%add3A, %add3A_129, %dma_start3A_133] : memref<32x80x128xi32, #tpu.memory_space<hbm>> -> memref<1x2x128xi32, #tpu.memory_space<hbm>>
        %dma_start3A_135 = tpu.memref_squeeze %dma_start3A_134 : memref<1x2x128xi32, #tpu.memory_space<hbm>> -> memref<2x128xi32, #tpu.memory_space<hbm>>
        tpu.enqueue_dma source(%dma_start3A_135 : memref<2x128xi32, #tpu.memory_space<hbm>>) target(%arg7 : memref<2x128xi32, #tpu.memory_space<vmem>>) target_semaphore(%arg15 : memref<!tpu.dma_semaphore, #tpu.memory_space<semaphore_mem>>)
      } else {
      }
      %dma_wait3A_88 = arith.constant 0 : i32
      %dma_wait3A_89 = arith.constant 0 : i32
      %dma_wait3A_90 = tpu.memref_slice %arg8[%dma_wait3A_88, %dma_wait3A_89] : memref<2x128xi32, #tpu.memory_space<vmem>> -> memref<1x128xi32, #tpu.memory_space<vmem>>
      %dma_wait3A_91 = tpu.memref_squeeze %dma_wait3A_90 : memref<1x128xi32, #tpu.memory_space<vmem>> -> memref<128xi32, #tpu.memory_space<vmem>>
      %dma_wait3A_92 = arith.constant 0 : i32
      %dma_wait3A_93 = arith.constant 0 : i32
      %dma_wait3A_94 = tpu.memref_slice %arg2[%dma_wait3A_92, %dma_wait3A_93] : memref<10240x128xf32, #tpu.memory_space<hbm>> -> memref<10240x128xf32, #tpu.memory_space<hbm>>
      tpu.wait_indirect_dma semaphore(%arg13 : memref<!tpu.dma_semaphore, #tpu.memory_space<semaphore_mem>>) src(%dma_wait3A_94 : memref<10240x128xf32, #tpu.memory_space<hbm>>) dst(%arg10 : memref<128x128xf32, #tpu.memory_space<vmem>>)
      %dma_start3A_95 = arith.constant 1 : i32
      %dma_start3A_96 = arith.constant 0 : i32
      %dma_start3A_97 = tpu.memref_slice %arg8[%dma_start3A_95, %dma_start3A_96] : memref<2x128xi32, #tpu.memory_space<vmem>> -> memref<1x128xi32, #tpu.memory_space<vmem>>
      %dma_start3A_98 = tpu.memref_squeeze %dma_start3A_97 : memref<1x128xi32, #tpu.memory_space<vmem>> -> memref<128xi32, #tpu.memory_space<vmem>>
      %dma_start3A_99 = arith.constant 0 : i32
      %dma_start3A_100 = arith.constant 0 : i32
      %dma_start3A_101 = tpu.memref_slice %arg2[%dma_start3A_99, %dma_start3A_100] : memref<10240x128xf32, #tpu.memory_space<hbm>> -> memref<10240x128xf32, #tpu.memory_space<hbm>>
      tpu.enqueue_indirect_dma source(%dma_start3A_101 : memref<10240x128xf32, #tpu.memory_space<hbm>>) target(%arg11 : memref<128x128xf32, #tpu.memory_space<vmem>>) offsets(%dma_start3A_98 : memref<128xi32, #tpu.memory_space<vmem>>) semaphore(%arg14 : memref<!tpu.dma_semaphore, #tpu.memory_space<semaphore_mem>>)
      %run_scoped3A_102 = arith.constant 0 : i32
      "tpu.region"() ({
        %run_scoped3A_120 = tpu.sem_alloc : memref<!tpu.dma_semaphore, #tpu.memory_space<semaphore_mem>>
        %dma_start3A_121 = arith.constant 0 : i32
        %dma_start3A_122 = tpu.memref_slice %arg9[%run_scoped3A_102, %dma_start3A_121] : memref<2x128xi32, #tpu.memory_space<vmem>> -> memref<1x128xi32, #tpu.memory_space<vmem>>
        %dma_start3A_123 = tpu.memref_squeeze %dma_start3A_122 : memref<1x128xi32, #tpu.memory_space<vmem>> -> memref<128xi32, #tpu.memory_space<vmem>>
        %dma_start3A_124 = arith.constant 0 : i32
        %dma_start3A_125 = arith.constant 0 : i32
        %dma_start3A_126 = tpu.memref_slice %arg12[%dma_start3A_124, %dma_start3A_125] : memref<10240x128xf32, #tpu.memory_space<vmem_shared>> -> memref<10240x128xf32, #tpu.memory_space<vmem_shared>>
        tpu.enqueue_indirect_dma source(%arg10 : memref<128x128xf32, #tpu.memory_space<vmem>>) target(%dma_start3A_126 : memref<10240x128xf32, #tpu.memory_space<vmem_shared>>) offsets(%dma_start3A_123 : memref<128xi32, #tpu.memory_space<vmem>>) semaphore(%run_scoped3A_120 : memref<!tpu.dma_semaphore, #tpu.memory_space<semaphore_mem>>) {add = true}
        %dma_wait3A_127 = arith.constant 0 : i32
        %dma_wait3A_128 = tpu.memref_slice %arg9[%run_scoped3A_102, %dma_wait3A_127] : memref<2x128xi32, #tpu.memory_space<vmem>> -> memref<1x128xi32, #tpu.memory_space<vmem>>
        %dma_wait3A_129 = tpu.memref_squeeze %dma_wait3A_128 : memref<1x128xi32, #tpu.memory_space<vmem>> -> memref<128xi32, #tpu.memory_space<vmem>>
        %dma_wait3A_130 = arith.constant 0 : i32
        %dma_wait3A_131 = arith.constant 0 : i32
        %dma_wait3A_132 = tpu.memref_slice %arg12[%dma_wait3A_130, %dma_wait3A_131] : memref<10240x128xf32, #tpu.memory_space<vmem_shared>> -> memref<10240x128xf32, #tpu.memory_space<vmem_shared>>
        tpu.wait_indirect_dma semaphore(%run_scoped3A_120 : memref<!tpu.dma_semaphore, #tpu.memory_space<semaphore_mem>>) src(%arg10 : memref<128x128xf32, #tpu.memory_space<vmem>>) dst(%dma_wait3A_132 : memref<10240x128xf32, #tpu.memory_space<vmem_shared>>)
        tpu.yield
      }) : () -> ()
      %convert_element_type3A_103 = arith.extui %lt3A_42 : i1 to i32
      %cond3A_104 = arith.constant 0 : i32
      %cond3A_105 = arith.cmpi ne, %convert_element_type3A_103, %cond3A_104 : i32
      scf.if %cond3A_105 {
        %add3A_120 = arith.constant 4 : i32
        %add3A_121 = arith.addi %mul3A_39, %add3A_120 : i32
        %dma_wait3A_122 = arith.constant 0 : i32
        %dma_wait3A_123 = tpu.memref_slice %arg3[%add3A, %add3A_121, %dma_wait3A_122] : memref<32x80x128xi32, #tpu.memory_space<hbm>> -> memref<1x2x128xi32, #tpu.memory_space<hbm>>
        %dma_wait3A_124 = tpu.memref_squeeze %dma_wait3A_123 : memref<1x2x128xi32, #tpu.memory_space<hbm>> -> memref<2x128xi32, #tpu.memory_space<hbm>>
        %dma_wait3A_125 = arith.constant 0 : i32
        %dma_wait3A_126 = tpu.memref_slice %arg3[%add3A, %add3A_121, %dma_wait3A_125] : memref<32x80x128xi32, #tpu.memory_space<hbm>> -> memref<1x2x128xi32, #tpu.memory_space<hbm>>
        %dma_wait3A_127 = tpu.memref_squeeze %dma_wait3A_126 : memref<1x2x128xi32, #tpu.memory_space<hbm>> -> memref<2x128xi32, #tpu.memory_space<hbm>>
        tpu.wait_dma2 semaphore(%arg15 : memref<!tpu.dma_semaphore, #tpu.memory_space<semaphore_mem>>) src(%dma_wait3A_127 : memref<2x128xi32, #tpu.memory_space<hbm>>) dst(%arg6 : memref<2x128xi32, #tpu.memory_space<vmem>>)
        %add3A_128 = arith.constant 4 : i32
        %add3A_129 = arith.addi %mul3A_39, %add3A_128 : i32
        %dma_wait3A_130 = arith.constant 0 : i32
        %dma_wait3A_131 = tpu.memref_slice %arg4[%add3A, %add3A_129, %dma_wait3A_130] : memref<32x80x128xi32, #tpu.memory_space<hbm>> -> memref<1x2x128xi32, #tpu.memory_space<hbm>>
        %dma_wait3A_132 = tpu.memref_squeeze %dma_wait3A_131 : memref<1x2x128xi32, #tpu.memory_space<hbm>> -> memref<2x128xi32, #tpu.memory_space<hbm>>
        %dma_wait3A_133 = arith.constant 0 : i32
        %dma_wait3A_134 = tpu.memref_slice %arg4[%add3A, %add3A_129, %dma_wait3A_133] : memref<32x80x128xi32, #tpu.memory_space<hbm>> -> memref<1x2x128xi32, #tpu.memory_space<hbm>>
        %dma_wait3A_135 = tpu.memref_squeeze %dma_wait3A_134 : memref<1x2x128xi32, #tpu.memory_space<hbm>> -> memref<2x128xi32, #tpu.memory_space<hbm>>
        tpu.wait_dma2 semaphore(%arg15 : memref<!tpu.dma_semaphore, #tpu.memory_space<semaphore_mem>>) src(%dma_wait3A_135 : memref<2x128xi32, #tpu.memory_space<hbm>>) dst(%arg7 : memref<2x128xi32, #tpu.memory_space<vmem>>)
      } else {
      }
      %dma_wait3A_106 = arith.constant 1 : i32
      %dma_wait3A_107 = arith.constant 0 : i32
      %dma_wait3A_108 = tpu.memref_slice %arg8[%dma_wait3A_106, %dma_wait3A_107] : memref<2x128xi32, #tpu.memory_space<vmem>> -> memref<1x128xi32, #tpu.memory_space<vmem>>
      %dma_wait3A_109 = tpu.memref_squeeze %dma_wait3A_108 : memref<1x128xi32, #tpu.memory_space<vmem>> -> memref<128xi32, #tpu.memory_space<vmem>>
      %dma_wait3A_110 = arith.constant 0 : i32
      %dma_wait3A_111 = arith.constant 0 : i32
      %dma_wait3A_112 = tpu.memref_slice %arg2[%dma_wait3A_110, %dma_wait3A_111] : memref<10240x128xf32, #tpu.memory_space<hbm>> -> memref<10240x128xf32, #tpu.memory_space<hbm>>
      tpu.wait_indirect_dma semaphore(%arg14 : memref<!tpu.dma_semaphore, #tpu.memory_space<semaphore_mem>>) src(%dma_wait3A_112 : memref<10240x128xf32, #tpu.memory_space<hbm>>) dst(%arg11 : memref<128x128xf32, #tpu.memory_space<vmem>>)
      %convert_element_type3A_113 = arith.extui %lt3A_42 : i1 to i32
      %cond3A_114 = arith.constant 0 : i32
      %cond3A_115 = arith.cmpi ne, %convert_element_type3A_113, %cond3A_114 : i32
      scf.if %cond3A_115 {
        %dma_start3A_120 = arith.constant 0 : i32
        %dma_start3A_121 = arith.constant 0 : i32
        %dma_start3A_122 = tpu.memref_slice %arg6[%dma_start3A_120, %dma_start3A_121] : memref<2x128xi32, #tpu.memory_space<vmem>> -> memref<1x128xi32, #tpu.memory_space<vmem>>
        %dma_start3A_123 = tpu.memref_squeeze %dma_start3A_122 : memref<1x128xi32, #tpu.memory_space<vmem>> -> memref<128xi32, #tpu.memory_space<vmem>>
        %dma_start3A_124 = arith.constant 0 : i32
        %dma_start3A_125 = arith.constant 0 : i32
        %dma_start3A_126 = tpu.memref_slice %arg2[%dma_start3A_124, %dma_start3A_125] : memref<10240x128xf32, #tpu.memory_space<hbm>> -> memref<10240x128xf32, #tpu.memory_space<hbm>>
        tpu.enqueue_indirect_dma source(%dma_start3A_126 : memref<10240x128xf32, #tpu.memory_space<hbm>>) target(%arg10 : memref<128x128xf32, #tpu.memory_space<vmem>>) offsets(%dma_start3A_123 : memref<128xi32, #tpu.memory_space<vmem>>) semaphore(%arg13 : memref<!tpu.dma_semaphore, #tpu.memory_space<semaphore_mem>>)
      } else {
      }
      %run_scoped3A_116 = arith.constant 1 : i32
      "tpu.region"() ({
        %run_scoped3A_120 = tpu.sem_alloc : memref<!tpu.dma_semaphore, #tpu.memory_space<semaphore_mem>>
        %dma_start3A_121 = arith.constant 0 : i32
        %dma_start3A_122 = tpu.memref_slice %arg9[%run_scoped3A_116, %dma_start3A_121] : memref<2x128xi32, #tpu.memory_space<vmem>> -> memref<1x128xi32, #tpu.memory_space<vmem>>
        %dma_start3A_123 = tpu.memref_squeeze %dma_start3A_122 : memref<1x128xi32, #tpu.memory_space<vmem>> -> memref<128xi32, #tpu.memory_space<vmem>>
        %dma_start3A_124 = arith.constant 0 : i32
        %dma_start3A_125 = arith.constant 0 : i32
        %dma_start3A_126 = tpu.memref_slice %arg12[%dma_start3A_124, %dma_start3A_125] : memref<10240x128xf32, #tpu.memory_space<vmem_shared>> -> memref<10240x128xf32, #tpu.memory_space<vmem_shared>>
        tpu.enqueue_indirect_dma source(%arg11 : memref<128x128xf32, #tpu.memory_space<vmem>>) target(%dma_start3A_126 : memref<10240x128xf32, #tpu.memory_space<vmem_shared>>) offsets(%dma_start3A_123 : memref<128xi32, #tpu.memory_space<vmem>>) semaphore(%run_scoped3A_120 : memref<!tpu.dma_semaphore, #tpu.memory_space<semaphore_mem>>) {add = true}
        %dma_wait3A_127 = arith.constant 0 : i32
        %dma_wait3A_128 = tpu.memref_slice %arg9[%run_scoped3A_116, %dma_wait3A_127] : memref<2x128xi32, #tpu.memory_space<vmem>> -> memref<1x128xi32, #tpu.memory_space<vmem>>
        %dma_wait3A_129 = tpu.memref_squeeze %dma_wait3A_128 : memref<1x128xi32, #tpu.memory_space<vmem>> -> memref<128xi32, #tpu.memory_space<vmem>>
        %dma_wait3A_130 = arith.constant 0 : i32
        %dma_wait3A_131 = arith.constant 0 : i32
        %dma_wait3A_132 = tpu.memref_slice %arg12[%dma_wait3A_130, %dma_wait3A_131] : memref<10240x128xf32, #tpu.memory_space<vmem_shared>> -> memref<10240x128xf32, #tpu.memory_space<vmem_shared>>
        tpu.wait_indirect_dma semaphore(%run_scoped3A_120 : memref<!tpu.dma_semaphore, #tpu.memory_space<semaphore_mem>>) src(%arg11 : memref<128x128xf32, #tpu.memory_space<vmem>>) dst(%dma_wait3A_132 : memref<10240x128xf32, #tpu.memory_space<vmem_shared>>)
        tpu.yield
      }) : () -> ()
      %convert_element_type3A_117 = arith.extui %lt3A_42 : i1 to i32
      %cond3A_118 = arith.constant 0 : i32
      %cond3A_119 = arith.cmpi ne, %convert_element_type3A_117, %cond3A_118 : i32
      scf.if %cond3A_119 {
        %add3A_120 = arith.constant 6 : i32
        %add3A_121 = arith.addi %mul3A_39, %add3A_120 : i32
        %dma_start3A_122 = arith.constant 0 : i32
        %dma_start3A_123 = tpu.memref_slice %arg3[%add3A, %add3A_121, %dma_start3A_122] : memref<32x80x128xi32, #tpu.memory_space<hbm>> -> memref<1x2x128xi32, #tpu.memory_space<hbm>>
        %dma_start3A_124 = tpu.memref_squeeze %dma_start3A_123 : memref<1x2x128xi32, #tpu.memory_space<hbm>> -> memref<2x128xi32, #tpu.memory_space<hbm>>
        %dma_start3A_125 = arith.constant 0 : i32
        %dma_start3A_126 = tpu.memref_slice %arg3[%add3A, %add3A_121, %dma_start3A_125] : memref<32x80x128xi32, #tpu.memory_space<hbm>> -> memref<1x2x128xi32, #tpu.memory_space<hbm>>
        %dma_start3A_127 = tpu.memref_squeeze %dma_start3A_126 : memref<1x2x128xi32, #tpu.memory_space<hbm>> -> memref<2x128xi32, #tpu.memory_space<hbm>>
        tpu.enqueue_dma source(%dma_start3A_127 : memref<2x128xi32, #tpu.memory_space<hbm>>) target(%arg8 : memref<2x128xi32, #tpu.memory_space<vmem>>) target_semaphore(%arg16 : memref<!tpu.dma_semaphore, #tpu.memory_space<semaphore_mem>>)
        %add3A_128 = arith.constant 6 : i32
        %add3A_129 = arith.addi %mul3A_39, %add3A_128 : i32
        %dma_start3A_130 = arith.constant 0 : i32
        %dma_start3A_131 = tpu.memref_slice %arg4[%add3A, %add3A_129, %dma_start3A_130] : memref<32x80x128xi32, #tpu.memory_space<hbm>> -> memref<1x2x128xi32, #tpu.memory_space<hbm>>
        %dma_start3A_132 = tpu.memref_squeeze %dma_start3A_131 : memref<1x2x128xi32, #tpu.memory_space<hbm>> -> memref<2x128xi32, #tpu.memory_space<hbm>>
        %dma_start3A_133 = arith.constant 0 : i32
        %dma_start3A_134 = tpu.memref_slice %arg4[%add3A, %add3A_129, %dma_start3A_133] : memref<32x80x128xi32, #tpu.memory_space<hbm>> -> memref<1x2x128xi32, #tpu.memory_space<hbm>>
        %dma_start3A_135 = tpu.memref_squeeze %dma_start3A_134 : memref<1x2x128xi32, #tpu.memory_space<hbm>> -> memref<2x128xi32, #tpu.memory_space<hbm>>
        tpu.enqueue_dma source(%dma_start3A_135 : memref<2x128xi32, #tpu.memory_space<hbm>>) target(%arg9 : memref<2x128xi32, #tpu.memory_space<vmem>>) target_semaphore(%arg16 : memref<!tpu.dma_semaphore, #tpu.memory_space<semaphore_mem>>)
      } else {
      }
    }
    %scan3A_31 = arith.constant 20 : i32
    %barrier3A_32 = arith.constant 0 : index
    tpu.barrier barrier_id(%barrier3A_32)
    %mul3A_33 = arith.constant 640 : i32
    %mul3A_34 = arith.muli %arg1, %mul3A_33 : i32
    %mul3A_35 = arith.constant 640 : i32
    %mul3A_36 = arith.muli %arg1, %mul3A_35 : i32
    "tpu.region"() ({
      %run_scoped3A = tpu.sem_alloc : memref<!tpu.dma_semaphore, #tpu.memory_space<semaphore_mem>>
      %dma_start3A_37 = arith.constant 0 : i32
      %dma_start3A_38 = tpu.memref_slice %arg5[%arg0, %mul3A_36, %dma_start3A_37] : memref<2x10240x128xf32, #tpu.memory_space<hbm>> -> memref<1x640x128xf32, #tpu.memory_space<hbm>>
      %dma_start3A_39 = tpu.memref_squeeze %dma_start3A_38 : memref<1x640x128xf32, #tpu.memory_space<hbm>> -> memref<640x128xf32, #tpu.memory_space<hbm>>
      %dma_start3A_40 = arith.constant 0 : i32
      %dma_start3A_41 = tpu.memref_slice %arg12[%mul3A_34, %dma_start3A_40] : memref<10240x128xf32, #tpu.memory_space<vmem_shared>> -> memref<640x128xf32, #tpu.memory_space<vmem_shared>>
      tpu.enqueue_dma source(%dma_start3A_41 : memref<640x128xf32, #tpu.memory_space<vmem_shared>>) target(%dma_start3A_39 : memref<640x128xf32, #tpu.memory_space<hbm>>) target_semaphore(%run_scoped3A : memref<!tpu.dma_semaphore, #tpu.memory_space<semaphore_mem>>)
      %dma_wait3A = arith.constant 0 : i32
      %dma_wait3A_42 = tpu.memref_slice %arg5[%arg0, %mul3A_36, %dma_wait3A] : memref<2x10240x128xf32, #tpu.memory_space<hbm>> -> memref<1x640x128xf32, #tpu.memory_space<hbm>>
      %dma_wait3A_43 = tpu.memref_squeeze %dma_wait3A_42 : memref<1x640x128xf32, #tpu.memory_space<hbm>> -> memref<640x128xf32, #tpu.memory_space<hbm>>
      %dma_wait3A_44 = arith.constant 0 : i32
      %dma_wait3A_45 = tpu.memref_slice %arg12[%mul3A_34, %dma_wait3A_44] : memref<10240x128xf32, #tpu.memory_space<vmem_shared>> -> memref<640x128xf32, #tpu.memory_space<vmem_shared>>
      tpu.wait_dma2 semaphore(%run_scoped3A : memref<!tpu.dma_semaphore, #tpu.memory_space<semaphore_mem>>) src(%dma_wait3A_45 : memref<640x128xf32, #tpu.memory_space<vmem_shared>>) dst(%dma_wait3A_43 : memref<640x128xf32, #tpu.memory_space<hbm>>)
      tpu.yield
    }) : () -> ()
    return
  }
}

module attributes {stable_mosaic.version = 14 : i64} {
  func.func @body(%arg0: i32, %arg1: memref<512x1xf32, #tpu.memory_space<vmem>>, %arg2: memref<512x1xf32, #tpu.memory_space<vmem>>, %arg3: memref<512x128xf32, #tpu.memory_space<vmem>>, %arg4: memref<128x128xf32, #tpu.memory_space<vmem>>, %arg5: memref<512x1xf32, #tpu.memory_space<vmem>>, %arg6: memref<512x128xf32, #tpu.memory_space<vmem>>) attributes {dimension_semantics = [#tpu.dimension_semantics<arbitrary>], iteration_bounds = array<i64: 20>, scalar_prefetch = 0 : i64, scratch_operands = 0 : i64, tpu.core_type = #tpu.core_type<tc>, window_params = [{transform_indices = @transform_0, window_bounds = array<i64: 512, 1>}, {transform_indices = @transform_1, window_bounds = array<i64: 512, 1>}, {transform_indices = @transform_2, window_bounds = array<i64: 512, 128>}, {pipeline_mode = #tpu.pipeline_mode<synchronous>, transform_indices = @transform_3, window_bounds = array<i64: 128, 128>}, {transform_indices = @transform_4, window_bounds = array<i64: 512, 1>}, {transform_indices = @transform_5, window_bounds = array<i64: 512, 128>}]} {
    %get3A = arith.constant 0 : index
    %get3A_0 = arith.constant 0 : index
    %get3A_1 = vector.load %arg1[%get3A, %get3A_0] : memref<512x1xf32, #tpu.memory_space<vmem>>, vector<512x1xf32>
    %get3A_2 = arith.constant 0 : index
    %get3A_3 = arith.constant 0 : index
    %get3A_4 = vector.load %arg2[%get3A_2, %get3A_3] : memref<512x1xf32, #tpu.memory_space<vmem>>, vector<512x1xf32>
    %add3A = arith.addf %get3A_1, %get3A_4 : vector<512x1xf32>
    %add3A_5 = arith.constant 1.000000e+00 : f32
    %add3A_6 = vector.broadcast %add3A_5 : f32 to vector<512x1xf32>
    %add3A_7 = arith.addf %add3A, %add3A_6 : vector<512x1xf32>
    %rsqrt3A = math.rsqrt %add3A_7 : vector<512x1xf32>
    %swap3A = arith.constant 0 : index
    %swap3A_8 = arith.constant 0 : index
    %swap3A_9 = vector.load %arg5[%swap3A, %swap3A_8] : memref<512x1xf32, #tpu.memory_space<vmem>>, vector<512x1xf32>
    tpu.vector_store %arg5[%swap3A, %swap3A_8], %rsqrt3A {strides = array<i32>} : memref<512x1xf32, #tpu.memory_space<vmem>>, vector<512x1xf32>,
    %get3A_10 = arith.constant 0 : index
    %get3A_11 = arith.constant 0 : index
    %get3A_12 = vector.load %arg3[%get3A_10, %get3A_11] : memref<512x128xf32, #tpu.memory_space<vmem>>, vector<512x128xf32>
    %get3A_13 = arith.constant 0 : index
    %get3A_14 = arith.constant 0 : index
    %get3A_15 = vector.load %arg4[%get3A_13, %get3A_14] : memref<128x128xf32, #tpu.memory_space<vmem>>, vector<128x128xf32>
    %dot_general3A = arith.constant dense<0.000000e+00> : vector<512x128xf32>
    %dot_general3A_16 = tpu.matmul %get3A_12, %get3A_15, %dot_general3A {dimension_numbers = #tpu.dot_dimension_numbers<[1], [0], [0], [1], [0, 0, 1, 1], [], []>, transpose_lhs_hint = false} : vector<512x128xf32>, vector<128x128xf32>, vector<512x128xf32> -> vector<512x128xf32>
    %mul3A = vector.broadcast %rsqrt3A : vector<512x1xf32> to vector<512x128xf32>
    %mul3A_17 = arith.mulf %dot_general3A_16, %mul3A : vector<512x128xf32>
    %swap3A_18 = arith.constant 0 : index
    %swap3A_19 = arith.constant 0 : index
    %swap3A_20 = vector.load %arg6[%swap3A_18, %swap3A_19] : memref<512x128xf32, #tpu.memory_space<vmem>>, vector<512x128xf32>
    tpu.vector_store %arg6[%swap3A_18, %swap3A_19], %mul3A_17 {strides = array<i32>} : memref<512x128xf32, #tpu.memory_space<vmem>>, vector<512x128xf32>,
    return
  }
  func.func @transform_0(%arg0: i32) -> (i32, i32) {
    %c0_i32 = arith.constant 0 : i32
    %c0_i32_0 = arith.constant 0 : i32
    return %arg0, %c0_i32 : i32, i32
  }
  func.func @transform_1(%arg0: i32) -> (i32, i32) {
    %c0_i32 = arith.constant 0 : i32
    %c0_i32_0 = arith.constant 0 : i32
    return %arg0, %c0_i32 : i32, i32
  }
  func.func @transform_2(%arg0: i32) -> (i32, i32) {
    %c0_i32 = arith.constant 0 : i32
    %c0_i32_0 = arith.constant 0 : i32
    return %arg0, %c0_i32 : i32, i32
  }
  func.func @transform_3(%arg0: i32) -> (i32, i32) {
    %c0_i32 = arith.constant 0 : i32
    %c0_i32_0 = arith.constant 0 : i32
    %c0_i32_1 = arith.constant 0 : i32
    return %c0_i32, %c0_i32_0 : i32, i32
  }
  func.func @transform_4(%arg0: i32) -> (i32, i32) {
    %c0_i32 = arith.constant 0 : i32
    %c0_i32_0 = arith.constant 0 : i32
    return %arg0, %c0_i32 : i32, i32
  }
  func.func @transform_5(%arg0: i32) -> (i32, i32) {
    %c0_i32 = arith.constant 0 : i32
    %c0_i32_0 = arith.constant 0 : i32
    return %arg0, %c0_i32 : i32, i32
  }
}

module attributes {stable_mosaic.version = 14 : i64} {
  func.func @body(%arg0: i32, %arg1: memref<512x1xf32, #tpu.memory_space<vmem>>, %arg2: memref<512x128xf32, #tpu.memory_space<vmem>>, %arg3: memref<512x128xf32, #tpu.memory_space<vmem>>, %arg4: memref<512x128xf32, #tpu.memory_space<vmem>>, %arg5: memref<1x128xf32, #tpu.memory_space<vmem>>, %arg6: memref<128x128xf32, #tpu.memory_space<vmem>>, %arg7: memref<512x128xf32, #tpu.memory_space<vmem>>) attributes {dimension_semantics = [#tpu.dimension_semantics<arbitrary>], iteration_bounds = array<i64: 20>, scalar_prefetch = 0 : i64, scratch_operands = 0 : i64, tpu.core_type = #tpu.core_type<tc>, window_params = [{transform_indices = @transform_0, window_bounds = array<i64: 512, 1>}, {transform_indices = @transform_1, window_bounds = array<i64: 512, 128>}, {transform_indices = @transform_2, window_bounds = array<i64: 512, 128>}, {transform_indices = @transform_3, window_bounds = array<i64: 512, 128>}, {pipeline_mode = #tpu.pipeline_mode<synchronous>, transform_indices = @transform_4, window_bounds = array<i64: 1, 128>}, {pipeline_mode = #tpu.pipeline_mode<synchronous>, transform_indices = @transform_5, window_bounds = array<i64: 128, 128>}, {transform_indices = @transform_6, window_bounds = array<i64: 512, 128>}]} {
    %get3A = arith.constant 0 : index
    %get3A_0 = arith.constant 0 : index
    %get3A_1 = vector.load %arg1[%get3A, %get3A_0] : memref<512x1xf32, #tpu.memory_space<vmem>>, vector<512x1xf32>
    %get3A_2 = arith.constant 0 : index
    %get3A_3 = arith.constant 0 : index
    %get3A_4 = vector.load %arg2[%get3A_2, %get3A_3] : memref<512x128xf32, #tpu.memory_space<vmem>>, vector<512x128xf32>
    %get3A_5 = arith.constant 0 : index
    %get3A_6 = arith.constant 0 : index
    %get3A_7 = vector.load %arg3[%get3A_5, %get3A_6] : memref<512x128xf32, #tpu.memory_space<vmem>>, vector<512x128xf32>
    %add3A = arith.addf %get3A_4, %get3A_7 : vector<512x128xf32>
    %get3A_8 = arith.constant 0 : index
    %get3A_9 = arith.constant 0 : index
    %get3A_10 = vector.load %arg4[%get3A_8, %get3A_9] : memref<512x128xf32, #tpu.memory_space<vmem>>, vector<512x128xf32>
    %sub3A = arith.subf %add3A, %get3A_10 : vector<512x128xf32>
    %mul3A = vector.broadcast %get3A_1 : vector<512x1xf32> to vector<512x128xf32>
    %mul3A_11 = arith.mulf %mul3A, %sub3A : vector<512x128xf32>
    %get3A_12 = arith.constant 0 : index
    %get3A_13 = arith.constant 0 : index
    %get3A_14 = vector.load %arg5[%get3A_12, %get3A_13] : memref<1x128xf32, #tpu.memory_space<vmem>>, vector<1x128xf32>
    %add3A_15 = vector.broadcast %get3A_14 : vector<1x128xf32> to vector<512x128xf32>
    %add3A_16 = arith.addf %mul3A_11, %add3A_15 : vector<512x128xf32>
    %max3A = arith.constant 0.000000e+00 : f32
    %max3A_17 = vector.broadcast %max3A : f32 to vector<512x128xf32>
    %max3A_18 = arith.maximumf %add3A_16, %max3A_17 : vector<512x128xf32>
    %get3A_19 = arith.constant 0 : index
    %get3A_20 = arith.constant 0 : index
    %get3A_21 = vector.load %arg6[%get3A_19, %get3A_20] : memref<128x128xf32, #tpu.memory_space<vmem>>, vector<128x128xf32>
    %dot_general3A = arith.constant dense<0.000000e+00> : vector<512x128xf32>
    %dot_general3A_22 = tpu.matmul %max3A_18, %get3A_21, %dot_general3A {dimension_numbers = #tpu.dot_dimension_numbers<[1], [0], [0], [1], [0, 0, 1, 1], [], []>, transpose_lhs_hint = false} : vector<512x128xf32>, vector<128x128xf32>, vector<512x128xf32> -> vector<512x128xf32>
    %mul3A_23 = vector.broadcast %get3A_1 : vector<512x1xf32> to vector<512x128xf32>
    %mul3A_24 = arith.mulf %dot_general3A_22, %mul3A_23 : vector<512x128xf32>
    %swap3A = arith.constant 0 : index
    %swap3A_25 = arith.constant 0 : index
    %swap3A_26 = vector.load %arg7[%swap3A, %swap3A_25] : memref<512x128xf32, #tpu.memory_space<vmem>>, vector<512x128xf32>
    tpu.vector_store %arg7[%swap3A, %swap3A_25], %mul3A_24 {strides = array<i32>} : memref<512x128xf32, #tpu.memory_space<vmem>>, vector<512x128xf32>,
    return
  }
  func.func @transform_0(%arg0: i32) -> (i32, i32) {
    %c0_i32 = arith.constant 0 : i32
    %c0_i32_0 = arith.constant 0 : i32
    return %arg0, %c0_i32 : i32, i32
  }
  func.func @transform_1(%arg0: i32) -> (i32, i32) {
    %c0_i32 = arith.constant 0 : i32
    %c0_i32_0 = arith.constant 0 : i32
    return %arg0, %c0_i32 : i32, i32
  }
  func.func @transform_2(%arg0: i32) -> (i32, i32) {
    %c0_i32 = arith.constant 0 : i32
    %c0_i32_0 = arith.constant 0 : i32
    return %arg0, %c0_i32 : i32, i32
  }
  func.func @transform_3(%arg0: i32) -> (i32, i32) {
    %c0_i32 = arith.constant 0 : i32
    %c0_i32_0 = arith.constant 0 : i32
    return %arg0, %c0_i32 : i32, i32
  }
  func.func @transform_4(%arg0: i32) -> (i32, i32) {
    %c0_i32 = arith.constant 0 : i32
    %c0_i32_0 = arith.constant 0 : i32
    %c0_i32_1 = arith.constant 0 : i32
    return %c0_i32, %c0_i32_0 : i32, i32
  }
  func.func @transform_5(%arg0: i32) -> (i32, i32) {
    %c0_i32 = arith.constant 0 : i32
    %c0_i32_0 = arith.constant 0 : i32
    %c0_i32_1 = arith.constant 0 : i32
    return %c0_i32, %c0_i32_0 : i32, i32
  }
  func.func @transform_6(%arg0: i32) -> (i32, i32) {
    %c0_i32 = arith.constant 0 : i32
    %c0_i32_0 = arith.constant 0 : i32
    return %arg0, %c0_i32 : i32, i32
  }
}

module attributes {stable_mosaic.version = 14 : i64} {
  func.func @body(%arg0: i32, %arg1: memref<512x1xf32, #tpu.memory_space<vmem>>, %arg2: memref<512x128xf32, #tpu.memory_space<vmem>>, %arg3: memref<512x128xf32, #tpu.memory_space<vmem>>, %arg4: memref<512x128xf32, #tpu.memory_space<vmem>>, %arg5: memref<1x128xf32, #tpu.memory_space<vmem>>, %arg6: memref<128x512xf32, #tpu.memory_space<vmem>>, %arg7: memref<1x512xf32, #tpu.memory_space<vmem>>, %arg8: memref<128x128xf32, #tpu.memory_space<vmem>>, %arg9: memref<1x128xf32, #tpu.memory_space<vmem>>, %arg10: memref<512x128xf32, #tpu.memory_space<vmem>>) attributes {dimension_semantics = [#tpu.dimension_semantics<arbitrary>], iteration_bounds = array<i64: 20>, scalar_prefetch = 0 : i64, scratch_operands = 0 : i64, tpu.core_type = #tpu.core_type<tc>, window_params = [{transform_indices = @transform_0, window_bounds = array<i64: 512, 1>}, {transform_indices = @transform_1, window_bounds = array<i64: 512, 128>}, {transform_indices = @transform_2, window_bounds = array<i64: 512, 128>}, {transform_indices = @transform_3, window_bounds = array<i64: 512, 128>}, {pipeline_mode = #tpu.pipeline_mode<synchronous>, transform_indices = @transform_4, window_bounds = array<i64: 1, 128>}, {pipeline_mode = #tpu.pipeline_mode<synchronous>, transform_indices = @transform_5, window_bounds = array<i64: 128, 512>}, {pipeline_mode = #tpu.pipeline_mode<synchronous>, transform_indices = @transform_6, window_bounds = array<i64: 1, 512>}, {pipeline_mode = #tpu.pipeline_mode<synchronous>, transform_indices = @transform_7, window_bounds = array<i64: 128, 128>}, {pipeline_mode = #tpu.pipeline_mode<synchronous>, transform_indices = @transform_8, window_bounds = array<i64: 1, 128>}, {transform_indices = @transform_9, window_bounds = array<i64: 512, 128>}]} {
    %get3A = arith.constant 0 : index
    %get3A_0 = arith.constant 0 : index
    %get3A_1 = vector.load %arg1[%get3A, %get3A_0] : memref<512x1xf32, #tpu.memory_space<vmem>>, vector<512x1xf32>
    %get3A_2 = arith.constant 0 : index
    %get3A_3 = arith.constant 0 : index
    %get3A_4 = vector.load %arg2[%get3A_2, %get3A_3] : memref<512x128xf32, #tpu.memory_space<vmem>>, vector<512x128xf32>
    %get3A_5 = arith.constant 0 : index
    %get3A_6 = arith.constant 0 : index
    %get3A_7 = vector.load %arg3[%get3A_5, %get3A_6] : memref<512x128xf32, #tpu.memory_space<vmem>>, vector<512x128xf32>
    %add3A = arith.addf %get3A_4, %get3A_7 : vector<512x128xf32>
    %get3A_8 = arith.constant 0 : index
    %get3A_9 = arith.constant 0 : index
    %get3A_10 = vector.load %arg4[%get3A_8, %get3A_9] : memref<512x128xf32, #tpu.memory_space<vmem>>, vector<512x128xf32>
    %sub3A = arith.subf %add3A, %get3A_10 : vector<512x128xf32>
    %mul3A = vector.broadcast %get3A_1 : vector<512x1xf32> to vector<512x128xf32>
    %mul3A_11 = arith.mulf %mul3A, %sub3A : vector<512x128xf32>
    %get3A_12 = arith.constant 0 : index
    %get3A_13 = arith.constant 0 : index
    %get3A_14 = vector.load %arg5[%get3A_12, %get3A_13] : memref<1x128xf32, #tpu.memory_space<vmem>>, vector<1x128xf32>
    %add3A_15 = vector.broadcast %get3A_14 : vector<1x128xf32> to vector<512x128xf32>
    %add3A_16 = arith.addf %mul3A_11, %add3A_15 : vector<512x128xf32>
    %max3A = arith.constant 0.000000e+00 : f32
    %max3A_17 = vector.broadcast %max3A : f32 to vector<512x128xf32>
    %max3A_18 = arith.maximumf %add3A_16, %max3A_17 : vector<512x128xf32>
    %get3A_19 = arith.constant 0 : index
    %get3A_20 = arith.constant 0 : index
    %get3A_21 = vector.load %arg6[%get3A_19, %get3A_20] : memref<128x512xf32, #tpu.memory_space<vmem>>, vector<128x512xf32>
    %dot_general3A = arith.constant dense<0.000000e+00> : vector<512x512xf32>
    %dot_general3A_22 = tpu.matmul %max3A_18, %get3A_21, %dot_general3A {dimension_numbers = #tpu.dot_dimension_numbers<[1], [0], [0], [1], [0, 0, 1, 1], [], []>, transpose_lhs_hint = false} : vector<512x128xf32>, vector<128x512xf32>, vector<512x512xf32> -> vector<512x512xf32>
    %get3A_23 = arith.constant 0 : index
    %get3A_24 = arith.constant 0 : index
    %get3A_25 = vector.load %arg7[%get3A_23, %get3A_24] : memref<1x512xf32, #tpu.memory_space<vmem>>, vector<1x512xf32>
    %add3A_26 = vector.broadcast %get3A_25 : vector<1x512xf32> to vector<512x512xf32>
    %add3A_27 = arith.addf %dot_general3A_22, %add3A_26 : vector<512x512xf32>
    %slice3A = vector.extract_strided_slice %add3A_27 {offsets = [0, 0], sizes = [512, 128], strides = [1, 1]} : vector<512x512xf32> to vector<512x128xf32>
    %slice3A_28 = vector.extract_strided_slice %add3A_27 {offsets = [0, 256], sizes = [512, 128], strides = [1, 1]} : vector<512x512xf32> to vector<512x128xf32>
    %slice3A_29 = vector.extract_strided_slice %add3A_27 {offsets = [0, 384], sizes = [512, 128], strides = [1, 1]} : vector<512x512xf32> to vector<512x128xf32>
    %logistic3A = arith.negf %slice3A : vector<512x128xf32>
    %logistic3A_30 = math.exp %logistic3A : vector<512x128xf32>
    %logistic3A_31 = arith.constant 1.000000e+00 : f32
    %logistic3A_32 = vector.broadcast %logistic3A_31 : f32 to vector<512x128xf32>
    %logistic3A_33 = arith.addf %logistic3A_32, %logistic3A_30 : vector<512x128xf32>
    %logistic3A_34 = arith.divf %logistic3A_32, %logistic3A_33 : vector<512x128xf32>
    %tanh3A = math.tanh %slice3A_28 : vector<512x128xf32>
    %mul3A_35 = arith.mulf %logistic3A_34, %tanh3A : vector<512x128xf32>
    %logistic3A_36 = arith.negf %slice3A_29 : vector<512x128xf32>
    %logistic3A_37 = math.exp %logistic3A_36 : vector<512x128xf32>
    %logistic3A_38 = arith.constant 1.000000e+00 : f32
    %logistic3A_39 = vector.broadcast %logistic3A_38 : f32 to vector<512x128xf32>
    %logistic3A_40 = arith.addf %logistic3A_39, %logistic3A_37 : vector<512x128xf32>
    %logistic3A_41 = arith.divf %logistic3A_39, %logistic3A_40 : vector<512x128xf32>
    %tanh3A_42 = math.tanh %mul3A_35 : vector<512x128xf32>
    %mul3A_43 = arith.mulf %logistic3A_41, %tanh3A_42 : vector<512x128xf32>
    %get3A_44 = arith.constant 0 : index
    %get3A_45 = arith.constant 0 : index
    %get3A_46 = vector.load %arg8[%get3A_44, %get3A_45] : memref<128x128xf32, #tpu.memory_space<vmem>>, vector<128x128xf32>
    %dot_general3A_47 = arith.constant dense<0.000000e+00> : vector<512x128xf32>
    %dot_general3A_48 = tpu.matmul %mul3A_43, %get3A_46, %dot_general3A_47 {dimension_numbers = #tpu.dot_dimension_numbers<[1], [0], [0], [1], [0, 0, 1, 1], [], []>, transpose_lhs_hint = false} : vector<512x128xf32>, vector<128x128xf32>, vector<512x128xf32> -> vector<512x128xf32>
    %get3A_49 = arith.constant 0 : index
    %get3A_50 = arith.constant 0 : index
    %get3A_51 = vector.load %arg9[%get3A_49, %get3A_50] : memref<1x128xf32, #tpu.memory_space<vmem>>, vector<1x128xf32>
    %add3A_52 = vector.broadcast %get3A_51 : vector<1x128xf32> to vector<512x128xf32>
    %add3A_53 = arith.addf %dot_general3A_48, %add3A_52 : vector<512x128xf32>
    %swap3A = arith.constant 0 : index
    %swap3A_54 = arith.constant 0 : index
    %swap3A_55 = vector.load %arg10[%swap3A, %swap3A_54] : memref<512x128xf32, #tpu.memory_space<vmem>>, vector<512x128xf32>
    tpu.vector_store %arg10[%swap3A, %swap3A_54], %add3A_53 {strides = array<i32>} : memref<512x128xf32, #tpu.memory_space<vmem>>, vector<512x128xf32>,
    return
  }
  func.func @transform_0(%arg0: i32) -> (i32, i32) {
    %c0_i32 = arith.constant 0 : i32
    %c0_i32_0 = arith.constant 0 : i32
    return %arg0, %c0_i32 : i32, i32
  }
  func.func @transform_1(%arg0: i32) -> (i32, i32) {
    %c0_i32 = arith.constant 0 : i32
    %c0_i32_0 = arith.constant 0 : i32
    return %arg0, %c0_i32 : i32, i32
  }
  func.func @transform_2(%arg0: i32) -> (i32, i32) {
    %c0_i32 = arith.constant 0 : i32
    %c0_i32_0 = arith.constant 0 : i32
    return %arg0, %c0_i32 : i32, i32
  }
  func.func @transform_3(%arg0: i32) -> (i32, i32) {
    %c0_i32 = arith.constant 0 : i32
    %c0_i32_0 = arith.constant 0 : i32
    return %arg0, %c0_i32 : i32, i32
  }
  func.func @transform_4(%arg0: i32) -> (i32, i32) {
    %c0_i32 = arith.constant 0 : i32
    %c0_i32_0 = arith.constant 0 : i32
    %c0_i32_1 = arith.constant 0 : i32
    return %c0_i32, %c0_i32_0 : i32, i32
  }
  func.func @transform_5(%arg0: i32) -> (i32, i32) {
    %c0_i32 = arith.constant 0 : i32
    %c0_i32_0 = arith.constant 0 : i32
    %c0_i32_1 = arith.constant 0 : i32
    return %c0_i32, %c0_i32_0 : i32, i32
  }
  func.func @transform_6(%arg0: i32) -> (i32, i32) {
    %c0_i32 = arith.constant 0 : i32
    %c0_i32_0 = arith.constant 0 : i32
    %c0_i32_1 = arith.constant 0 : i32
    return %c0_i32, %c0_i32_0 : i32, i32
  }
  func.func @transform_7(%arg0: i32) -> (i32, i32) {
    %c0_i32 = arith.constant 0 : i32
    %c0_i32_0 = arith.constant 0 : i32
    %c0_i32_1 = arith.constant 0 : i32
    return %c0_i32, %c0_i32_0 : i32, i32
  }
  func.func @transform_8(%arg0: i32) -> (i32, i32) {
    %c0_i32 = arith.constant 0 : i32
    %c0_i32_0 = arith.constant 0 : i32
    %c0_i32_1 = arith.constant 0 : i32
    return %c0_i32, %c0_i32_0 : i32, i32
  }
  func.func @transform_9(%arg0: i32) -> (i32, i32) {
    %c0_i32 = arith.constant 0 : i32
    %c0_i32_0 = arith.constant 0 : i32
    return %arg0, %c0_i32 : i32, i32
  }
}

</mosaic_0001>

<sc_bundles>
// kernel: kernel.11.cloned.1.call-start
scs
__scs_entry_jumppad:
0x0: {  	(pc) =	sbr.rel $0x88, $3  }
0x1: {  	(tag) =	ssettag $0x0;
	lr =	simm.s32 $0x1  }
0x2: {  	[smem:$0x3F96] =	sst lr;
	_ =	strace $0xD0000000  }
0x3: {  	_ = 	snop  }
0x4: {  	_ = 	snop  }
0x5: {  	_ = 	snop  }
0x6: {  	_ = 	snop  }
0x7: {  	_ = 	snop  }
__scs_overlays_trampoline_lowered:
0x8: {  	[smem:$0x3FA5] =	sst s0  }
0x9: {  	[smem:$0x3FA6] =	sst s1  }
0xa: {  	[smem:$0x3FA7] =	sst s2  }
0xb: {  	[smem:$0x3FA8] =	sst s3  }
0xc: {  	[smem:$0x3FA9] =	sst s4  }
0xd: {  	[smem:$0x3FAA] =	sst s5  }
0xe: {  	[smem:$0x3FAB] =	sst s6  }
0xf: {  	[smem:$0x3FAC] =	sst s7  }
0x10: {  	[smem:$0x3FAD] =	sst s8  }
0x11: {  	[smem:$0x3FAE] =	sst s9;
	s0 =	simm.s32 @!p0 $0x0  }
0x12: {  	s1 =	sld [smem:$0x3F94];
	s0 =	simm.s32 @p0 $0x1  }
0x13: {  	[smem:$0x3FAF] =	sst s0;
	s0 =	simm.s32 @!p1 $0x0  }
0x14: {  	s2 =	sld [smem:$0x3F93];
	s0 =	simm.s32 @p1 $0x1  }
0x15: {  	[smem:$0x3FB0] =	sst s0;
	s0 =	simm.s32 @!p2 $0x0  }
0x16: {  	s3 =	sld [smem:$0x3FDB];
	s0 =	simm.s32 @p2 $0x1  }
0x17: {  	s4 =	simm.s32 $0x1BF5;
	[smem:$0x3FB2] =	sst s0  }
0x18: {  	s0 =	sld [smem:$0x3F95];
	_ =	swait.ge [sflag:s4], $0x0  }
0x19: {  	s7 =	sld [smem:$0x3F96]  }
0x1a: {  	s8 =	sadd.s32 $0xFFFFE003, lr  }
0x1b: {  	s9 =	sadd.s32 $0xFFFFFEF7, lr;
	s5 =	simm.s32 $0xFFFFFFFF;
	p2 =	slt.u32 s8, $0xFFFFF086  }
0x1c: {  	p1 =	slt.u32 s9, $0xF7A;
	s5 =	simm.s32 @!p2 $0x0  }
0x1d: {  	s5 =	simm.s32 @p1 $0x1;
	p0 =	seq.s32 s7, s2  }
0x1e: {  	s7 =	smul.u32 @!p0 $0xF7A, s2;
	p2 =	seq.s32 @!p0 s5, $0x0  }
0x1f: {  	s9 =	smul.u32 $0xF7A, s1;
	s8 =	simm.s32 @!p0 $0x1BF5;
	p2 =	por !p2, p0  }
0x20: {  	[sflag:s8] =	ssyncset.s32 @!p0 $0xFFFFF086;
	s6 =	sadd.s32 @!p0 s3, s7;
	s7 =	simm.s32 @!p0 $0x108  }
0x21: {  	s3 =	sadd.s32 s3, s9;
	s6 =	sadd.s32 @!p0 $0x88, s6;
	s7 =	simm.s32 @p2 $0x1082  }
0x22: {  	[simem:s7], [sflag:s8] =	dma.local @!p0 [hbm:s6], $0xF7A  }
0x23: {  	s9 =	sor.u32 $0xD0000000, s2;
	s6 =	simm.s32 $0x108;
	_ =	swait.ge @!p0 [sflag:s8], $0x0  }
0x24: {  	s3 =	sadd.s32 $0x88, s3;
	s6 =	simm.s32 @!p1 $0x1082;
	[sflag:s4] =	ssyncset.s32 $0xFFFFF086  }
0x25: {  	[simem:s6], [sflag:s4] =	dma.local [hbm:s3], $0xF7A  }
0x26: {  	[smem:$0x3F96] =	sst s1;
	(tag) =	ssettag s2;
	_ =	strace s9  }
0x27: {  	s1 =	sld [smem:$0x3FA6]  }
0x28: {  	s2 =	sld [smem:$0x3FA7]  }
0x29: {  	s4 =	sld [smem:$0x3FA9]  }
0x2a: {  	p0 =	seq.s32 s5, $0x0;
	s5 =	sld [smem:$0x3FAA]  }
0x2b: {  	s6 =	sld [smem:$0x3FAB]  }
0x2c: {  	s7 =	sld [smem:$0x3FAC]  }
0x2d: {  	s3 =	simm.s32 $0x108;
	s8 =	sld [smem:$0x3FAD]  }
0x2e: {  	s3 =	simm.s32 @!p0 $0x1082;
	s9 =	sld [smem:$0x3FAE]  }
0x2f: {  	lr =	sadd.s32 s0, s3;
	s0 =	sld [smem:$0x3FA5]  }
0x30: {  	s3 =	sld [smem:$0x3FA8]  }
0x31: {  	[smem:$0x3FB1] =	sst s10  }
0x32: {  	s10 =	sld [smem:$0x3FAF];
	_ =	sdelay $0x3  }
0x33: {  	p0 =	seq.s32 s10, $0x1;
	s10 =	sld [smem:$0x3FB1];
	_ =	sdelay $0x3  }
0x34: {  	[smem:$0x3FB1] =	sst s10  }
0x35: {  	s10 =	sld [smem:$0x3FB0];
	_ =	sdelay $0x3  }
0x36: {  	p1 =	seq.s32 s10, $0x1;
	s10 =	sld [smem:$0x3FB1];
	_ =	sdelay $0x3  }
0x37: {  	[smem:$0x3FB1] =	sst s10  }
0x38: {  	s10 =	sld [smem:$0x3FB2]  }
0x39: {  	_ = 	snop;
	(pc) =	sbr.ind lr, $3  }
0x3a: {  	_ = 	snop  }
0x3b: {  	_ = 	snop  }
0x3c: {  	p2 =	seq.s32 s10, $0x1;
	s10 =	sld [smem:$0x3FB1]  }
0x3d: {  	_ =	shalt  }
0x3e: {  	_ =	shalt  }
0x3f: {  	_ =	shalt  }
0x40: {  	_ =	shalt  }
0x41: {  	_ =	shalt  }
0x42: {  	_ =	shalt  }
0x43: {  	_ =	shalt  }
0x44: {  	_ =	shalt  }
0x45: {  	_ =	shalt  }
0x46: {  	_ =	shalt  }
0x47: {  	_ =	shalt  }
0x48: {  	_ =	shalt  }
0x49: {  	_ =	shalt  }
0x4a: {  	_ =	shalt  }
0x4b: {  	_ =	shalt  }
0x4c: {  	_ =	shalt  }
0x4d: {  	_ =	shalt  }
0x4e: {  	_ =	shalt  }
0x4f: {  	_ =	shalt  }
0x50: {  	_ =	shalt  }
0x51: {  	_ =	shalt  }
0x52: {  	_ =	shalt  }
0x53: {  	_ =	shalt  }
0x54: {  	_ =	shalt  }
0x55: {  	_ =	shalt  }
0x56: {  	_ =	shalt  }
0x57: {  	_ =	shalt  }
0x58: {  	_ =	shalt  }
0x59: {  	_ =	shalt  }
0x5a: {  	_ =	shalt  }
0x5b: {  	_ =	shalt  }
0x5c: {  	_ =	shalt  }
0x5d: {  	_ =	shalt  }
0x5e: {  	_ =	shalt  }
0x5f: {  	_ =	shalt  }
0x60: {  	_ =	shalt  }
0x61: {  	_ =	shalt  }
0x62: {  	_ =	shalt  }
0x63: {  	_ =	shalt  }
0x64: {  	_ =	shalt  }
0x65: {  	_ =	shalt  }
0x66: {  	_ =	shalt  }
0x67: {  	_ =	shalt  }
0x68: {  	_ =	shalt  }
0x69: {  	_ =	shalt  }
0x6a: {  	_ =	shalt  }
0x6b: {  	_ =	shalt  }
0x6c: {  	_ =	shalt  }
0x6d: {  	_ =	shalt  }
0x6e: {  	_ =	shalt  }
0x6f: {  	_ =	shalt  }
0x70: {  	_ =	shalt  }
0x71: {  	_ =	shalt  }
0x72: {  	_ =	shalt  }
0x73: {  	_ =	shalt  }
0x74: {  	_ =	shalt  }
0x75: {  	_ =	shalt  }
0x76: {  	_ =	shalt  }
0x77: {  	_ =	shalt  }
0x78: {  	_ =	shalt  }
0x79: {  	_ =	shalt  }
0x7a: {  	_ =	shalt  }
0x7b: {  	_ =	shalt  }
0x7c: {  	_ =	shalt  }
0x7d: {  	_ =	shalt  }
0x7e: {  	_ =	shalt  }
0x7f: {  	_ =	shalt  }
0x80: {  	_ =	shalt  }
0x81: {  	_ =	shalt  }
0x82: {  	_ =	shalt  }
0x83: {  	_ =	shalt  }
0x84: {  	_ =	shalt  }
0x85: {  	_ =	shalt  }
0x86: {  	_ =	shalt  }
0x87: {  	_ =	shalt  }
.Lfunc_end0:
.L_simem_size_0:
called_computation.1_lowered:
.L_overlay_start_0:
0x88: {  	s2 =	sld [smem:$0x3FD9]  }
0x89: {  	s3 =	sld [smem:$0x3FFE];
	_ =	sdelay $0x1  }
0x8a: {  	s1 =	srdreg.scid  }
0x8b: {  	s0 =	sand.u32 $0x1, s1  }
0x8c: {  	s17 =	sshll.u32 s0, $0xA;
	s2 =	sadd.s32 s3, s2  }
0x8d: {  	s2 =	sadd.s32 s2, s17  }
0x8e: {  	[smem:$0x3FBD] =	sst s2  }
0x8f: {  	_ = 	snop  }
0x90: {  	s2 =	sld [smem:$0x3FD0];
	(tm) =	ssettm $0x1  }
0x91: {  	s18 =	sld [smem:$0x3FFB];
	_ =	sdelay $0x3  }
0x92: {  	_ =	strace s18  }
0x93: {  	s3 =	sld [smem:$0x3FFC];
	_ =	sdelay $0x3  }
0x94: {  	_ =	strace s3  }
0x95: {  	s3 =	sld [smem:$0x3FFD];
	_ =	sdelay $0x3  }
0x96: {  	_ =	strace s3  }
0x97: {  	_ =	strace $0x8FFFFFFF  }
0x98: {  	s19 =	sld [smem:$0x3FDB];
	_ =	sdelay $0x1  }
0x99: {  	s4 =	simm.s32 $_scs_section_size  }
0x9a: {  	s5 =	simm.s32 $_size__tile_overlayer_lowered;
	s6 =	simm.s32 $_tile_overlayer_lowered  }
0x9b: {  	s22 =	simm.s32 $0x1BFF;
	s21 =	sshll.u32 s6, $0x1;
	s3 =	sadd.s32 s4, s19  }
0x9c: {  	s7 =	simm.s32 $0x0;
	s20 =	sshll.u32 s5, $0x1;
	s5 =	sadd.s32 s21, s3  }
0x9d: {  	[timem:s7], [sflag:s22] =	dma.local [hbm:s5], s20  }
0x9e: {  	_ =	swait.ge [sflag:s22], s20  }
0x9f: {  	s4 =	ssub.s32 $0x0, s20;
	[sflag:s22] =	ssyncset.done $0x0  }
0xa0: {  	[sflag:s22] =	ssyncadd.s32 s4;
	_ =	sdelay $0x1  }
0xa1: {  	s23 =	simm.s32 $0x1B8B  }
0xa2: {  	_ =	swait.ge [sflag:s23], $0x1  }
0xa3: {  	[sflag:s23] =	ssyncset.done $0x0  }
0xa4: {  	s25 =	simm.s32 $0x1B8E;
	s24 =	sld [smem:$0x3FFE];
	[sflag:s23] =	ssyncadd.s32 $0xFFFFFFFF  }
0xa5: {  	s26 =	simm.s32 $execute0_lowered;
	[smem:$0x3FD2] =	sst s25  }
0xa6: {  	s5 =	sshll.u32 s26, $0x1;
	_ =	strace $0x80000049;
	[dreg:$0x1] =	wrdreg $0xFFFFFFFF  }
0xa7: {  	s28 =	simm.s32 $_size_execute0_lowered;
	s3 =	sadd.s32 s3, s5;
	[dreg:$0x0] =	wrdreg $0x0  }
0xa8: {  	s5 =	sshll.u32 s28, $0x1;
	[dreg:$0x2] =	wrdreg s3  }
0xa9: {  	[dreg:$0x3] =	wrdreg s5  }
0xaa: {  	[dreg:$0x4] =	wrdreg $0xC0  }
0xab: {  	_ =	task [dreg:s7], $0x5FFFF  }
0xac: {  	[dreg:$0x1] =	wrdreg $0xFFFFFFFF  }
0xad: {  	[dreg:$0x0] =	wrdreg $0x60  }
0xae: {  	[dreg:$0x2] =	wrdreg s24  }
0xaf: {  	[dreg:$0x3] =	wrdreg s2  }
0xb0: {  	[dreg:$0x4] =	wrdreg $0x84000  }
0xb1: {  	[dreg:$0x5] =	wrdreg $0x9  }
0xb2: {  	_ =	task.clear_ibuf [dreg:s7], $0x6FFFF;
	_ =	strace $0x90000049  }
0xb3: {  	s29 =	simm.s32 $0x9;
	_ =	strace $0x8000004B  }
0xb4: {  	_ =	swait.ge [sflag:s29], $0x1  }
0xb5: {  	[sflag:s29] =	ssyncadd.s32 $0xFFFFFFFF  }
0xb6: {  	_ =	strace $0x9000004B  }
0xb7: {  	_ =	sfence  }
0xb8: {  	s30 =	sld [smem:$0x0];
	_ =	sdelay $0x2  }
0xb9: {  	s31 =	sshll.u32 s1, $0xD;
	s1 =	sshrl.u32 s1, $0x2  }
0xba: {  	s3 =	sand.u32 $0x4000, s31;
	s1 =	sadd.s32 s1, s30  }
0xbb: {  	s0 =	sor.u32 s3, s0;
	s1 =	sshll.u32 s1, $0x11  }
0xbc: {  	s0 =	sor.u32 s1, s0  }
0xbd: {  	s0 =	sadd.s32 $0x8F2B, s0  }
0xbe: {  	[sflag:s0] =	ssyncadd.remote.s32 $0x1  }
0xbf: {  	_ =	sfence.sel $0xFFFF  }
0xc0: {  	[dreg:$0x0] =	wrdreg $0xFFFFFFFF;
	(pc) =	sbr.abs _section_cstart, $3  }
0xc1: {  	[dreg:$0x1] =	wrdreg $0xFFFFFFFF  }
0xc2: {  	_ =	task.clear_ibuf [dreg:s7], $0x2FFFF;
	_ =	strace $0x9FFFFFFF  }
0xc3: {  	(tm) =	ssettm $0x7FFFFFFF  }
tec
execute0_lowered:
.L_overlay_start_1:
0x0: {  	(tag) =	ssettag $0x1  }
0x1: {  	s7 =	rddreg [dreg:$0x0]  }
0x2: {  	s2 =	rddreg [dreg:$0x1]  }
0x3: {  	s3 =	rddreg [dreg:$0x2];
	s5 =	srdreg.scid  }
0x4: {  	s0 =	stileid.u32;
	s4 =	simm.s32 $0x0;
	s17 =	simm.s32 $0x5  }
0x5: {  	s18 =	simm.s32 $0x100;
	s19 =	simm.s32 $0x200;
	s20 =	simm.s32 $0x80  }
0x6: {  	s21 =	simm.s32 $0x400;
	s28 =	simm.s32 $0x380;
	s29 =	simm.s32 $0x0  }
0x7: {  	s8 =	sand.u32 $0x1, s5;
	s9 =	smul.u32 $0x14000, s0;
	[smem:$0x7FF] =	sst s4  }
0x8: {  	s5 =	sadd.s32 $0xD400, s7;
	s6 =	sadd.s32 $0x3400, s7;
	s11 =	smul.u32 $0x50000, s0  }
0x9: {  	s12 =	sshll.u32 s0, $0x1;
	s26 =	sshll.u32 s0, $0x6;
	s10 =	smul.u32 $0x140000, s8  }
0xa: {  	_ =	strace $0x8000004A;
	s22 =	ssub.s32 $0x2, s8;
	s23 =	sor.u32 s8, s12  }
0xb: {  	s24 =	sshrl.u32 s22, $0x1;
	s11 =	sshrl.u32 s11, $0x2;
	s25 =	sshrl.u32 s9, $0x3  }
0xc: {  	s10 =	sadd.s32 s9, s10;
	s15 =	ssub.s32 s22, s24;
	s16 =	sadd.s32 s11, s3  }
0xd: {  	s1 =	sadd.s32 s5, s25;
	s9 =	sor.u32 $0x1C05, s26;
	s22 =	simm.s32 $0x1  }
0xe: {  	s24 =	simm.s32 $0x2;
	s25 =	simm.s32 $0x4;
	s10 =	sshrl.u32 s10, $0x3  }
0xf: {  	s26 =	simm.s32 $0x180;
	s14 =	sadd.s32 s10, s7;
	s7 =	smul.u32 $0x2800, s23  }
0x10: {  	[dreg:$0x4] =	wrdreg s1;
	s15 =	smax.u32 s15, $0x1;
	s16 =	sshrl.u32 s16, $0x3  }
0x11: {  	s23 =	simm.s32 $0x4400;
	s14 =	sadd.s32 $0x35400, s14;
	s30 =	sshrl.u32 s7, $0x3  }
0x12: {  	s31 =	sadd.s32 s6, s30;
	s13 =	sor.u32 $0x20, s30;
	s11 =	sadd.s32 s2, s30  }
0x13: {  	[dreg:$0x5] =	wrdreg s31;
	s12 =	sadd.s32 s6, s13;
	s13 =	sadd.s32 s2, s13  }
.LBB2_1:
0x14: {  	s0 =	rddreg [dreg:$0x4]  }
0x15: {  	[spmem:s16], [sflag:s9] =	dma.local [hbm:s0], $0x2800  }
0x16: {  	_ =	swait.ge [sflag:s17], $0x2800  }
0x17: {  	[sflag:s17] =	ssyncset.done $0x0  }
0x18: {  	s31 =	rddreg [dreg:$0x5];
	[sflag:s17] =	ssyncadd.s32 $0xFFFFD800  }
0x19: {  	[tilespmem:s4], [sflag:$0x5] =	stream.linear.gather [hbm4b:s31+s4], $0x100, $0x38;
	[tilespmem:$0x1C400] =	vst v63  }
0x1a: {  	_ =	swait.ge [sflag:s17], $0x100  }
0x1b: {  	[sflag:s17] =	ssyncset.done $0x0  }
0x1c: {  	[sflag:s17] =	ssyncadd.s32 $0xFFFFFF00  }
0x1d: {  	[tilespmem:s18], [sflag:$0x5] =	stream.linear.gather [hbm4b:s11+s4], $0x100, $0x38;
	[tilespmem:$0x1C400] =	vst v63  }
0x1e: {  	_ =	swait.ge [sflag:s17], $0x100  }
0x1f: {  	[sflag:s17] =	ssyncset.done $0x0  }
0x20: {  	[sflag:s17] =	ssyncadd.s32 $0xFFFFFF00  }
0x21: {  	[tilespmem:s19], [sflag:$0x4] =	stream.linear.gather [hbm4b:s12+s4], $0x100, $0x38;
	[tilespmem:$0x1C400] =	vst v63  }
0x22: {  	s30 =	simm.s32 $0x300  }
0x23: {  	[tilespmem:s30], [sflag:$0x4] =	stream.linear.gather [hbm4b:s13+s4], $0x100, $0x38;
	[tilespmem:$0x1C400] =	vst v63  }
0x24: {  	[bflag:$0x0] =	sbarrier.arrive $0xFFFF  }
0x25: {  	[tilespmem:s21], [sflag:$0x1] =	stream.indirect.gather [hbm4b:s5+s20], $0x80, s4, s20, $0xb8;
	[tilespmem:$0x1C400] =	vst v63  }
.LBB2_2:
0x26: {  	_ =	swait.ge [sflag:s22], $0x4000  }
0x27: {  	[sflag:s22] =	ssyncset.done $0x0  }
0x28: {  	[sflag:s22] =	ssyncadd.s32 $0xFFFFC000  }
0x29: {  	[tilespmem:s23], [sflag:$0x2] =	stream.indirect.gather [hbm4b:s5+s20], $0x80, s20, s20, $0xb8;
	[tilespmem:$0x1C400] =	vst v63  }
0x2a: {  	_ = 	snop  }
0x2b: {  	[spmem:s3] =	stream.indirect.scatter.add.f32 [tilespmem:s21], [sflag:$0x5], $0x80, s18, s20, $0xb8;
	[tilespmem:$0x1C400] =	vst v63  }
0x2c: {  	_ =	swait.ge [sflag:s17], $0x4000  }
0x2d: {  	[sflag:s17] =	ssyncset.done $0x0  }
0x2e: {  	[sflag:s17] =	ssyncadd.s32 $0xFFFFC000  }
0x2f: {  	_ =	swait.ge [sflag:s24], $0x4000  }
0x30: {  	[sflag:s24] =	ssyncset.done $0x0  }
0x31: {  	[sflag:s24] =	ssyncadd.s32 $0xFFFFC000  }
0x32: {  	_ =	swait.ge [sflag:s25], $0x100  }
0x33: {  	[sflag:s25] =	ssyncset.done $0x0  }
0x34: {  	[sflag:s25] =	ssyncadd.s32 $0xFFFFFF00  }
0x35: {  	_ =	swait.ge [sflag:s25], $0x100  }
0x36: {  	[sflag:s25] =	ssyncset.done $0x0  }
0x37: {  	[sflag:s25] =	ssyncadd.s32 $0xFFFFFF00  }
0x38: {  	[tilespmem:s21], [sflag:$0x1] =	stream.indirect.gather [hbm4b:s5+s20], $0x80, s19, s20, $0xb8;
	[tilespmem:$0x1C400] =	vst v63  }
0x39: {  	_ = 	snop  }
0x3a: {  	[spmem:s3] =	stream.indirect.scatter.add.f32 [tilespmem:s23], [sflag:$0x5], $0x80, s26, s20, $0xb8;
	[tilespmem:$0x1C400] =	vst v63  }
0x3b: {  	_ =	swait.ge [sflag:s17], $0x4000  }
0x3c: {  	p0 =	seq.s32 s30, $0x2900;
	[sflag:s17] =	ssyncset.done $0x0  }
0x3d: {  	s31 =	simm.s32 @p0 $0x1;
	[sflag:s17] =	ssyncadd.s32 $0xFFFFC000  }
0x3e: {  	_ =	swait.ge @p0 [sflag:s31], $0x4000  }
0x3f: {  	s0 =	simm.s32 @p0 $0x280;
	[sflag:s31] =	ssyncset.done @p0 $0x0  }
0x40: {  	s1 =	simm.s32 @p0 $0x4400;
	[sflag:s31] =	ssyncadd.s32 @p0 $0xFFFFC000;
	s31 =	simm.s32 @p0 $0x80  }
0x41: {  	[tilespmem:s1], [sflag:$0x2] =	stream.indirect.gather @p0 [hbm4b:s5+s31], $0x80, s0, s31, $0xb8;
	[tilespmem:$0x1C400] =	vst v63  }
0x42: {  	s0 =	simm.s32 @p0 $0x300;
	s1 =	simm.s32 @p0 $0x400  }
0x43: {  	[spmem:s3] =	stream.indirect.scatter.add.f32 @p0 [tilespmem:s1], [sflag:$0x5], $0x80, s0, s31, $0xb8;
	[tilespmem:$0x1C400] =	vst v63  }
0x44: {  	s0 =	simm.s32 @p0 $0x5  }
0x45: {  	_ =	swait.ge @p0 [sflag:s0], $0x4000  }
0x46: {  	s1 =	sadd.s32 @!p0 $0xFFFFFF00, s30;
	[sflag:s0] =	ssyncset.done @p0 $0x0  }
0x47: {  	[sflag:s0] =	ssyncadd.s32 @p0 $0xFFFFC000;
	s0 =	sand.u32 @!p0 $0x7C00, s1  }
0x48: {  	s31 =	simm.s32 @p0 $0x2;
	s1 =	sand.u32 @!p0 $0x200, s1;
	s0 =	sadd.s32 @!p0 s7, s0  }
0x49: {  	_ =	swait.ge @p0 [sflag:s31], $0x4000;
	s0 =	sor.u32 @!p0 s1, s0  }
0x4a: {  	[sflag:s31] =	ssyncset.done @p0 $0x0;
	s0 =	sshrl.u32 @!p0 s0, $0x3  }
0x4b: {  	[sflag:s31] =	ssyncadd.s32 @p0 $0xFFFFC000;
	s31 =	simm.s32 @!p0 $0x0;
	s1 =	sadd.s32 @!p0 s6, s0  }
0x4c: {  	[tilespmem:s31], [sflag:$0x3] =	stream.linear.gather @!p0 [hbm4b:s1+s31], $0x100, $0x38;
	[tilespmem:$0x1C400] =	vst v63  }
0x4d: {  	s0 =	sadd.s32 @!p0 s2, s0;
	s1 =	simm.s32 @!p0 $0x100  }
0x4e: {  	[tilespmem:s1], [sflag:$0x3] =	stream.linear.gather @!p0 [hbm4b:s0+s31], $0x100, $0x38;
	[tilespmem:$0x1C400] =	vst v63  }
0x4f: {  	s0 =	simm.s32 @!p0 $0x1  }
0x50: {  	_ =	swait.ge @!p0 [sflag:s0], $0x4000  }
0x51: {  	s8 =	simm.s32 @!p0 $0x4400;
	[sflag:s0] =	ssyncset.done @!p0 $0x0  }
0x52: {  	s1 =	simm.s32 @!p0 $0x280;
	[sflag:s0] =	ssyncadd.s32 @!p0 $0xFFFFC000;
	s0 =	simm.s32 @!p0 $0x80  }
0x53: {  	[tilespmem:s8], [sflag:$0x2] =	stream.indirect.gather @!p0 [hbm4b:s5+s0], $0x80, s1, s0, $0xb8;
	[tilespmem:$0x1C400] =	vst v63  }
0x54: {  	s10 =	simm.s32 @!p0 $0x5;
	s1 =	simm.s32 @!p0 $0x300;
	s8 =	simm.s32 @!p0 $0x400  }
0x55: {  	[spmem:s3] =	stream.indirect.scatter.add.f32 @!p0 [tilespmem:s8], [sflag:$0x5], $0x80, s1, s0, $0xb8;
	[tilespmem:$0x1C400] =	vst v63  }
0x56: {  	_ =	swait.ge @!p0 [sflag:s10], $0x4000  }
0x57: {  	[sflag:s10] =	ssyncset.done @!p0 $0x0  }
0x58: {  	[sflag:s10] =	ssyncadd.s32 @!p0 $0xFFFFC000;
	s10 =	simm.s32 @!p0 $0x3  }
0x59: {  	_ =	swait.ge @!p0 [sflag:s10], $0x100  }
0x5a: {  	[sflag:s10] =	ssyncset.done @!p0 $0x0  }
0x5b: {  	[sflag:s10] =	ssyncadd.s32 @!p0 $0xFFFFFF00  }
0x5c: {  	_ =	swait.ge @!p0 [sflag:s10], $0x100  }
0x5d: {  	[sflag:s10] =	ssyncset.done @!p0 $0x0  }
0x5e: {  	[sflag:s10] =	ssyncadd.s32 @!p0 $0xFFFFFF00;
	s10 =	simm.s32 @!p0 $0x2  }
0x5f: {  	_ =	swait.ge @!p0 [sflag:s10], $0x4000  }
0x60: {  	[sflag:s10] =	ssyncset.done @!p0 $0x0  }
0x61: {  	[sflag:s10] =	ssyncadd.s32 @!p0 $0xFFFFC000  }
0x62: {  	[tilespmem:s8], [sflag:$0x1] =	stream.indirect.gather @!p0 [hbm4b:s5+s0], $0x80, s31, s0, $0xb8;
	[tilespmem:$0x1C400] =	vst v63  }
0x63: {  	s0 =	sand.u32 @!p0 $0x7C00, s30  }
0x64: {  	s8 =	sand.u32 @!p0 $0x300, s30;
	s0 =	sadd.s32 @!p0 s7, s0  }
0x65: {  	[spmem:s3] =	stream.indirect.scatter.add.f32 [tilespmem:s23], [sflag:$0x5], $0x80, s28, s20, $0xb8;
	[tilespmem:$0x1C400] =	vst v63  }
0x66: {  	s0 =	sor.u32 @!p0 s8, s0;
	_ =	swait.ge [sflag:s17], $0x4000  }
0x67: {  	s10 =	simm.s32 @!p0 $0x200;
	s0 =	sshrl.u32 @!p0 s0, $0x3;
	[sflag:s17] =	ssyncset.done $0x0  }
0x68: {  	s30 =	sadd.s32 @!p0 $0x200, s30;
	s8 =	sadd.s32 @!p0 s6, s0;
	[sflag:s17] =	ssyncadd.s32 $0xFFFFC000  }
0x69: {  	[tilespmem:s10], [sflag:$0x4] =	stream.linear.gather @!p0 [hbm4b:s8+s31], $0x100, $0x38;
	[tilespmem:$0x1C400] =	vst v63  }
0x6a: {  	p1 =	sne.s32 @!p0 s30, $0x2B00;
	s0 =	sadd.s32 @!p0 s2, s0  }
0x6b: {  	[tilespmem:s1], [sflag:$0x4] =	stream.linear.gather @!p0 [hbm4b:s0+s31], $0x100, $0x38;
	[tilespmem:$0x1C400] =	vst v63  }
0x6c: {  	p0 =	por p0, !p1  }
.Ltmp0:
0x6d: {  	_ = 	snop;
	(pc) =	sbr.rel @!p0 .LBB2_2-.Ltmp0, $1  }
0x6e: {  	_ =	sdelay $0x3  }
0x6f: {  	s29 =	sadd.s32 $0x1, s29  }
0x70: {  	p0 =	sne.s32 s29, s15  }
.Ltmp1:
0x71: {  	[bflag:$0x0] =	sbarrier.arrive $0xFFFF;
	(pc) =	sbr.rel @p0 .LBB2_1-.Ltmp1, $4  }
0x72: {  	[hbm:s14], [sflag:s9] =	dma.local [spmem:s16], $0x2800  }
0x73: {  	_ =	swait.ge [sflag:s17], $0x2800  }
0x74: {  	[sflag:s17] =	ssyncset.done $0x0  }
0x75: {  	[sflag:s17] =	ssyncadd.s32 $0xFFFFD800  }
0x76: {  	_ =	sfence.sel $0x180000  }
0x77: {  	[bflag:$0x0] =	sbarrier.arrive $0xFFFF  }
0x78: {  	_ =	strace $0x9000004A  }
0x79: {  	s0 =	stileid.u32;
	[bflag:$0x2] =	sbarrier.arrive $0xFFFF  }
0x7a: {  	p0 =	sne.s32 s0, $0x0;
	s0 =	rddreg [dreg:$0x3]  }
0x7b: {  	s0 =	sadd.s32 @!p0 $0x100000, s0  }
0x7c: {  	[sflag:s0] =	ssyncadd.tile.s32 @!p0 $0x1;
	_ =	shalt  }
.Lfunc_end2:
_tile_overlayer_lowered:
.L_overlay_start_2:
0x7d: {  	(tag) =	ssettag $0x2  }
0x7e: {  	s0 =	rddreg [dreg:$0x0];
	s2 =	stileid.u32  }
0x7f: {  	s1 =	rddreg [dreg:$0x1];
	p0 =	sne.s32 s2, $0x0  }
0x80: {  	s3 =	rddreg [dreg:$0x2];
	[bflag:$0x3] =	sbarrier.arrive $0xFFFF;
	s2 =	simm.s32 @!p0 $0x1C05  }
0x81: {  	[timem:s3], [sflag:s2] =	dma.local @!p0 [hbm:s0], s1  }
0x82: {  	s0 =	simm.s32 @!p0 $0x5  }
0x83: {  	_ =	swait.ge @!p0 [sflag:s0], s1  }
0x84: {  	s1 =	ssub.s32 @!p0 $0x0, s1;
	[sflag:s0] =	ssyncset.done @!p0 $0x0  }
0x85: {  	[sflag:s0] =	ssyncadd.s32 @!p0 s1  }
0x86: {  	[bflag:$0x3] =	sbarrier.arrive $0xFFFF  }
0x87: {  	_ =	shalt  }

// kernel: kernel.14.cloned.1.call-start
scs
__scs_entry_jumppad:
0x0: {  	(pc) =	sbr.rel $0x88, $3  }
0x1: {  	(tag) =	ssettag $0x0;
	lr =	simm.s32 $0x1  }
0x2: {  	[smem:$0x3F96] =	sst lr;
	_ =	strace $0xD0000000  }
0x3: {  	_ = 	snop  }
0x4: {  	_ = 	snop  }
0x5: {  	_ = 	snop  }
0x6: {  	_ = 	snop  }
0x7: {  	_ = 	snop  }
__scs_overlays_trampoline_lowered:
0x8: {  	[smem:$0x3FA5] =	sst s0  }
0x9: {  	[smem:$0x3FA6] =	sst s1  }
0xa: {  	[smem:$0x3FA7] =	sst s2  }
0xb: {  	[smem:$0x3FA8] =	sst s3  }
0xc: {  	[smem:$0x3FA9] =	sst s4  }
0xd: {  	[smem:$0x3FAA] =	sst s5  }
0xe: {  	[smem:$0x3FAB] =	sst s6  }
0xf: {  	[smem:$0x3FAC] =	sst s7  }
0x10: {  	[smem:$0x3FAD] =	sst s8  }
0x11: {  	[smem:$0x3FAE] =	sst s9;
	s0 =	simm.s32 @!p0 $0x0  }
0x12: {  	s1 =	sld [smem:$0x3F94];
	s0 =	simm.s32 @p0 $0x1  }
0x13: {  	[smem:$0x3FAF] =	sst s0;
	s0 =	simm.s32 @!p1 $0x0  }
0x14: {  	s2 =	sld [smem:$0x3F93];
	s0 =	simm.s32 @p1 $0x1  }
0x15: {  	[smem:$0x3FB0] =	sst s0;
	s0 =	simm.s32 @!p2 $0x0  }
0x16: {  	s3 =	sld [smem:$0x3FDB];
	s0 =	simm.s32 @p2 $0x1  }
0x17: {  	s4 =	simm.s32 $0x1BF5;
	[smem:$0x3FB2] =	sst s0  }
0x18: {  	s0 =	sld [smem:$0x3F95];
	_ =	swait.ge [sflag:s4], $0x0  }
0x19: {  	s7 =	sld [smem:$0x3F96]  }
0x1a: {  	s8 =	sadd.s32 $0xFFFFE003, lr  }
0x1b: {  	s9 =	sadd.s32 $0xFFFFFEF7, lr;
	s5 =	simm.s32 $0xFFFFFFFF;
	p2 =	slt.u32 s8, $0xFFFFF086  }
0x1c: {  	p1 =	slt.u32 s9, $0xF7A;
	s5 =	simm.s32 @!p2 $0x0  }
0x1d: {  	s5 =	simm.s32 @p1 $0x1;
	p0 =	seq.s32 s7, s2  }
0x1e: {  	s7 =	smul.u32 @!p0 $0xF7A, s2;
	p2 =	seq.s32 @!p0 s5, $0x0  }
0x1f: {  	s9 =	smul.u32 $0xF7A, s1;
	s8 =	simm.s32 @!p0 $0x1BF5;
	p2 =	por !p2, p0  }
0x20: {  	[sflag:s8] =	ssyncset.s32 @!p0 $0xFFFFF086;
	s6 =	sadd.s32 @!p0 s3, s7;
	s7 =	simm.s32 @!p0 $0x108  }
0x21: {  	s3 =	sadd.s32 s3, s9;
	s6 =	sadd.s32 @!p0 $0x88, s6;
	s7 =	simm.s32 @p2 $0x1082  }
0x22: {  	[simem:s7], [sflag:s8] =	dma.local @!p0 [hbm:s6], $0xF7A  }
0x23: {  	s9 =	sor.u32 $0xD0000000, s2;
	s6 =	simm.s32 $0x108;
	_ =	swait.ge @!p0 [sflag:s8], $0x0  }
0x24: {  	s3 =	sadd.s32 $0x88, s3;
	s6 =	simm.s32 @!p1 $0x1082;
	[sflag:s4] =	ssyncset.s32 $0xFFFFF086  }
0x25: {  	[simem:s6], [sflag:s4] =	dma.local [hbm:s3], $0xF7A  }
0x26: {  	[smem:$0x3F96] =	sst s1;
	(tag) =	ssettag s2;
	_ =	strace s9  }
0x27: {  	s1 =	sld [smem:$0x3FA6]  }
0x28: {  	s2 =	sld [smem:$0x3FA7]  }
0x29: {  	s4 =	sld [smem:$0x3FA9]  }
0x2a: {  	p0 =	seq.s32 s5, $0x0;
	s5 =	sld [smem:$0x3FAA]  }
0x2b: {  	s6 =	sld [smem:$0x3FAB]  }
0x2c: {  	s7 =	sld [smem:$0x3FAC]  }
0x2d: {  	s3 =	simm.s32 $0x108;
	s8 =	sld [smem:$0x3FAD]  }
0x2e: {  	s3 =	simm.s32 @!p0 $0x1082;
	s9 =	sld [smem:$0x3FAE]  }
0x2f: {  	lr =	sadd.s32 s0, s3;
	s0 =	sld [smem:$0x3FA5]  }
0x30: {  	s3 =	sld [smem:$0x3FA8]  }
0x31: {  	[smem:$0x3FB1] =	sst s10  }
0x32: {  	s10 =	sld [smem:$0x3FAF];
	_ =	sdelay $0x3  }
0x33: {  	p0 =	seq.s32 s10, $0x1;
	s10 =	sld [smem:$0x3FB1];
	_ =	sdelay $0x3  }
0x34: {  	[smem:$0x3FB1] =	sst s10  }
0x35: {  	s10 =	sld [smem:$0x3FB0];
	_ =	sdelay $0x3  }
0x36: {  	p1 =	seq.s32 s10, $0x1;
	s10 =	sld [smem:$0x3FB1];
	_ =	sdelay $0x3  }
0x37: {  	[smem:$0x3FB1] =	sst s10  }
0x38: {  	s10 =	sld [smem:$0x3FB2]  }
0x39: {  	_ = 	snop;
	(pc) =	sbr.ind lr, $3  }
0x3a: {  	_ = 	snop  }
0x3b: {  	_ = 	snop  }
0x3c: {  	p2 =	seq.s32 s10, $0x1;
	s10 =	sld [smem:$0x3FB1]  }
0x3d: {  	_ =	shalt  }
0x3e: {  	_ =	shalt  }
0x3f: {  	_ =	shalt  }
0x40: {  	_ =	shalt  }
0x41: {  	_ =	shalt  }
0x42: {  	_ =	shalt  }
0x43: {  	_ =	shalt  }
0x44: {  	_ =	shalt  }
0x45: {  	_ =	shalt  }
0x46: {  	_ =	shalt  }
0x47: {  	_ =	shalt  }
0x48: {  	_ =	shalt  }
0x49: {  	_ =	shalt  }
0x4a: {  	_ =	shalt  }
0x4b: {  	_ =	shalt  }
0x4c: {  	_ =	shalt  }
0x4d: {  	_ =	shalt  }
0x4e: {  	_ =	shalt  }
0x4f: {  	_ =	shalt  }
0x50: {  	_ =	shalt  }
0x51: {  	_ =	shalt  }
0x52: {  	_ =	shalt  }
0x53: {  	_ =	shalt  }
0x54: {  	_ =	shalt  }
0x55: {  	_ =	shalt  }
0x56: {  	_ =	shalt  }
0x57: {  	_ =	shalt  }
0x58: {  	_ =	shalt  }
0x59: {  	_ =	shalt  }
0x5a: {  	_ =	shalt  }
0x5b: {  	_ =	shalt  }
0x5c: {  	_ =	shalt  }
0x5d: {  	_ =	shalt  }
0x5e: {  	_ =	shalt  }
0x5f: {  	_ =	shalt  }
0x60: {  	_ =	shalt  }
0x61: {  	_ =	shalt  }
0x62: {  	_ =	shalt  }
0x63: {  	_ =	shalt  }
0x64: {  	_ =	shalt  }
0x65: {  	_ =	shalt  }
0x66: {  	_ =	shalt  }
0x67: {  	_ =	shalt  }
0x68: {  	_ =	shalt  }
0x69: {  	_ =	shalt  }
0x6a: {  	_ =	shalt  }
0x6b: {  	_ =	shalt  }
0x6c: {  	_ =	shalt  }
0x6d: {  	_ =	shalt  }
0x6e: {  	_ =	shalt  }
0x6f: {  	_ =	shalt  }
0x70: {  	_ =	shalt  }
0x71: {  	_ =	shalt  }
0x72: {  	_ =	shalt  }
0x73: {  	_ =	shalt  }
0x74: {  	_ =	shalt  }
0x75: {  	_ =	shalt  }
0x76: {  	_ =	shalt  }
0x77: {  	_ =	shalt  }
0x78: {  	_ =	shalt  }
0x79: {  	_ =	shalt  }
0x7a: {  	_ =	shalt  }
0x7b: {  	_ =	shalt  }
0x7c: {  	_ =	shalt  }
0x7d: {  	_ =	shalt  }
0x7e: {  	_ =	shalt  }
0x7f: {  	_ =	shalt  }
0x80: {  	_ =	shalt  }
0x81: {  	_ =	shalt  }
0x82: {  	_ =	shalt  }
0x83: {  	_ =	shalt  }
0x84: {  	_ =	shalt  }
0x85: {  	_ =	shalt  }
0x86: {  	_ =	shalt  }
0x87: {  	_ =	shalt  }
.Lfunc_end0:
.L_simem_size_0:
called_computation.2_lowered:
.L_overlay_start_0:
0x88: {  	s2 =	sld [smem:$0x3FD9]  }
0x89: {  	s3 =	sld [smem:$0x3FFE];
	_ =	sdelay $0x1  }
0x8a: {  	s1 =	srdreg.scid  }
0x8b: {  	s0 =	sand.u32 $0x1, s1  }
0x8c: {  	s17 =	sshll.u32 s0, $0xA;
	s2 =	sadd.s32 s3, s2  }
0x8d: {  	s2 =	sadd.s32 s2, s17  }
0x8e: {  	[smem:$0x3FBD] =	sst s2  }
0x8f: {  	_ = 	snop  }
0x90: {  	s2 =	sld [smem:$0x3FD0];
	(tm) =	ssettm $0x1  }
0x91: {  	s18 =	sld [smem:$0x3FFB];
	_ =	sdelay $0x3  }
0x92: {  	_ =	strace s18  }
0x93: {  	s3 =	sld [smem:$0x3FFC];
	_ =	sdelay $0x3  }
0x94: {  	_ =	strace s3  }
0x95: {  	s3 =	sld [smem:$0x3FFD];
	_ =	sdelay $0x3  }
0x96: {  	_ =	strace s3  }
0x97: {  	_ =	strace $0x8FFFFFFF  }
0x98: {  	s19 =	sld [smem:$0x3FDB];
	_ =	sdelay $0x1  }
0x99: {  	s4 =	simm.s32 $_scs_section_size  }
0x9a: {  	s5 =	simm.s32 $_size__tile_overlayer_lowered;
	s6 =	simm.s32 $_tile_overlayer_lowered  }
0x9b: {  	s22 =	simm.s32 $0x1BFF;
	s21 =	sshll.u32 s6, $0x1;
	s3 =	sadd.s32 s4, s19  }
0x9c: {  	s7 =	simm.s32 $0x0;
	s20 =	sshll.u32 s5, $0x1;
	s5 =	sadd.s32 s21, s3  }
0x9d: {  	[timem:s7], [sflag:s22] =	dma.local [hbm:s5], s20  }
0x9e: {  	_ =	swait.ge [sflag:s22], s20  }
0x9f: {  	s4 =	ssub.s32 $0x0, s20;
	[sflag:s22] =	ssyncset.done $0x0  }
0xa0: {  	[sflag:s22] =	ssyncadd.s32 s4;
	_ =	sdelay $0x1  }
0xa1: {  	s23 =	simm.s32 $0x1B8B  }
0xa2: {  	_ =	swait.ge [sflag:s23], $0x1  }
0xa3: {  	[sflag:s23] =	ssyncset.done $0x0  }
0xa4: {  	s25 =	simm.s32 $0x1B8E;
	s24 =	sld [smem:$0x3FFE];
	[sflag:s23] =	ssyncadd.s32 $0xFFFFFFFF  }
0xa5: {  	s26 =	simm.s32 $execute0_lowered;
	[smem:$0x3FD2] =	sst s25  }
0xa6: {  	s5 =	sshll.u32 s26, $0x1;
	_ =	strace $0x8000004C;
	[dreg:$0x1] =	wrdreg $0xFFFFFFFF  }
0xa7: {  	s28 =	simm.s32 $_size_execute0_lowered;
	s3 =	sadd.s32 s3, s5;
	[dreg:$0x0] =	wrdreg $0x0  }
0xa8: {  	s5 =	sshll.u32 s28, $0x1;
	[dreg:$0x2] =	wrdreg s3  }
0xa9: {  	[dreg:$0x3] =	wrdreg s5  }
0xaa: {  	[dreg:$0x4] =	wrdreg $0xC0  }
0xab: {  	_ =	task [dreg:s7], $0x5FFFF  }
0xac: {  	[dreg:$0x1] =	wrdreg $0xFFFFFFFF  }
0xad: {  	[dreg:$0x0] =	wrdreg $0x60  }
0xae: {  	[dreg:$0x2] =	wrdreg s24  }
0xaf: {  	[dreg:$0x3] =	wrdreg s2  }
0xb0: {  	[dreg:$0x4] =	wrdreg $0x84000  }
0xb1: {  	[dreg:$0x5] =	wrdreg $0x9  }
0xb2: {  	_ =	task.clear_ibuf [dreg:s7], $0x6FFFF;
	_ =	strace $0x9000004C  }
0xb3: {  	s29 =	simm.s32 $0x9;
	_ =	strace $0x8000004E  }
0xb4: {  	_ =	swait.ge [sflag:s29], $0x1  }
0xb5: {  	[sflag:s29] =	ssyncadd.s32 $0xFFFFFFFF  }
0xb6: {  	_ =	strace $0x9000004E  }
0xb7: {  	_ =	sfence  }
0xb8: {  	s30 =	sld [smem:$0x0];
	_ =	sdelay $0x2  }
0xb9: {  	s31 =	sshll.u32 s1, $0xD;
	s1 =	sshrl.u32 s1, $0x2  }
0xba: {  	s3 =	sand.u32 $0x4000, s31;
	s1 =	sadd.s32 s1, s30  }
0xbb: {  	s0 =	sor.u32 s3, s0;
	s1 =	sshll.u32 s1, $0x11  }
0xbc: {  	s0 =	sor.u32 s1, s0  }
0xbd: {  	s0 =	sadd.s32 $0x8F2B, s0  }
0xbe: {  	[sflag:s0] =	ssyncadd.remote.s32 $0x1  }
0xbf: {  	_ =	sfence.sel $0xFFFF  }
0xc0: {  	[dreg:$0x0] =	wrdreg $0xFFFFFFFF;
	(pc) =	sbr.abs _section_cstart, $3  }
0xc1: {  	[dreg:$0x1] =	wrdreg $0xFFFFFFFF  }
0xc2: {  	_ =	task.clear_ibuf [dreg:s7], $0x2FFFF;
	_ =	strace $0x9FFFFFFF  }
0xc3: {  	(tm) =	ssettm $0x7FFFFFFF  }
tec
execute0_lowered:
.L_overlay_start_1:
0x0: {  	(tag) =	ssettag $0x1  }
0x1: {  	s7 =	rddreg [dreg:$0x0]  }
0x2: {  	s2 =	rddreg [dreg:$0x1]  }
0x3: {  	s3 =	rddreg [dreg:$0x2];
	s5 =	srdreg.scid  }
0x4: {  	s0 =	stileid.u32;
	s4 =	simm.s32 $0x0;
	s17 =	simm.s32 $0x5  }
0x5: {  	s18 =	simm.s32 $0x100;
	s19 =	simm.s32 $0x200;
	s20 =	simm.s32 $0x80  }
0x6: {  	s21 =	simm.s32 $0x400;
	s28 =	simm.s32 $0x380;
	s29 =	simm.s32 $0x0  }
0x7: {  	s8 =	sand.u32 $0x1, s5;
	s9 =	smul.u32 $0x14000, s0;
	[smem:$0x7FF] =	sst s4  }
0x8: {  	s5 =	sadd.s32 $0xD400, s7;
	s6 =	sadd.s32 $0x3400, s7;
	s11 =	smul.u32 $0x50000, s0  }
0x9: {  	s12 =	sshll.u32 s0, $0x1;
	s26 =	sshll.u32 s0, $0x6;
	s10 =	smul.u32 $0x140000, s8  }
0xa: {  	_ =	strace $0x8000004D;
	s22 =	ssub.s32 $0x2, s8;
	s23 =	sor.u32 s8, s12  }
0xb: {  	s24 =	sshrl.u32 s22, $0x1;
	s11 =	sshrl.u32 s11, $0x2;
	s25 =	sshrl.u32 s9, $0x3  }
0xc: {  	s10 =	sadd.s32 s9, s10;
	s15 =	ssub.s32 s22, s24;
	s16 =	sadd.s32 s11, s3  }
0xd: {  	s1 =	sadd.s32 s5, s25;
	s9 =	sor.u32 $0x1C05, s26;
	s22 =	simm.s32 $0x1  }
0xe: {  	s24 =	simm.s32 $0x2;
	s25 =	simm.s32 $0x4;
	s10 =	sshrl.u32 s10, $0x3  }
0xf: {  	s26 =	simm.s32 $0x180;
	s14 =	sadd.s32 s10, s7;
	s7 =	smul.u32 $0x2800, s23  }
0x10: {  	[dreg:$0x4] =	wrdreg s1;
	s15 =	smax.u32 s15, $0x1;
	s16 =	sshrl.u32 s16, $0x3  }
0x11: {  	s23 =	simm.s32 $0x4400;
	s14 =	sadd.s32 $0x35400, s14;
	s30 =	sshrl.u32 s7, $0x3  }
0x12: {  	s31 =	sadd.s32 s6, s30;
	s13 =	sor.u32 $0x20, s30;
	s11 =	sadd.s32 s2, s30  }
0x13: {  	[dreg:$0x5] =	wrdreg s31;
	s12 =	sadd.s32 s6, s13;
	s13 =	sadd.s32 s2, s13  }
.LBB2_1:
0x14: {  	s0 =	rddreg [dreg:$0x4]  }
0x15: {  	[spmem:s16], [sflag:s9] =	dma.local [hbm:s0], $0x2800  }
0x16: {  	_ =	swait.ge [sflag:s17], $0x2800  }
0x17: {  	[sflag:s17] =	ssyncset.done $0x0  }
0x18: {  	s31 =	rddreg [dreg:$0x5];
	[sflag:s17] =	ssyncadd.s32 $0xFFFFD800  }
0x19: {  	[tilespmem:s4], [sflag:$0x5] =	stream.linear.gather [hbm4b:s31+s4], $0x100, $0x38;
	[tilespmem:$0x1C400] =	vst v63  }
0x1a: {  	_ =	swait.ge [sflag:s17], $0x100  }
0x1b: {  	[sflag:s17] =	ssyncset.done $0x0  }
0x1c: {  	[sflag:s17] =	ssyncadd.s32 $0xFFFFFF00  }
0x1d: {  	[tilespmem:s18], [sflag:$0x5] =	stream.linear.gather [hbm4b:s11+s4], $0x100, $0x38;
	[tilespmem:$0x1C400] =	vst v63  }
0x1e: {  	_ =	swait.ge [sflag:s17], $0x100  }
0x1f: {  	[sflag:s17] =	ssyncset.done $0x0  }
0x20: {  	[sflag:s17] =	ssyncadd.s32 $0xFFFFFF00  }
0x21: {  	[tilespmem:s19], [sflag:$0x4] =	stream.linear.gather [hbm4b:s12+s4], $0x100, $0x38;
	[tilespmem:$0x1C400] =	vst v63  }
0x22: {  	s30 =	simm.s32 $0x300  }
0x23: {  	[tilespmem:s30], [sflag:$0x4] =	stream.linear.gather [hbm4b:s13+s4], $0x100, $0x38;
	[tilespmem:$0x1C400] =	vst v63  }
0x24: {  	[bflag:$0x0] =	sbarrier.arrive $0xFFFF  }
0x25: {  	[tilespmem:s21], [sflag:$0x1] =	stream.indirect.gather [hbm4b:s5+s20], $0x80, s4, s20, $0xb8;
	[tilespmem:$0x1C400] =	vst v63  }
.LBB2_2:
0x26: {  	_ =	swait.ge [sflag:s22], $0x4000  }
0x27: {  	[sflag:s22] =	ssyncset.done $0x0  }
0x28: {  	[sflag:s22] =	ssyncadd.s32 $0xFFFFC000  }
0x29: {  	[tilespmem:s23], [sflag:$0x2] =	stream.indirect.gather [hbm4b:s5+s20], $0x80, s20, s20, $0xb8;
	[tilespmem:$0x1C400] =	vst v63  }
0x2a: {  	_ = 	snop  }
0x2b: {  	[spmem:s3] =	stream.indirect.scatter.add.f32 [tilespmem:s21], [sflag:$0x5], $0x80, s18, s20, $0xb8;
	[tilespmem:$0x1C400] =	vst v63  }
0x2c: {  	_ =	swait.ge [sflag:s17], $0x4000  }
0x2d: {  	[sflag:s17] =	ssyncset.done $0x0  }
0x2e: {  	[sflag:s17] =	ssyncadd.s32 $0xFFFFC000  }
0x2f: {  	_ =	swait.ge [sflag:s24], $0x4000  }
0x30: {  	[sflag:s24] =	ssyncset.done $0x0  }
0x31: {  	[sflag:s24] =	ssyncadd.s32 $0xFFFFC000  }
0x32: {  	_ =	swait.ge [sflag:s25], $0x100  }
0x33: {  	[sflag:s25] =	ssyncset.done $0x0  }
0x34: {  	[sflag:s25] =	ssyncadd.s32 $0xFFFFFF00  }
0x35: {  	_ =	swait.ge [sflag:s25], $0x100  }
0x36: {  	[sflag:s25] =	ssyncset.done $0x0  }
0x37: {  	[sflag:s25] =	ssyncadd.s32 $0xFFFFFF00  }
0x38: {  	[tilespmem:s21], [sflag:$0x1] =	stream.indirect.gather [hbm4b:s5+s20], $0x80, s19, s20, $0xb8;
	[tilespmem:$0x1C400] =	vst v63  }
0x39: {  	_ = 	snop  }
0x3a: {  	[spmem:s3] =	stream.indirect.scatter.add.f32 [tilespmem:s23], [sflag:$0x5], $0x80, s26, s20, $0xb8;
	[tilespmem:$0x1C400] =	vst v63  }
0x3b: {  	_ =	swait.ge [sflag:s17], $0x4000  }
0x3c: {  	p0 =	seq.s32 s30, $0x2900;
	[sflag:s17] =	ssyncset.done $0x0  }
0x3d: {  	s31 =	simm.s32 @p0 $0x1;
	[sflag:s17] =	ssyncadd.s32 $0xFFFFC000  }
0x3e: {  	_ =	swait.ge @p0 [sflag:s31], $0x4000  }
0x3f: {  	s0 =	simm.s32 @p0 $0x280;
	[sflag:s31] =	ssyncset.done @p0 $0x0  }
0x40: {  	s1 =	simm.s32 @p0 $0x4400;
	[sflag:s31] =	ssyncadd.s32 @p0 $0xFFFFC000;
	s31 =	simm.s32 @p0 $0x80  }
0x41: {  	[tilespmem:s1], [sflag:$0x2] =	stream.indirect.gather @p0 [hbm4b:s5+s31], $0x80, s0, s31, $0xb8;
	[tilespmem:$0x1C400] =	vst v63  }
0x42: {  	s0 =	simm.s32 @p0 $0x300;
	s1 =	simm.s32 @p0 $0x400  }
0x43: {  	[spmem:s3] =	stream.indirect.scatter.add.f32 @p0 [tilespmem:s1], [sflag:$0x5], $0x80, s0, s31, $0xb8;
	[tilespmem:$0x1C400] =	vst v63  }
0x44: {  	s0 =	simm.s32 @p0 $0x5  }
0x45: {  	_ =	swait.ge @p0 [sflag:s0], $0x4000  }
0x46: {  	s1 =	sadd.s32 @!p0 $0xFFFFFF00, s30;
	[sflag:s0] =	ssyncset.done @p0 $0x0  }
0x47: {  	[sflag:s0] =	ssyncadd.s32 @p0 $0xFFFFC000;
	s0 =	sand.u32 @!p0 $0x7C00, s1  }
0x48: {  	s31 =	simm.s32 @p0 $0x2;
	s1 =	sand.u32 @!p0 $0x200, s1;
	s0 =	sadd.s32 @!p0 s7, s0  }
0x49: {  	_ =	swait.ge @p0 [sflag:s31], $0x4000;
	s0 =	sor.u32 @!p0 s1, s0  }
0x4a: {  	[sflag:s31] =	ssyncset.done @p0 $0x0;
	s0 =	sshrl.u32 @!p0 s0, $0x3  }
0x4b: {  	[sflag:s31] =	ssyncadd.s32 @p0 $0xFFFFC000;
	s31 =	simm.s32 @!p0 $0x0;
	s1 =	sadd.s32 @!p0 s6, s0  }
0x4c: {  	[tilespmem:s31], [sflag:$0x3] =	stream.linear.gather @!p0 [hbm4b:s1+s31], $0x100, $0x38;
	[tilespmem:$0x1C400] =	vst v63  }
0x4d: {  	s0 =	sadd.s32 @!p0 s2, s0;
	s1 =	simm.s32 @!p0 $0x100  }
0x4e: {  	[tilespmem:s1], [sflag:$0x3] =	stream.linear.gather @!p0 [hbm4b:s0+s31], $0x100, $0x38;
	[tilespmem:$0x1C400] =	vst v63  }
0x4f: {  	s0 =	simm.s32 @!p0 $0x1  }
0x50: {  	_ =	swait.ge @!p0 [sflag:s0], $0x4000  }
0x51: {  	s8 =	simm.s32 @!p0 $0x4400;
	[sflag:s0] =	ssyncset.done @!p0 $0x0  }
0x52: {  	s1 =	simm.s32 @!p0 $0x280;
	[sflag:s0] =	ssyncadd.s32 @!p0 $0xFFFFC000;
	s0 =	simm.s32 @!p0 $0x80  }
0x53: {  	[tilespmem:s8], [sflag:$0x2] =	stream.indirect.gather @!p0 [hbm4b:s5+s0], $0x80, s1, s0, $0xb8;
	[tilespmem:$0x1C400] =	vst v63  }
0x54: {  	s10 =	simm.s32 @!p0 $0x5;
	s1 =	simm.s32 @!p0 $0x300;
	s8 =	simm.s32 @!p0 $0x400  }
0x55: {  	[spmem:s3] =	stream.indirect.scatter.add.f32 @!p0 [tilespmem:s8], [sflag:$0x5], $0x80, s1, s0, $0xb8;
	[tilespmem:$0x1C400] =	vst v63  }
0x56: {  	_ =	swait.ge @!p0 [sflag:s10], $0x4000  }
0x57: {  	[sflag:s10] =	ssyncset.done @!p0 $0x0  }
0x58: {  	[sflag:s10] =	ssyncadd.s32 @!p0 $0xFFFFC000;
	s10 =	simm.s32 @!p0 $0x3  }
0x59: {  	_ =	swait.ge @!p0 [sflag:s10], $0x100  }
0x5a: {  	[sflag:s10] =	ssyncset.done @!p0 $0x0  }
0x5b: {  	[sflag:s10] =	ssyncadd.s32 @!p0 $0xFFFFFF00  }
0x5c: {  	_ =	swait.ge @!p0 [sflag:s10], $0x100  }
0x5d: {  	[sflag:s10] =	ssyncset.done @!p0 $0x0  }
0x5e: {  	[sflag:s10] =	ssyncadd.s32 @!p0 $0xFFFFFF00;
	s10 =	simm.s32 @!p0 $0x2  }
0x5f: {  	_ =	swait.ge @!p0 [sflag:s10], $0x4000  }
0x60: {  	[sflag:s10] =	ssyncset.done @!p0 $0x0  }
0x61: {  	[sflag:s10] =	ssyncadd.s32 @!p0 $0xFFFFC000  }
0x62: {  	[tilespmem:s8], [sflag:$0x1] =	stream.indirect.gather @!p0 [hbm4b:s5+s0], $0x80, s31, s0, $0xb8;
	[tilespmem:$0x1C400] =	vst v63  }
0x63: {  	s0 =	sand.u32 @!p0 $0x7C00, s30  }
0x64: {  	s8 =	sand.u32 @!p0 $0x300, s30;
	s0 =	sadd.s32 @!p0 s7, s0  }
0x65: {  	[spmem:s3] =	stream.indirect.scatter.add.f32 [tilespmem:s23], [sflag:$0x5], $0x80, s28, s20, $0xb8;
	[tilespmem:$0x1C400] =	vst v63  }
0x66: {  	s0 =	sor.u32 @!p0 s8, s0;
	_ =	swait.ge [sflag:s17], $0x4000  }
0x67: {  	s10 =	simm.s32 @!p0 $0x200;
	s0 =	sshrl.u32 @!p0 s0, $0x3;
	[sflag:s17] =	ssyncset.done $0x0  }
0x68: {  	s30 =	sadd.s32 @!p0 $0x200, s30;
	s8 =	sadd.s32 @!p0 s6, s0;
	[sflag:s17] =	ssyncadd.s32 $0xFFFFC000  }
0x69: {  	[tilespmem:s10], [sflag:$0x4] =	stream.linear.gather @!p0 [hbm4b:s8+s31], $0x100, $0x38;
	[tilespmem:$0x1C400] =	vst v63  }
0x6a: {  	p1 =	sne.s32 @!p0 s30, $0x2B00;
	s0 =	sadd.s32 @!p0 s2, s0  }
0x6b: {  	[tilespmem:s1], [sflag:$0x4] =	stream.linear.gather @!p0 [hbm4b:s0+s31], $0x100, $0x38;
	[tilespmem:$0x1C400] =	vst v63  }
0x6c: {  	p0 =	por p0, !p1  }
.Ltmp0:
0x6d: {  	_ = 	snop;
	(pc) =	sbr.rel @!p0 .LBB2_2-.Ltmp0, $1  }
0x6e: {  	_ =	sdelay $0x3  }
0x6f: {  	s29 =	sadd.s32 $0x1, s29  }
0x70: {  	p0 =	sne.s32 s29, s15  }
.Ltmp1:
0x71: {  	[bflag:$0x0] =	sbarrier.arrive $0xFFFF;
	(pc) =	sbr.rel @p0 .LBB2_1-.Ltmp1, $4  }
0x72: {  	[hbm:s14], [sflag:s9] =	dma.local [spmem:s16], $0x2800  }
0x73: {  	_ =	swait.ge [sflag:s17], $0x2800  }
0x74: {  	[sflag:s17] =	ssyncset.done $0x0  }
0x75: {  	[sflag:s17] =	ssyncadd.s32 $0xFFFFD800  }
0x76: {  	_ =	sfence.sel $0x180000  }
0x77: {  	[bflag:$0x0] =	sbarrier.arrive $0xFFFF  }
0x78: {  	_ =	strace $0x9000004D  }
0x79: {  	s0 =	stileid.u32;
	[bflag:$0x2] =	sbarrier.arrive $0xFFFF  }
0x7a: {  	p0 =	sne.s32 s0, $0x0;
	s0 =	rddreg [dreg:$0x3]  }
0x7b: {  	s0 =	sadd.s32 @!p0 $0x100000, s0  }
0x7c: {  	[sflag:s0] =	ssyncadd.tile.s32 @!p0 $0x1;
	_ =	shalt  }
.Lfunc_end2:
_tile_overlayer_lowered:
.L_overlay_start_2:
0x7d: {  	(tag) =	ssettag $0x2  }
0x7e: {  	s0 =	rddreg [dreg:$0x0];
	s2 =	stileid.u32  }
0x7f: {  	s1 =	rddreg [dreg:$0x1];
	p0 =	sne.s32 s2, $0x0  }
0x80: {  	s3 =	rddreg [dreg:$0x2];
	[bflag:$0x3] =	sbarrier.arrive $0xFFFF;
	s2 =	simm.s32 @!p0 $0x1C05  }
0x81: {  	[timem:s3], [sflag:s2] =	dma.local @!p0 [hbm:s0], s1  }
0x82: {  	s0 =	simm.s32 @!p0 $0x5  }
0x83: {  	_ =	swait.ge @!p0 [sflag:s0], s1  }
0x84: {  	s1 =	ssub.s32 @!p0 $0x0, s1;
	[sflag:s0] =	ssyncset.done @!p0 $0x0  }
0x85: {  	[sflag:s0] =	ssyncadd.s32 @!p0 s1  }
0x86: {  	[bflag:$0x3] =	sbarrier.arrive $0xFFFF  }
0x87: {  	_ =	shalt  }

// kernel: kernel.8.cloned.1.call-start
scs
__scs_entry_jumppad:
0x0: {  	(pc) =	sbr.rel $0x88, $3  }
0x1: {  	(tag) =	ssettag $0x0;
	lr =	simm.s32 $0x1  }
0x2: {  	[smem:$0x3F96] =	sst lr;
	_ =	strace $0xD0000000  }
0x3: {  	_ = 	snop  }
0x4: {  	_ = 	snop  }
0x5: {  	_ = 	snop  }
0x6: {  	_ = 	snop  }
0x7: {  	_ = 	snop  }
__scs_overlays_trampoline_lowered:
0x8: {  	[smem:$0x3FA5] =	sst s0  }
0x9: {  	[smem:$0x3FA6] =	sst s1  }
0xa: {  	[smem:$0x3FA7] =	sst s2  }
0xb: {  	[smem:$0x3FA8] =	sst s3  }
0xc: {  	[smem:$0x3FA9] =	sst s4  }
0xd: {  	[smem:$0x3FAA] =	sst s5  }
0xe: {  	[smem:$0x3FAB] =	sst s6  }
0xf: {  	[smem:$0x3FAC] =	sst s7  }
0x10: {  	[smem:$0x3FAD] =	sst s8  }
0x11: {  	[smem:$0x3FAE] =	sst s9;
	s0 =	simm.s32 @!p0 $0x0  }
0x12: {  	s1 =	sld [smem:$0x3F94];
	s0 =	simm.s32 @p0 $0x1  }
0x13: {  	[smem:$0x3FAF] =	sst s0;
	s0 =	simm.s32 @!p1 $0x0  }
0x14: {  	s2 =	sld [smem:$0x3F93];
	s0 =	simm.s32 @p1 $0x1  }
0x15: {  	[smem:$0x3FB0] =	sst s0;
	s0 =	simm.s32 @!p2 $0x0  }
0x16: {  	s3 =	sld [smem:$0x3FDB];
	s0 =	simm.s32 @p2 $0x1  }
0x17: {  	s4 =	simm.s32 $0x1BF5;
	[smem:$0x3FB2] =	sst s0  }
0x18: {  	s0 =	sld [smem:$0x3F95];
	_ =	swait.ge [sflag:s4], $0x0  }
0x19: {  	s7 =	sld [smem:$0x3F96]  }
0x1a: {  	s8 =	sadd.s32 $0xFFFFE003, lr  }
0x1b: {  	s9 =	sadd.s32 $0xFFFFFEF7, lr;
	s5 =	simm.s32 $0xFFFFFFFF;
	p2 =	slt.u32 s8, $0xFFFFF086  }
0x1c: {  	p1 =	slt.u32 s9, $0xF7A;
	s5 =	simm.s32 @!p2 $0x0  }
0x1d: {  	s5 =	simm.s32 @p1 $0x1;
	p0 =	seq.s32 s7, s2  }
0x1e: {  	s7 =	smul.u32 @!p0 $0xF7A, s2;
	p2 =	seq.s32 @!p0 s5, $0x0  }
0x1f: {  	s9 =	smul.u32 $0xF7A, s1;
	s8 =	simm.s32 @!p0 $0x1BF5;
	p2 =	por !p2, p0  }
0x20: {  	[sflag:s8] =	ssyncset.s32 @!p0 $0xFFFFF086;
	s6 =	sadd.s32 @!p0 s3, s7;
	s7 =	simm.s32 @!p0 $0x108  }
0x21: {  	s3 =	sadd.s32 s3, s9;
	s6 =	sadd.s32 @!p0 $0x88, s6;
	s7 =	simm.s32 @p2 $0x1082  }
0x22: {  	[simem:s7], [sflag:s8] =	dma.local @!p0 [hbm:s6], $0xF7A  }
0x23: {  	s9 =	sor.u32 $0xD0000000, s2;
	s6 =	simm.s32 $0x108;
	_ =	swait.ge @!p0 [sflag:s8], $0x0  }
0x24: {  	s3 =	sadd.s32 $0x88, s3;
	s6 =	simm.s32 @!p1 $0x1082;
	[sflag:s4] =	ssyncset.s32 $0xFFFFF086  }
0x25: {  	[simem:s6], [sflag:s4] =	dma.local [hbm:s3], $0xF7A  }
0x26: {  	[smem:$0x3F96] =	sst s1;
	(tag) =	ssettag s2;
	_ =	strace s9  }
0x27: {  	s1 =	sld [smem:$0x3FA6]  }
0x28: {  	s2 =	sld [smem:$0x3FA7]  }
0x29: {  	s4 =	sld [smem:$0x3FA9]  }
0x2a: {  	p0 =	seq.s32 s5, $0x0;
	s5 =	sld [smem:$0x3FAA]  }
0x2b: {  	s6 =	sld [smem:$0x3FAB]  }
0x2c: {  	s7 =	sld [smem:$0x3FAC]  }
0x2d: {  	s3 =	simm.s32 $0x108;
	s8 =	sld [smem:$0x3FAD]  }
0x2e: {  	s3 =	simm.s32 @!p0 $0x1082;
	s9 =	sld [smem:$0x3FAE]  }
0x2f: {  	lr =	sadd.s32 s0, s3;
	s0 =	sld [smem:$0x3FA5]  }
0x30: {  	s3 =	sld [smem:$0x3FA8]  }
0x31: {  	[smem:$0x3FB1] =	sst s10  }
0x32: {  	s10 =	sld [smem:$0x3FAF];
	_ =	sdelay $0x3  }
0x33: {  	p0 =	seq.s32 s10, $0x1;
	s10 =	sld [smem:$0x3FB1];
	_ =	sdelay $0x3  }
0x34: {  	[smem:$0x3FB1] =	sst s10  }
0x35: {  	s10 =	sld [smem:$0x3FB0];
	_ =	sdelay $0x3  }
0x36: {  	p1 =	seq.s32 s10, $0x1;
	s10 =	sld [smem:$0x3FB1];
	_ =	sdelay $0x3  }
0x37: {  	[smem:$0x3FB1] =	sst s10  }
0x38: {  	s10 =	sld [smem:$0x3FB2]  }
0x39: {  	_ = 	snop;
	(pc) =	sbr.ind lr, $3  }
0x3a: {  	_ = 	snop  }
0x3b: {  	_ = 	snop  }
0x3c: {  	p2 =	seq.s32 s10, $0x1;
	s10 =	sld [smem:$0x3FB1]  }
0x3d: {  	_ =	shalt  }
0x3e: {  	_ =	shalt  }
0x3f: {  	_ =	shalt  }
0x40: {  	_ =	shalt  }
0x41: {  	_ =	shalt  }
0x42: {  	_ =	shalt  }
0x43: {  	_ =	shalt  }
0x44: {  	_ =	shalt  }
0x45: {  	_ =	shalt  }
0x46: {  	_ =	shalt  }
0x47: {  	_ =	shalt  }
0x48: {  	_ =	shalt  }
0x49: {  	_ =	shalt  }
0x4a: {  	_ =	shalt  }
0x4b: {  	_ =	shalt  }
0x4c: {  	_ =	shalt  }
0x4d: {  	_ =	shalt  }
0x4e: {  	_ =	shalt  }
0x4f: {  	_ =	shalt  }
0x50: {  	_ =	shalt  }
0x51: {  	_ =	shalt  }
0x52: {  	_ =	shalt  }
0x53: {  	_ =	shalt  }
0x54: {  	_ =	shalt  }
0x55: {  	_ =	shalt  }
0x56: {  	_ =	shalt  }
0x57: {  	_ =	shalt  }
0x58: {  	_ =	shalt  }
0x59: {  	_ =	shalt  }
0x5a: {  	_ =	shalt  }
0x5b: {  	_ =	shalt  }
0x5c: {  	_ =	shalt  }
0x5d: {  	_ =	shalt  }
0x5e: {  	_ =	shalt  }
0x5f: {  	_ =	shalt  }
0x60: {  	_ =	shalt  }
0x61: {  	_ =	shalt  }
0x62: {  	_ =	shalt  }
0x63: {  	_ =	shalt  }
0x64: {  	_ =	shalt  }
0x65: {  	_ =	shalt  }
0x66: {  	_ =	shalt  }
0x67: {  	_ =	shalt  }
0x68: {  	_ =	shalt  }
0x69: {  	_ =	shalt  }
0x6a: {  	_ =	shalt  }
0x6b: {  	_ =	shalt  }
0x6c: {  	_ =	shalt  }
0x6d: {  	_ =	shalt  }
0x6e: {  	_ =	shalt  }
0x6f: {  	_ =	shalt  }
0x70: {  	_ =	shalt  }
0x71: {  	_ =	shalt  }
0x72: {  	_ =	shalt  }
0x73: {  	_ =	shalt  }
0x74: {  	_ =	shalt  }
0x75: {  	_ =	shalt  }
0x76: {  	_ =	shalt  }
0x77: {  	_ =	shalt  }
0x78: {  	_ =	shalt  }
0x79: {  	_ =	shalt  }
0x7a: {  	_ =	shalt  }
0x7b: {  	_ =	shalt  }
0x7c: {  	_ =	shalt  }
0x7d: {  	_ =	shalt  }
0x7e: {  	_ =	shalt  }
0x7f: {  	_ =	shalt  }
0x80: {  	_ =	shalt  }
0x81: {  	_ =	shalt  }
0x82: {  	_ =	shalt  }
0x83: {  	_ =	shalt  }
0x84: {  	_ =	shalt  }
0x85: {  	_ =	shalt  }
0x86: {  	_ =	shalt  }
0x87: {  	_ =	shalt  }
.Lfunc_end0:
.L_simem_size_0:
called_computation_lowered:
.L_overlay_start_0:
0x88: {  	s2 =	sld [smem:$0x3FD9]  }
0x89: {  	s3 =	sld [smem:$0x3FFE];
	_ =	sdelay $0x1  }
0x8a: {  	s1 =	srdreg.scid  }
0x8b: {  	s0 =	sand.u32 $0x1, s1  }
0x8c: {  	s17 =	sshll.u32 s0, $0xA;
	s2 =	sadd.s32 s3, s2  }
0x8d: {  	s2 =	sadd.s32 s2, s17  }
0x8e: {  	[smem:$0x3FBD] =	sst s2  }
0x8f: {  	_ = 	snop  }
0x90: {  	s2 =	sld [smem:$0x3FD0];
	(tm) =	ssettm $0x1  }
0x91: {  	s18 =	sld [smem:$0x3FFB];
	_ =	sdelay $0x3  }
0x92: {  	_ =	strace s18  }
0x93: {  	s3 =	sld [smem:$0x3FFC];
	_ =	sdelay $0x3  }
0x94: {  	_ =	strace s3  }
0x95: {  	s3 =	sld [smem:$0x3FFD];
	_ =	sdelay $0x3  }
0x96: {  	_ =	strace s3  }
0x97: {  	_ =	strace $0x8FFFFFFF  }
0x98: {  	s19 =	sld [smem:$0x3FDB];
	_ =	sdelay $0x1  }
0x99: {  	s4 =	simm.s32 $_scs_section_size  }
0x9a: {  	s5 =	simm.s32 $_size__tile_overlayer_lowered;
	s6 =	simm.s32 $_tile_overlayer_lowered  }
0x9b: {  	s22 =	simm.s32 $0x1BFF;
	s21 =	sshll.u32 s6, $0x1;
	s3 =	sadd.s32 s4, s19  }
0x9c: {  	s7 =	simm.s32 $0x0;
	s20 =	sshll.u32 s5, $0x1;
	s5 =	sadd.s32 s21, s3  }
0x9d: {  	[timem:s7], [sflag:s22] =	dma.local [hbm:s5], s20  }
0x9e: {  	_ =	swait.ge [sflag:s22], s20  }
0x9f: {  	s4 =	ssub.s32 $0x0, s20;
	[sflag:s22] =	ssyncset.done $0x0  }
0xa0: {  	[sflag:s22] =	ssyncadd.s32 s4;
	_ =	sdelay $0x1  }
0xa1: {  	s23 =	simm.s32 $0x1B8B  }
0xa2: {  	_ =	swait.ge [sflag:s23], $0x1  }
0xa3: {  	[sflag:s23] =	ssyncset.done $0x0  }
0xa4: {  	s25 =	simm.s32 $0x1B8E;
	s24 =	sld [smem:$0x3FFE];
	[sflag:s23] =	ssyncadd.s32 $0xFFFFFFFF  }
0xa5: {  	s26 =	simm.s32 $execute0_lowered;
	[smem:$0x3FD2] =	sst s25  }
0xa6: {  	s5 =	sshll.u32 s26, $0x1;
	_ =	strace $0x80000046;
	[dreg:$0x1] =	wrdreg $0xFFFFFFFF  }
0xa7: {  	s28 =	simm.s32 $_size_execute0_lowered;
	s3 =	sadd.s32 s3, s5;
	[dreg:$0x0] =	wrdreg $0x0  }
0xa8: {  	s5 =	sshll.u32 s28, $0x1;
	[dreg:$0x2] =	wrdreg s3  }
0xa9: {  	[dreg:$0x3] =	wrdreg s5  }
0xaa: {  	[dreg:$0x4] =	wrdreg $0xC0  }
0xab: {  	_ =	task [dreg:s7], $0x5FFFF  }
0xac: {  	[dreg:$0x1] =	wrdreg $0xFFFFFFFF  }
0xad: {  	[dreg:$0x0] =	wrdreg $0x60  }
0xae: {  	[dreg:$0x2] =	wrdreg s2  }
0xaf: {  	[dreg:$0x3] =	wrdreg s24  }
0xb0: {  	[dreg:$0x4] =	wrdreg $0x2B000  }
0xb1: {  	[dreg:$0x5] =	wrdreg $0x9  }
0xb2: {  	_ =	task.clear_ibuf [dreg:s7], $0x6FFFF;
	_ =	strace $0x90000046  }
0xb3: {  	s29 =	simm.s32 $0x9;
	_ =	strace $0x80000048  }
0xb4: {  	_ =	swait.ge [sflag:s29], $0x1  }
0xb5: {  	[sflag:s29] =	ssyncadd.s32 $0xFFFFFFFF  }
0xb6: {  	_ =	strace $0x90000048  }
0xb7: {  	_ =	sfence  }
0xb8: {  	s30 =	sld [smem:$0x0];
	_ =	sdelay $0x2  }
0xb9: {  	s31 =	sshll.u32 s1, $0xD;
	s1 =	sshrl.u32 s1, $0x2  }
0xba: {  	s3 =	sand.u32 $0x4000, s31;
	s1 =	sadd.s32 s1, s30  }
0xbb: {  	s0 =	sor.u32 s3, s0;
	s1 =	sshll.u32 s1, $0x11  }
0xbc: {  	s0 =	sor.u32 s1, s0  }
0xbd: {  	s0 =	sadd.s32 $0x8F2B, s0  }
0xbe: {  	[sflag:s0] =	ssyncadd.remote.s32 $0x1  }
0xbf: {  	_ =	sfence.sel $0xFFFF  }
0xc0: {  	[dreg:$0x0] =	wrdreg $0xFFFFFFFF;
	(pc) =	sbr.abs _section_cstart, $3  }
0xc1: {  	[dreg:$0x1] =	wrdreg $0xFFFFFFFF  }
0xc2: {  	_ =	task.clear_ibuf [dreg:s7], $0x2FFFF;
	_ =	strace $0x9FFFFFFF  }
0xc3: {  	(tm) =	ssettm $0x7FFFFFFF  }
tec
execute0_lowered:
.L_overlay_start_1:
0x0: {  	(tag) =	ssettag $0x1  }
0x1: {  	s5 =	rddreg [dreg:$0x0]  }
0x2: {  	s4 =	rddreg [dreg:$0x1]  }
0x3: {  	s2 =	rddreg [dreg:$0x2]  }
0x4: {  	s0 =	rddreg [dreg:$0x3]  }
0x5: {  	s3 =	simm.s32 $0x0;
	s6 =	srdreg.scid;
	s1 =	stileid.u32  }
0x6: {  	s11 =	simm.s32 $0x2800;
	s14 =	simm.s32 $0x20;
	s15 =	simm.s32 $0x10  }
0x7: {  	s16 =	simm.s32 $0x0;
	[smem:$0x7FF] =	sst s3;
	s7 =	smul.u32 $0x500, s1  }
0x8: {  	s6 =	sand.u32 $0x1, s6;
	s9 =	sshll.u32 s1, $0x1;
	s30 =	smul.u32 $0xA00, s1  }
0x9: {  	s12 =	sshll.u32 s1, $0x6;
	_ =	strace $0x80000047;
	s8 =	sshll.u32 s6, $0x7  }
0xa: {  	s9 =	sor.u32 s6, s9;
	s6 =	ssub.s32 $0x2, s6;
	s12 =	sor.u32 $0x1C01, s12  }
0xb: {  	s7 =	sor.u32 s8, s7;
	s9 =	smul.u32 $0x500, s9;
	s31 =	sshrl.u32 s6, $0x1  }
0xc: {  	s8 =	sshrl.u32 s30, $0x2;
	s7 =	sshrl.u32 s7, $0x3;
	s10 =	ssub.s32 s6, s31  }
0xd: {  	s7 =	sadd.s32 s7, s4;
	s4 =	sadd.s32 s8, s2;
	s5 =	sadd.s32 s5, s9  }
0xe: {  	s8 =	simm.s32 $0x2880;
	s9 =	simm.s32 $0x1;
	s6 =	sadd.s32 $0x2A00, s7  }
0xf: {  	v0 =	vimm.f32 $1.000000000e+00;
	v1 =	vimm.f32 $0.0e+00;
	s7 =	smax.u32 s10, $0x1;
	s10 =	simm.s32 $0x80;
	s13 =	sshrl.u32 s4, $0x3  }
.LBB2_1:
0x10: {  	[tilespmem:$0x2800] =	vst v0  }
0x11: {  	[tilespmem:$0x2810] =	vst v0  }
0x12: {  	[tilespmem:$0x2820] =	vst v0  }
0x13: {  	[tilespmem:$0x2830] =	vst v0  }
0x14: {  	[tilespmem:$0x2840] =	vst v0  }
0x15: {  	[tilespmem:$0x2850] =	vst v0  }
0x16: {  	[tilespmem:$0x2860] =	vst v0  }
0x17: {  	[tilespmem:$0x2870] =	vst v0  }
0x18: {  	[tilespmem:$0x2880] =	vst v1  }
0x19: {  	[tilespmem:$0x2890] =	vst v1  }
0x1a: {  	[tilespmem:$0x28A0] =	vst v1  }
0x1b: {  	[tilespmem:$0x28B0] =	vst v1  }
0x1c: {  	[tilespmem:$0x28C0] =	vst v1  }
0x1d: {  	[tilespmem:$0x28D0] =	vst v1  }
0x1e: {  	[tilespmem:$0x28E0] =	vst v1  }
0x1f: {  	[tilespmem:$0x28F0] =	vst v1  }
0x20: {  	[tilespmem:$0x2900] =	vst v1  }
0x21: {  	[tilespmem:$0x2910] =	vst v1  }
0x22: {  	[tilespmem:$0x2920] =	vst v1  }
0x23: {  	[tilespmem:$0x2930] =	vst v1  }
0x24: {  	[tilespmem:$0x2940] =	vst v1  }
0x25: {  	[tilespmem:$0x2950] =	vst v1  }
0x26: {  	[tilespmem:$0x2960] =	vst v1  }
0x27: {  	[tilespmem:$0x2970] =	vst v1  }
0x28: {  	[tilespmem:$0x2980] =	vst v1  }
0x29: {  	[tilespmem:$0x2990] =	vst v1  }
0x2a: {  	[tilespmem:$0x29A0] =	vst v1  }
0x2b: {  	[tilespmem:$0x29B0] =	vst v1  }
0x2c: {  	[tilespmem:$0x29C0] =	vst v1  }
0x2d: {  	[tilespmem:$0x29D0] =	vst v1  }
0x2e: {  	[tilespmem:$0x29E0] =	vst v1  }
0x2f: {  	[tilespmem:$0x29F0] =	vst v1  }
0x30: {  	[tilespmem:$0x2A00] =	vst v1  }
0x31: {  	[tilespmem:$0x2A10] =	vst v1  }
0x32: {  	[tilespmem:$0x2A20] =	vst v1  }
0x33: {  	[tilespmem:$0x2A30] =	vst v1  }
0x34: {  	[tilespmem:$0x2A40] =	vst v1  }
0x35: {  	[tilespmem:$0x2A50] =	vst v1  }
0x36: {  	[tilespmem:$0x2A60] =	vst v1  }
0x37: {  	[tilespmem:$0x2A70] =	vst v1  }
0x38: {  	[tilespmem:$0x2A80] =	vst v1  }
0x39: {  	[tilespmem:$0x2A90] =	vst v1  }
0x3a: {  	[tilespmem:$0x2AA0] =	vst v1  }
0x3b: {  	[tilespmem:$0x2AB0] =	vst v1  }
0x3c: {  	[tilespmem:$0x2AC0] =	vst v1  }
0x3d: {  	[tilespmem:$0x2AD0] =	vst v1  }
0x3e: {  	[tilespmem:$0x2AE0] =	vst v1  }
0x3f: {  	[tilespmem:$0x2AF0] =	vst v1  }
0x40: {  	[spmem:s4] =	stream.linear.scatter [tilespmem:s8], [sflag:$0x1], $0x280, $0x38;
	[tilespmem:$0x2D80] =	vst v63  }
0x41: {  	_ =	swait.ge [sflag:s9], $0x280  }
0x42: {  	[sflag:s9] =	ssyncset.done $0x0  }
0x43: {  	[sflag:s9] =	ssyncadd.s32 $0xFFFFFD80  }
0x44: {  	[tilespmem:s3], [sflag:$0x1] =	stream.linear.gather [hbm4b:s5+s3], $0x2800, $0x38;
	[tilespmem:$0x2D80] =	vst v63  }
0x45: {  	_ =	swait.ge [sflag:s9], $0x2800  }
0x46: {  	[sflag:s9] =	ssyncset.done $0x0  }
0x47: {  	[sflag:s9] =	ssyncadd.s32 $0xFFFFD800  }
0x48: {  	s17 =	simm.s32 $0x0;
	[bflag:$0x0] =	sbarrier.arrive $0xFFFF  }
0x49: {  	[spmem:s2] =	stream.indirect.scatter.add.f32 [tilespmem:s11], [sflag:$0x1], $0x1, s17, s10, $0xb8;
	[tilespmem:$0x2D80] =	vst v63  }
0x4a: {  	_ =	swait.ge [sflag:s9], $0x80  }
0x4b: {  	s17 =	simm.s32 $0x200;
	[sflag:s9] =	ssyncset.done $0x0  }
.LBB2_2:
0x4c: {  	s18 =	sshra.s32 s17, $0x2;
	[sflag:s9] =	ssyncadd.s32 $0xFFFFFF80;
	p0 =	sne.s32 s17, $0x9E00  }
0x4d: {  	[spmem:s2] =	stream.indirect.scatter.add.f32 [tilespmem:s11], [sflag:$0x1], $0x1, s18, s10, $0xb8;
	[tilespmem:$0x2D80] =	vst v63  }
.Ltmp0:
0x4e: {  	_ = 	snop;
	(pc) =	sbr.rel @p0 .LBB2_2-.Ltmp0, $4  }
0x4f: {  	_ = 	snop  }
0x50: {  	s17 =	sadd.s32 $0x200, s17  }
0x51: {  	_ =	swait.ge [sflag:s9], $0x80  }
0x52: {  	[sflag:s9] =	ssyncset.done $0x0  }
0x53: {  	s16 =	sadd.s32 $0x1, s16  }
0x54: {  	[sflag:s9] =	ssyncadd.s32 $0xFFFFFF80;
	p0 =	sne.s32 s16, s7  }
.Ltmp1:
0x55: {  	[bflag:$0x0] =	sbarrier.arrive $0xFFFF;
	(pc) =	sbr.rel @p0 .LBB2_1-.Ltmp1, $4  }
0x56: {  	[hbm:s6@s14], [sflag:s12] =	dma.strided [spmem:s13@s15], $0x50, s9, $0x10   }
0x57: {  	_ =	swait.ge [sflag:s9], $0x50  }
0x58: {  	[sflag:s9] =	ssyncset.done $0x0  }
0x59: {  	[sflag:s9] =	ssyncadd.s32 $0xFFFFFFB0  }
0x5a: {  	_ =	sfence.sel $0x180000  }
0x5b: {  	[bflag:$0x0] =	sbarrier.arrive $0xFFFF  }
0x5c: {  	p0 =	sne.s32 s1, $0x0;
	_ =	strace $0x90000047  }
0x5d: {  	s0 =	sadd.s32 @!p0 $0x100000, s0;
	[bflag:$0x2] =	sbarrier.arrive $0xFFFF  }
0x5e: {  	[sflag:s0] =	ssyncadd.tile.s32 @!p0 $0x1;
	_ =	shalt  }
.Lfunc_end2:
_tile_overlayer_lowered:
.L_overlay_start_2:
0x5f: {  	(tag) =	ssettag $0x2  }
0x60: {  	s0 =	rddreg [dreg:$0x0];
	s2 =	stileid.u32  }
0x61: {  	s1 =	rddreg [dreg:$0x1];
	p0 =	sne.s32 s2, $0x0  }
0x62: {  	s3 =	rddreg [dreg:$0x2];
	[bflag:$0x3] =	sbarrier.arrive $0xFFFF;
	s2 =	simm.s32 @!p0 $0x1C01  }
0x63: {  	[timem:s3], [sflag:s2] =	dma.local @!p0 [hbm:s0], s1  }
0x64: {  	s0 =	simm.s32 @!p0 $0x1  }
0x65: {  	_ =	swait.ge @!p0 [sflag:s0], s1  }
0x66: {  	s1 =	ssub.s32 @!p0 $0x0, s1;
	[sflag:s0] =	ssyncset.done @!p0 $0x0  }
0x67: {  	[sflag:s0] =	ssyncadd.s32 @!p0 s1  }
0x68: {  	[bflag:$0x3] =	sbarrier.arrive $0xFFFF  }
0x69: {  	_ =	shalt  }

</sc_bundles>
